<compile_context>
chip_gen: v7x
topology: tpu7x:2x2x1
jax: 0.10.2.dev20260603
libtpu: 0.0.44.dev20260713+nightly
codegen_flags: <defaults>
</compile_context>

<pallas_src>
import jax
import jax.numpy as jnp
from jax import lax
from jax.experimental import pallas as pl
from jax.experimental.pallas import tpu as pltpu
from jax.experimental.pallas import tpu_sc as plsc

N = 10000
E = 160000
NFEAT = 256
NHID = 256
H = 2
D = 128
L = 16
NSUB = 16
NP = 10240
NPT = NP // NSUB
ET = E // NSUB
B = 80
DW = 128
NR = NP // DW
NB = ET // B
GB = N // 10


def _proj_body(h_ref, w_ref, al_ref, ar_ref, feat_ref, sc_ref):
    hd = pl.program_id(0)
    fb = jnp.dot(h_ref[...], w_ref[...], preferred_element_type=jnp.float32)
    feat_ref[...] = fb
    el = jnp.sum(fb * al_ref[pl.ds(hd, 1), :], axis=1, keepdims=True)
    er = jnp.sum(fb * ar_ref[pl.ds(hd, 1), :], axis=1, keepdims=True)
    sc_ref[...] = jnp.concatenate([el, er], axis=1)


def _project(h, W, attn_l, attn_r):
    return pl.pallas_call(
        _proj_body,
        grid=(H, N // GB),
        in_specs=[
            pl.BlockSpec((GB, NFEAT), lambda hd, i: (i, 0)),
            pl.BlockSpec((NFEAT, D), lambda hd, i: (0, hd)),
            pl.BlockSpec((H, D), lambda hd, i: (0, 0)),
            pl.BlockSpec((H, D), lambda hd, i: (0, 0)),
        ],
        out_specs=[
            pl.BlockSpec((GB, D), lambda hd, i: (hd * (N // GB) + i, 0)),
            pl.BlockSpec((GB, 2), lambda hd, i: (hd * (N // GB) + i, 0)),
        ],
        out_shape=[
            jax.ShapeDtypeStruct((H * N, D), jnp.float32),
            jax.ShapeDtypeStruct((H * N, 2), jnp.float32),
        ],
    )(h, W, attn_l, attn_r)


HD = 64


def _gat_sc_body(feat_hbm, sc_hbm, src3_hbm, dst3_hbm, zz_hbm, out_hbm,
                 sc_v, src_v, dst_v, fidx_v, ee_v, den_v, rows_v, alpha_v,
                 ridx_v, out_sh, den_sh):
    c = lax.axis_index("c")
    s = lax.axis_index("s")

    pltpu.sync_copy(zz_hbm, out_sh.at[pl.ds(s * NPT, NPT)])
    pltpu.sync_copy(sc_hbm.at[pl.ds(c * (2 * N), 2 * N)], sc_v)
    pltpu.sync_copy(src3_hbm.at[s], src_v)
    pltpu.sync_copy(dst3_hbm.at[s], dst_v)

    zf = jnp.zeros((L,), jnp.float32)
    iota = lax.iota(jnp.int32, L)

    @pl.loop(0, NR // L)
    def _ridx(k):
        ridx_v[pl.ds(k * L, L)] = k * L + iota

    @pl.loop(0, NR)
    def _zero_den(r):
        @pl.loop(0, DW // L)
        def _zd(k):
            den_v[r, pl.ds(k * L, L)] = zf

    pltpu.sync_copy(den_v.at[pl.ds(s * (NR // NSUB), NR // NSUB)],
                    den_sh.at[pl.ds(s * (NR // NSUB), NR // NSUB)])
    plsc.subcore_barrier()

    oi = jnp.full((L,), 1, jnp.int32)
    m7 = jnp.full((L,), DW - 1, jnp.int32)
    s7 = jnp.full((L,), 7, jnp.int32)
    coff2 = c * (2 * N)

    @pl.loop(0, NB)
    def _phase1(jb):
        @pl.loop(0, B // L)
        def _inner(i):
            s16 = src_v[jb, pl.ds(i * L, L)]
            d16 = dst_v[jb, pl.ds(i * L, L)]
            fidx_v[jb, pl.ds(i * L, L)] = s16 + s16 + coff2
            el = plsc.load_gather(sc_v, [s16 + s16])
            er = plsc.load_gather(sc_v, [d16 + d16 + oi])
            e = el + er
            e = jnp.where(e >= 0.0, e, e * 0.2)
            ee = jnp.exp(e)
            ee_v[pl.ds(jb * B + i * L, L)] = ee
            plsc.addupdate_scatter(
                den_v, [lax.shift_right_logical(d16, s7), d16 & m7], ee)

    pltpu.sync_copy(den_v, den_sh.at[ridx_v], add=True)
    plsc.subcore_barrier()
    pltpu.sync_copy(den_sh, den_v)

    @pl.loop(0, NB)
    def _alphas(jb):
        @pl.loop(0, B // L)
        def _ainner(i):
            d16 = dst_v[jb, pl.ds(i * L, L)]
            den16 = plsc.load_gather(
                den_v, [lax.shift_right_logical(d16, s7), d16 & m7])
            ee16 = ee_v[pl.ds(jb * B + i * L, L)]
            alpha_v[pl.ds(jb * B + i * L, L)] = ee16 / den16

    for half in range(2):
        @pl.loop(0, NB)
        def _phase2(jb):
            pltpu.sync_copy(feat_hbm.at[fidx_v.at[jb]], rows_v)

            @pl.loop(0, B // L)
            def _scale(g):
                a16 = alpha_v[pl.ds(jb * B + g * L, L)]
                for lane in range(L):
                    e2 = g * L + lane
                    ab = jnp.full((L,), a16[lane], jnp.float32)
                    for r in range(HD // L):
                        sl = pl.ds(r * L, L)
                        rows_v[e2, sl] = rows_v[e2, sl] * ab

            pltpu.sync_copy(rows_v, out_sh.at[dst_v.at[jb]], add=True)

        plsc.subcore_barrier()
        pltpu.sync_copy(out_sh.at[pl.ds(s * NPT, NPT)],
                        out_hbm.at[c, pl.ds(s * NPT, NPT), half])
        if half == 0:
            pltpu.sync_copy(zz_hbm, out_sh.at[pl.ds(s * NPT, NPT)])

            @pl.loop(0, NB)
            def _bump(jb):
                @pl.loop(0, B // L)
                def _binner(i):
                    sl = pl.ds(i * L, L)
                    fidx_v[jb, sl] = fidx_v[jb, sl] + oi
            plsc.subcore_barrier()


_SC_MESH = plsc.VectorSubcoreMesh(core_axis_name="c", subcore_axis_name="s",
                                  num_cores=H, num_subcores=NSUB)

_gat_sc = pl.kernel(
    _gat_sc_body,
    out_type=jax.ShapeDtypeStruct((H, NP, 2, HD), jnp.float32),
    mesh=_SC_MESH,
    compiler_params=pltpu.CompilerParams(needs_layout_passes=False,
                                         use_tc_tiling_on_sc=False),
    scratch_types=[
        pltpu.VMEM((2 * N,), jnp.float32),
        pltpu.VMEM((NB, B), jnp.int32),
        pltpu.VMEM((NB, B), jnp.int32),
        pltpu.VMEM((NB, B), jnp.int32),
        pltpu.VMEM((ET,), jnp.float32),
        pltpu.VMEM((NR, DW), jnp.float32),
        pltpu.VMEM((B, HD), jnp.float32),
        pltpu.VMEM((ET,), jnp.float32),
        pltpu.VMEM((NR,), jnp.int32),
        pltpu.VMEM_SHARED((NP, HD), jnp.float32),
        pltpu.VMEM_SHARED((NR, DW), jnp.float32),
    ],
)


def _ln_body(o0_ref, o1_ref, b_ref, g_ref, bb_ref, x_ref):
    x = jnp.concatenate([o0_ref[...], o1_ref[...]], axis=1) + b_ref[...]
    mu = jnp.mean(x, axis=1, keepdims=True)
    xc = x - mu
    var = jnp.mean(xc * xc, axis=1, keepdims=True)
    x_ref[...] = xc * lax.rsqrt(var + 1e-5) * g_ref[...] + bb_ref[...]


def _layernorm(o0, o1, bias, gamma, beta):
    return pl.pallas_call(
        _ln_body,
        grid=(N // GB,),
        in_specs=[
            pl.BlockSpec((GB, D), lambda i: (i, 0)),
            pl.BlockSpec((GB, D), lambda i: (i, 0)),
            pl.BlockSpec((1, NHID), lambda i: (0, 0)),
            pl.BlockSpec((1, NHID), lambda i: (0, 0)),
            pl.BlockSpec((1, NHID), lambda i: (0, 0)),
        ],
        out_specs=pl.BlockSpec((GB, NHID), lambda i: (i, 0)),
        out_shape=jax.ShapeDtypeStruct((N, NHID), jnp.float32),
    )(o0, o1, bias.reshape(1, NHID), gamma.reshape(1, NHID),
      beta.reshape(1, NHID))


def kernel(h, edge_index, W, attn_l, attn_r, bias, gamma, beta):
    feat, sc = _project(h, W, attn_l, attn_r)
    src3 = edge_index[0].astype(jnp.int32).reshape(NSUB, NB, B)
    dst3 = edge_index[1].astype(jnp.int32).reshape(NSUB, NB, B)
    zz = jnp.zeros((NPT, HD), jnp.float32)
    featv = feat.reshape(2 * H * N, HD)
    out2 = _gat_sc(featv, sc.reshape(-1), src3, dst3, zz)
    out2 = out2.reshape(H, NP, D)
    return _layernorm(out2[0, :N], out2[1, :N], bias, gamma, beta)

# --- scband reference (transcript-rebuilt; emitter-appended) ---
"""Pipeline reference for scband-gat-layer-13271448945165 (READ-ONLY COPY).

The authoritative reference and input builder live on the scoring server;
editing this copy changes nothing except your own understanding.
"""

import jax, jax.numpy as jnp
import numpy as np

N = 10000
E = 160000
NFEAT = 256
NHID = 256
H = 2
D = NHID // 2


def setup_inputs(seed: int = 0) -> dict:
    key = jax.random.key(seed)
    ks = jax.random.split(key, 8)
    h = jax.random.normal(ks[0], (N, NFEAT), dtype=jnp.float32)
    edge_index = jax.random.randint(ks[1], (2, E), 0, N, dtype=jnp.int64)
    W = jax.random.normal(ks[2], (NFEAT, H * D), dtype=jnp.float32) * 0.05
    attn_l = jax.random.normal(ks[3], (H, D), dtype=jnp.float32) * 0.05
    attn_r = jax.random.normal(ks[4], (H, D), dtype=jnp.float32) * 0.05
    bias = jnp.zeros((H * D,), dtype=jnp.float32)
    gamma = jnp.ones((NHID,), dtype=jnp.float32)
    beta = jnp.zeros((NHID,), dtype=jnp.float32)
    return {"h": h, "edge_index": edge_index, "W": W, "attn_l": attn_l,
            "attn_r": attn_r, "bias": bias, "gamma": gamma, "beta": beta}


def reference(h, edge_index, W, attn_l, attn_r, bias, gamma, beta):
    # GATConv (DGL semantics): linear proj -> per-head attention logits ->
    # edge softmax over incoming edges at dst -> weighted aggregation + bias.
    feat = (h @ W).reshape(N, H, D)                       # [N, H, D]
    el = jnp.sum(feat * attn_l[None, :, :], axis=-1)      # [N, H]
    er = jnp.sum(feat * attn_r[None, :, :], axis=-1)      # [N, H]
    src = edge_index[0]
    dst = edge_index[1]
    e = el[src] + er[dst]                                 # [E, H]
    e = jax.nn.leaky_relu(e, negative_slope=0.2)
    emax = jax.ops.segment_max(e, dst, num_segments=N)    # [N, H]
    emax = jnp.where(jnp.isfinite(emax), emax, 0.0)
    emax = jax.lax.stop_gradient(emax)
    ee = jnp.exp(e - emax[dst])                           # [E, H]
    denom = jax.ops.segment_sum(ee, dst, num_segments=N)  # [N, H]
    denom_e = denom[dst]
    alpha = ee / jnp.where(denom_e > 0, denom_e, 1.0)     # [E, H]
    msg = feat[src] * alpha[:, :, None]                   # [E, H, D]
    out = jax.ops.segment_sum(msg, dst, num_segments=N)   # [N, H, D]
    x = out.reshape(N, H * D) + bias[None, :]             # [N, NHID]
    # LayerNorm
    mu = jnp.mean(x, axis=-1, keepdims=True)
    var = jnp.var(x, axis=-1, keepdims=True)
    x = (x - mu) / jnp.sqrt(var + 1e-5) * gamma[None, :] + beta[None, :]
    return x

if __name__ == "__main__":
    import jax
    _d = setup_inputs()
    print(jax.jit(kernel)(*tuple(_d.values())))

</pallas_src>

<mosaic_0001>
#map = affine_map<(d0, d1) -> (0, 0)>
#map1 = affine_map<(d0, d1) -> (0)>
#map2 = affine_map<(d0, d1) -> (0, 0, 0)>
#map3 = affine_map<(d0, d1) -> (0, 0, 0, 0)>
module attributes {stable_mosaic.version = 14 : i64} {
  func.func @_gat_sc_body(%arg0: i32, %arg1: i32, %arg2: memref<40000x64xf32, #tpu.memory_space<hbm>>, %arg3: memref<40000xf32, #tpu.memory_space<hbm>>, %arg4: memref<16x125x80xi32, #tpu.memory_space<hbm>>, %arg5: memref<16x125x80xi32, #tpu.memory_space<hbm>>, %arg6: memref<640x64xf32, #tpu.memory_space<hbm>>, %arg7: memref<2x10240x2x64xf32, #tpu.memory_space<hbm>>, %arg8: memref<20000xf32, #tpu.memory_space<vmem>>, %arg9: memref<125x80xi32, #tpu.memory_space<vmem>>, %arg10: memref<125x80xi32, #tpu.memory_space<vmem>>, %arg11: memref<125x80xi32, #tpu.memory_space<vmem>>, %arg12: memref<10000xf32, #tpu.memory_space<vmem>>, %arg13: memref<80x128xf32, #tpu.memory_space<vmem>>, %arg14: memref<80x64xf32, #tpu.memory_space<vmem>>, %arg15: memref<10000xf32, #tpu.memory_space<vmem>>, %arg16: memref<80xi32, #tpu.memory_space<vmem>>, %arg17: memref<10240x64xf32, #tpu.memory_space<vmem_shared>>, %arg18: memref<80x128xf32, #tpu.memory_space<vmem_shared>>) attributes {dimension_semantics = [#tpu.dimension_semantics<core_parallel>, #tpu.dimension_semantics<subcore_parallel>], iteration_bounds = array<i64: 2, 16>, scalar_prefetch = 0 : i64, scratch_operands = 11 : i64, tpu.core_type = #tpu.core_type<sc_vector_subcore>, window_params = [{transform_indices = #map}, {transform_indices = #map1}, {transform_indices = #map2}, {transform_indices = #map2}, {transform_indices = #map}, {transform_indices = #map3}]} {
    %mul3A = arith.constant 640 : i32
    %mul3A_0 = arith.muli %arg1, %mul3A : i32
    "tpu.region"() ({
      %run_scoped3A_65 = tpu.sem_alloc : memref<!tpu.dma_semaphore, #tpu.memory_space<semaphore_mem>>
      %dma_start3A = arith.constant 0 : i32
      %dma_start3A_66 = tpu.memref_slice %arg17[%mul3A_0, %dma_start3A] : memref<10240x64xf32, #tpu.memory_space<vmem_shared>> -> memref<640x64xf32, #tpu.memory_space<vmem_shared>>
      tpu.enqueue_dma source(%arg6 : memref<640x64xf32, #tpu.memory_space<hbm>>) target(%dma_start3A_66 : memref<640x64xf32, #tpu.memory_space<vmem_shared>>) target_semaphore(%run_scoped3A_65 : memref<!tpu.dma_semaphore, #tpu.memory_space<semaphore_mem>>)
      %dma_wait3A = arith.constant 0 : i32
      %dma_wait3A_67 = tpu.memref_slice %arg17[%mul3A_0, %dma_wait3A] : memref<10240x64xf32, #tpu.memory_space<vmem_shared>> -> memref<640x64xf32, #tpu.memory_space<vmem_shared>>
      tpu.wait_dma2 semaphore(%run_scoped3A_65 : memref<!tpu.dma_semaphore, #tpu.memory_space<semaphore_mem>>) src(%arg6 : memref<640x64xf32, #tpu.memory_space<hbm>>) dst(%dma_wait3A_67 : memref<640x64xf32, #tpu.memory_space<vmem_shared>>)
      tpu.yield
    }) : () -> ()
    %mul3A_1 = arith.constant 20000 : i32
    %mul3A_2 = arith.muli %arg0, %mul3A_1 : i32
    "tpu.region"() ({
      %run_scoped3A_65 = tpu.sem_alloc : memref<!tpu.dma_semaphore, #tpu.memory_space<semaphore_mem>>
      %dma_start3A = tpu.memref_slice %arg3[%mul3A_2] : memref<40000xf32, #tpu.memory_space<hbm>> -> memref<20000xf32, #tpu.memory_space<hbm>>
      %dma_start3A_66 = tpu.memref_slice %arg3[%mul3A_2] : memref<40000xf32, #tpu.memory_space<hbm>> -> memref<20000xf32, #tpu.memory_space<hbm>>
      tpu.enqueue_dma source(%dma_start3A_66 : memref<20000xf32, #tpu.memory_space<hbm>>) target(%arg8 : memref<20000xf32, #tpu.memory_space<vmem>>) target_semaphore(%run_scoped3A_65 : memref<!tpu.dma_semaphore, #tpu.memory_space<semaphore_mem>>)
      %dma_wait3A = tpu.memref_slice %arg3[%mul3A_2] : memref<40000xf32, #tpu.memory_space<hbm>> -> memref<20000xf32, #tpu.memory_space<hbm>>
      %dma_wait3A_67 = tpu.memref_slice %arg3[%mul3A_2] : memref<40000xf32, #tpu.memory_space<hbm>> -> memref<20000xf32, #tpu.memory_space<hbm>>
      tpu.wait_dma2 semaphore(%run_scoped3A_65 : memref<!tpu.dma_semaphore, #tpu.memory_space<semaphore_mem>>) src(%dma_wait3A_67 : memref<20000xf32, #tpu.memory_space<hbm>>) dst(%arg8 : memref<20000xf32, #tpu.memory_space<vmem>>)
      tpu.yield
    }) : () -> ()
    "tpu.region"() ({
      %run_scoped3A_65 = tpu.sem_alloc : memref<!tpu.dma_semaphore, #tpu.memory_space<semaphore_mem>>
      %dma_start3A = arith.constant 0 : i32
      %dma_start3A_66 = arith.constant 0 : i32
      %dma_start3A_67 = tpu.memref_slice %arg4[%arg1, %dma_start3A, %dma_start3A_66] : memref<16x125x80xi32, #tpu.memory_space<hbm>> -> memref<1x125x80xi32, #tpu.memory_space<hbm>>
      %dma_start3A_68 = tpu.memref_squeeze %dma_start3A_67 : memref<1x125x80xi32, #tpu.memory_space<hbm>> -> memref<125x80xi32, #tpu.memory_space<hbm>>
      %dma_start3A_69 = arith.constant 0 : i32
      %dma_start3A_70 = arith.constant 0 : i32
      %dma_start3A_71 = tpu.memref_slice %arg4[%arg1, %dma_start3A_69, %dma_start3A_70] : memref<16x125x80xi32, #tpu.memory_space<hbm>> -> memref<1x125x80xi32, #tpu.memory_space<hbm>>
      %dma_start3A_72 = tpu.memref_squeeze %dma_start3A_71 : memref<1x125x80xi32, #tpu.memory_space<hbm>> -> memref<125x80xi32, #tpu.memory_space<hbm>>
      tpu.enqueue_dma source(%dma_start3A_72 : memref<125x80xi32, #tpu.memory_space<hbm>>) target(%arg9 : memref<125x80xi32, #tpu.memory_space<vmem>>) target_semaphore(%run_scoped3A_65 : memref<!tpu.dma_semaphore, #tpu.memory_space<semaphore_mem>>)
      %dma_wait3A = arith.constant 0 : i32
      %dma_wait3A_73 = arith.constant 0 : i32
      %dma_wait3A_74 = tpu.memref_slice %arg4[%arg1, %dma_wait3A, %dma_wait3A_73] : memref<16x125x80xi32, #tpu.memory_space<hbm>> -> memref<1x125x80xi32, #tpu.memory_space<hbm>>
      %dma_wait3A_75 = tpu.memref_squeeze %dma_wait3A_74 : memref<1x125x80xi32, #tpu.memory_space<hbm>> -> memref<125x80xi32, #tpu.memory_space<hbm>>
      %dma_wait3A_76 = arith.constant 0 : i32
      %dma_wait3A_77 = arith.constant 0 : i32
      %dma_wait3A_78 = tpu.memref_slice %arg4[%arg1, %dma_wait3A_76, %dma_wait3A_77] : memref<16x125x80xi32, #tpu.memory_space<hbm>> -> memref<1x125x80xi32, #tpu.memory_space<hbm>>
      %dma_wait3A_79 = tpu.memref_squeeze %dma_wait3A_78 : memref<1x125x80xi32, #tpu.memory_space<hbm>> -> memref<125x80xi32, #tpu.memory_space<hbm>>
      tpu.wait_dma2 semaphore(%run_scoped3A_65 : memref<!tpu.dma_semaphore, #tpu.memory_space<semaphore_mem>>) src(%dma_wait3A_79 : memref<125x80xi32, #tpu.memory_space<hbm>>) dst(%arg9 : memref<125x80xi32, #tpu.memory_space<vmem>>)
      tpu.yield
    }) : () -> ()
    "tpu.region"() ({
      %run_scoped3A_65 = tpu.sem_alloc : memref<!tpu.dma_semaphore, #tpu.memory_space<semaphore_mem>>
      %dma_start3A = arith.constant 0 : i32
      %dma_start3A_66 = arith.constant 0 : i32
      %dma_start3A_67 = tpu.memref_slice %arg5[%arg1, %dma_start3A, %dma_start3A_66] : memref<16x125x80xi32, #tpu.memory_space<hbm>> -> memref<1x125x80xi32, #tpu.memory_space<hbm>>
      %dma_start3A_68 = tpu.memref_squeeze %dma_start3A_67 : memref<1x125x80xi32, #tpu.memory_space<hbm>> -> memref<125x80xi32, #tpu.memory_space<hbm>>
      %dma_start3A_69 = arith.constant 0 : i32
      %dma_start3A_70 = arith.constant 0 : i32
      %dma_start3A_71 = tpu.memref_slice %arg5[%arg1, %dma_start3A_69, %dma_start3A_70] : memref<16x125x80xi32, #tpu.memory_space<hbm>> -> memref<1x125x80xi32, #tpu.memory_space<hbm>>
      %dma_start3A_72 = tpu.memref_squeeze %dma_start3A_71 : memref<1x125x80xi32, #tpu.memory_space<hbm>> -> memref<125x80xi32, #tpu.memory_space<hbm>>
      tpu.enqueue_dma source(%dma_start3A_72 : memref<125x80xi32, #tpu.memory_space<hbm>>) target(%arg10 : memref<125x80xi32, #tpu.memory_space<vmem>>) target_semaphore(%run_scoped3A_65 : memref<!tpu.dma_semaphore, #tpu.memory_space<semaphore_mem>>)
      %dma_wait3A = arith.constant 0 : i32
      %dma_wait3A_73 = arith.constant 0 : i32
      %dma_wait3A_74 = tpu.memref_slice %arg5[%arg1, %dma_wait3A, %dma_wait3A_73] : memref<16x125x80xi32, #tpu.memory_space<hbm>> -> memref<1x125x80xi32, #tpu.memory_space<hbm>>
      %dma_wait3A_75 = tpu.memref_squeeze %dma_wait3A_74 : memref<1x125x80xi32, #tpu.memory_space<hbm>> -> memref<125x80xi32, #tpu.memory_space<hbm>>
      %dma_wait3A_76 = arith.constant 0 : i32
      %dma_wait3A_77 = arith.constant 0 : i32
      %dma_wait3A_78 = tpu.memref_slice %arg5[%arg1, %dma_wait3A_76, %dma_wait3A_77] : memref<16x125x80xi32, #tpu.memory_space<hbm>> -> memref<1x125x80xi32, #tpu.memory_space<hbm>>
      %dma_wait3A_79 = tpu.memref_squeeze %dma_wait3A_78 : memref<1x125x80xi32, #tpu.memory_space<hbm>> -> memref<125x80xi32, #tpu.memory_space<hbm>>
      tpu.wait_dma2 semaphore(%run_scoped3A_65 : memref<!tpu.dma_semaphore, #tpu.memory_space<semaphore_mem>>) src(%dma_wait3A_79 : memref<125x80xi32, #tpu.memory_space<hbm>>) dst(%arg10 : memref<125x80xi32, #tpu.memory_space<vmem>>)
      tpu.yield
    }) : () -> ()
    %broadcast_in_dim3A = arith.constant 0.000000e+00 : f32
    %broadcast_in_dim3A_3 = vector.broadcast %broadcast_in_dim3A : f32 to vector<16xf32>
    %iota3A = tpu.iota {dimensions = array<i32: 0>} : vector<16xi32>
    %scan3A = arith.constant 0 : i32
    %scan3A_4 = arith.constant 5 : i32
    %scan3A_5 = arith.addi %scan3A, %scan3A_4 : i32
    %scan3A_6 = arith.constant 1 : i32
    scf.for %scan3A_65 = %scan3A to %scan3A_5 step %scan3A_6  : i32 {
      %mul3A_66 = arith.constant 1 : i32
      %mul3A_67 = arith.muli %scan3A_65, %mul3A_66 : i32
      %add3A = arith.constant 0 : i32
      %add3A_68 = arith.addi %add3A, %mul3A_67 : i32
      %mul3A_69 = arith.constant 16 : i32
      %mul3A_70 = arith.muli %add3A_68, %mul3A_69 : i32
      %add3A_71 = vector.broadcast %mul3A_70 : i32 to vector<16xi32>
      %add3A_72 = arith.addi %add3A_71, %iota3A : vector<16xi32>
      %mul3A_73 = arith.constant 16 : i32
      %mul3A_74 = arith.muli %add3A_68, %mul3A_73 : i32
      %swap3A = arith.index_cast %mul3A_74 : i32 to index
      %swap3A_75 = tpu.vector_load %arg16[%swap3A] {strides = array<i32>} : memref<80xi32, #tpu.memory_space<vmem>>, vector<16xi32>,
      tpu.vector_store %arg16[%swap3A], %add3A_72 {strides = array<i32>} : memref<80xi32, #tpu.memory_space<vmem>>, vector<16xi32>,
    }
    %scan3A_7 = arith.constant 5 : i32
    %scan3A_8 = arith.constant 0 : i32
    %scan3A_9 = arith.constant 80 : i32
    %scan3A_10 = arith.addi %scan3A_8, %scan3A_9 : i32
    %scan3A_11 = arith.constant 1 : i32
    scf.for %scan3A_65 = %scan3A_8 to %scan3A_10 step %scan3A_11  : i32 {
      %mul3A_66 = arith.constant 1 : i32
      %mul3A_67 = arith.muli %scan3A_65, %mul3A_66 : i32
      %add3A = arith.constant 0 : i32
      %add3A_68 = arith.addi %add3A, %mul3A_67 : i32
      %scan3A_69 = arith.constant 0 : i32
      %scan3A_70 = arith.constant 8 : i32
      %scan3A_71 = arith.addi %scan3A_69, %scan3A_70 : i32
      %scan3A_72 = arith.constant 1 : i32
      scf.for %scan3A_74 = %scan3A_69 to %scan3A_71 step %scan3A_72  : i32 {
        %mul3A_75 = arith.constant 1 : i32
        %mul3A_76 = arith.muli %scan3A_74, %mul3A_75 : i32
        %add3A_77 = arith.constant 0 : i32
        %add3A_78 = arith.addi %add3A_77, %mul3A_76 : i32
        %mul3A_79 = arith.constant 16 : i32
        %mul3A_80 = arith.muli %add3A_78, %mul3A_79 : i32
        %swap3A = arith.index_cast %add3A_68 : i32 to index
        %swap3A_81 = arith.index_cast %mul3A_80 : i32 to index
        %swap3A_82 = tpu.vector_load %arg13[%swap3A, %swap3A_81] {strides = array<i32>} : memref<80x128xf32, #tpu.memory_space<vmem>>, vector<16xf32>,
        tpu.vector_store %arg13[%swap3A, %swap3A_81], %broadcast_in_dim3A_3 {strides = array<i32>} : memref<80x128xf32, #tpu.memory_space<vmem>>, vector<16xf32>,
      }
      %scan3A_73 = arith.constant 8 : i32
    }
    %scan3A_12 = arith.constant 80 : i32
    %mul3A_13 = arith.constant 5 : i32
    %mul3A_14 = arith.muli %arg1, %mul3A_13 : i32
    %mul3A_15 = arith.constant 5 : i32
    %mul3A_16 = arith.muli %arg1, %mul3A_15 : i32
    "tpu.region"() ({
      %run_scoped3A_65 = tpu.sem_alloc : memref<!tpu.dma_semaphore, #tpu.memory_space<semaphore_mem>>
      %dma_start3A = arith.constant 0 : i32
      %dma_start3A_66 = tpu.memref_slice %arg13[%mul3A_14, %dma_start3A] : memref<80x128xf32, #tpu.memory_space<vmem>> -> memref<5x128xf32, #tpu.memory_space<vmem>>
      %dma_start3A_67 = arith.constant 0 : i32
      %dma_start3A_68 = tpu.memref_slice %arg18[%mul3A_16, %dma_start3A_67] : memref<80x128xf32, #tpu.memory_space<vmem_shared>> -> memref<5x128xf32, #tpu.memory_space<vmem_shared>>
      %dma_start3A_69 = arith.constant 0 : i32
      %dma_start3A_70 = tpu.memref_slice %arg18[%mul3A_16, %dma_start3A_69] : memref<80x128xf32, #tpu.memory_space<vmem_shared>> -> memref<5x128xf32, #tpu.memory_space<vmem_shared>>
      %dma_start3A_71 = arith.constant 0 : i32
      %dma_start3A_72 = tpu.memref_slice %arg13[%mul3A_14, %dma_start3A_71] : memref<80x128xf32, #tpu.memory_space<vmem>> -> memref<5x128xf32, #tpu.memory_space<vmem>>
      tpu.enqueue_dma source(%dma_start3A_72 : memref<5x128xf32, #tpu.memory_space<vmem>>) target(%dma_start3A_70 : memref<5x128xf32, #tpu.memory_space<vmem_shared>>) target_semaphore(%run_scoped3A_65 : memref<!tpu.dma_semaphore, #tpu.memory_space<semaphore_mem>>)
      %dma_wait3A = arith.constant 0 : i32
      %dma_wait3A_73 = tpu.memref_slice %arg13[%mul3A_14, %dma_wait3A] : memref<80x128xf32, #tpu.memory_space<vmem>> -> memref<5x128xf32, #tpu.memory_space<vmem>>
      %dma_wait3A_74 = arith.constant 0 : i32
      %dma_wait3A_75 = tpu.memref_slice %arg18[%mul3A_16, %dma_wait3A_74] : memref<80x128xf32, #tpu.memory_space<vmem_shared>> -> memref<5x128xf32, #tpu.memory_space<vmem_shared>>
      %dma_wait3A_76 = arith.constant 0 : i32
      %dma_wait3A_77 = tpu.memref_slice %arg18[%mul3A_16, %dma_wait3A_76] : memref<80x128xf32, #tpu.memory_space<vmem_shared>> -> memref<5x128xf32, #tpu.memory_space<vmem_shared>>
      %dma_wait3A_78 = arith.constant 0 : i32
      %dma_wait3A_79 = tpu.memref_slice %arg13[%mul3A_14, %dma_wait3A_78] : memref<80x128xf32, #tpu.memory_space<vmem>> -> memref<5x128xf32, #tpu.memory_space<vmem>>
      tpu.wait_dma2 semaphore(%run_scoped3A_65 : memref<!tpu.dma_semaphore, #tpu.memory_space<semaphore_mem>>) src(%dma_wait3A_79 : memref<5x128xf32, #tpu.memory_space<vmem>>) dst(%dma_wait3A_77 : memref<5x128xf32, #tpu.memory_space<vmem_shared>>)
      tpu.yield
    }) : () -> ()
    %barrier3A = arith.constant 0 : index
    tpu.barrier barrier_id(%barrier3A)
    %broadcast_in_dim3A_17 = arith.constant 1 : i32
    %broadcast_in_dim3A_18 = vector.broadcast %broadcast_in_dim3A_17 : i32 to vector<16xi32>
    %broadcast_in_dim3A_19 = arith.constant 127 : i32
    %broadcast_in_dim3A_20 = vector.broadcast %broadcast_in_dim3A_19 : i32 to vector<16xi32>
    %broadcast_in_dim3A_21 = arith.constant 7 : i32
    %broadcast_in_dim3A_22 = vector.broadcast %broadcast_in_dim3A_21 : i32 to vector<16xi32>
    %mul3A_23 = arith.constant 20000 : i32
    %mul3A_24 = arith.muli %arg0, %mul3A_23 : i32
    %scan3A_25 = arith.constant 0 : i32
    %scan3A_26 = arith.constant 125 : i32
    %scan3A_27 = arith.addi %scan3A_25, %scan3A_26 : i32
    %scan3A_28 = arith.constant 1 : i32
    scf.for %scan3A_65 = %scan3A_25 to %scan3A_27 step %scan3A_28  : i32 {
      %mul3A_66 = arith.constant 1 : i32
      %mul3A_67 = arith.muli %scan3A_65, %mul3A_66 : i32
      %add3A = arith.constant 0 : i32
      %add3A_68 = arith.addi %add3A, %mul3A_67 : i32
      %scan3A_69 = arith.constant 0 : i32
      %scan3A_70 = arith.constant 5 : i32
      %scan3A_71 = arith.addi %scan3A_69, %scan3A_70 : i32
      %scan3A_72 = arith.constant 1 : i32
      scf.for %scan3A_74 = %scan3A_69 to %scan3A_71 step %scan3A_72  : i32 {
        %mul3A_75 = arith.constant 1 : i32
        %mul3A_76 = arith.muli %scan3A_74, %mul3A_75 : i32
        %add3A_77 = arith.constant 0 : i32
        %add3A_78 = arith.addi %add3A_77, %mul3A_76 : i32
        %mul3A_79 = arith.constant 16 : i32
        %mul3A_80 = arith.muli %add3A_78, %mul3A_79 : i32
        %get3A = arith.index_cast %add3A_68 : i32 to index
        %get3A_81 = arith.index_cast %mul3A_80 : i32 to index
        %get3A_82 = tpu.vector_load %arg9[%get3A, %get3A_81] {strides = array<i32>} : memref<125x80xi32, #tpu.memory_space<vmem>>, vector<16xi32>,
        %mul3A_83 = arith.constant 16 : i32
        %mul3A_84 = arith.muli %add3A_78, %mul3A_83 : i32
        %get3A_85 = arith.index_cast %add3A_68 : i32 to index
        %get3A_86 = arith.index_cast %mul3A_84 : i32 to index
        %get3A_87 = tpu.vector_load %arg10[%get3A_85, %get3A_86] {strides = array<i32>} : memref<125x80xi32, #tpu.memory_space<vmem>>, vector<16xi32>,
        %add3A_88 = arith.addi %get3A_82, %get3A_82 : vector<16xi32>
        %add3A_89 = vector.broadcast %mul3A_24 : i32 to vector<16xi32>
        %add3A_90 = arith.addi %add3A_88, %add3A_89 : vector<16xi32>
        %mul3A_91 = arith.constant 16 : i32
        %mul3A_92 = arith.muli %add3A_78, %mul3A_91 : i32
        %swap3A = arith.index_cast %add3A_68 : i32 to index
        %swap3A_93 = arith.index_cast %mul3A_92 : i32 to index
        %swap3A_94 = tpu.vector_load %arg11[%swap3A, %swap3A_93] {strides = array<i32>} : memref<125x80xi32, #tpu.memory_space<vmem>>, vector<16xi32>,
        tpu.vector_store %arg11[%swap3A, %swap3A_93], %add3A_90 {strides = array<i32>} : memref<125x80xi32, #tpu.memory_space<vmem>>, vector<16xi32>,
        %add3A_95 = arith.addi %get3A_82, %get3A_82 : vector<16xi32>
        %gather3A = tpu.vector_load_idx %arg8[%add3A_95] : memref<20000xf32, #tpu.memory_space<vmem>>[vector<16xi32>], vector<16xf32>,
        %add3A_96 = arith.addi %get3A_87, %get3A_87 : vector<16xi32>
        %add3A_97 = arith.addi %add3A_96, %broadcast_in_dim3A_18 : vector<16xi32>
        %gather3A_98 = tpu.vector_load_idx %arg8[%add3A_97] : memref<20000xf32, #tpu.memory_space<vmem>>[vector<16xi32>], vector<16xf32>,
        %add3A_99 = arith.addf %gather3A, %gather3A_98 : vector<16xf32>
        %ge3A = arith.constant 0.000000e+00 : f32
        %ge3A_100 = vector.broadcast %ge3A : f32 to vector<16xf32>
        %ge3A_101 = arith.cmpf oge, %add3A_99, %ge3A_100 : vector<16xf32>
        %mul3A_102 = arith.constant 2.000000e-01 : f32
        %mul3A_103 = vector.broadcast %mul3A_102 : f32 to vector<16xf32>
        %mul3A_104 = arith.mulf %add3A_99, %mul3A_103 : vector<16xf32>
        %select_n3A = arith.select %ge3A_101, %add3A_99, %mul3A_104 : vector<16xi1>, vector<16xf32>
        %exp3A = math.exp %select_n3A : vector<16xf32>
        %mul3A_105 = arith.constant 80 : i32
        %mul3A_106 = arith.muli %add3A_68, %mul3A_105 : i32
        %mul3A_107 = arith.constant 16 : i32
        %mul3A_108 = arith.muli %add3A_78, %mul3A_107 : i32
        %add3A_109 = arith.addi %mul3A_106, %mul3A_108 : i32
        %swap3A_110 = arith.index_cast %add3A_109 : i32 to index
        %swap3A_111 = tpu.vector_load %arg12[%swap3A_110] {strides = array<i32>} : memref<10000xf32, #tpu.memory_space<vmem>>, vector<16xf32>,
        tpu.vector_store %arg12[%swap3A_110], %exp3A {strides = array<i32>} : memref<10000xf32, #tpu.memory_space<vmem>>, vector<16xf32>,
        %shift_right_logical3A = arith.shrui %get3A_87, %broadcast_in_dim3A_22 : vector<16xi32>
        %and3A = arith.andi %get3A_87, %broadcast_in_dim3A_20 : vector<16xi32>
        tpu.vector_store_idx %arg13[%shift_right_logical3A, %and3A], %exp3A {add = true} : memref<80x128xf32, #tpu.memory_space<vmem>>[vector<16xi32>, vector<16xi32>], vector<16xf32>,
      }
      %scan3A_73 = arith.constant 5 : i32
    }
    %scan3A_29 = arith.constant 125 : i32
    "tpu.region"() ({
      %run_scoped3A_65 = tpu.sem_alloc : memref<!tpu.dma_semaphore, #tpu.memory_space<semaphore_mem>>
      %dma_start3A = arith.constant 0 : i32
      %dma_start3A_66 = arith.constant 0 : i32
      %dma_start3A_67 = tpu.memref_slice %arg18[%dma_start3A, %dma_start3A_66] : memref<80x128xf32, #tpu.memory_space<vmem_shared>> -> memref<80x128xf32, #tpu.memory_space<vmem_shared>>
      tpu.enqueue_indirect_dma source(%arg13 : memref<80x128xf32, #tpu.memory_space<vmem>>) target(%dma_start3A_67 : memref<80x128xf32, #tpu.memory_space<vmem_shared>>) offsets(%arg16 : memref<80xi32, #tpu.memory_space<vmem>>) semaphore(%run_scoped3A_65 : memref<!tpu.dma_semaphore, #tpu.memory_space<semaphore_mem>>) {add = true}
      %dma_wait3A = arith.constant 0 : i32
      %dma_wait3A_68 = arith.constant 0 : i32
      %dma_wait3A_69 = tpu.memref_slice %arg18[%dma_wait3A, %dma_wait3A_68] : memref<80x128xf32, #tpu.memory_space<vmem_shared>> -> memref<80x128xf32, #tpu.memory_space<vmem_shared>>
      tpu.wait_indirect_dma semaphore(%run_scoped3A_65 : memref<!tpu.dma_semaphore, #tpu.memory_space<semaphore_mem>>) src(%arg13 : memref<80x128xf32, #tpu.memory_space<vmem>>) dst(%dma_wait3A_69 : memref<80x128xf32, #tpu.memory_space<vmem_shared>>)
      tpu.yield
    }) : () -> ()
    %barrier3A_30 = arith.constant 0 : index
    tpu.barrier barrier_id(%barrier3A_30)
    "tpu.region"() ({
      %run_scoped3A_65 = tpu.sem_alloc : memref<!tpu.dma_semaphore, #tpu.memory_space<semaphore_mem>>
      tpu.enqueue_dma source(%arg18 : memref<80x128xf32, #tpu.memory_space<vmem_shared>>) target(%arg13 : memref<80x128xf32, #tpu.memory_space<vmem>>) target_semaphore(%run_scoped3A_65 : memref<!tpu.dma_semaphore, #tpu.memory_space<semaphore_mem>>)
      tpu.wait_dma2 semaphore(%run_scoped3A_65 : memref<!tpu.dma_semaphore, #tpu.memory_space<semaphore_mem>>) src(%arg18 : memref<80x128xf32, #tpu.memory_space<vmem_shared>>) dst(%arg13 : memref<80x128xf32, #tpu.memory_space<vmem>>)
      tpu.yield
    }) : () -> ()
    %scan3A_31 = arith.constant 0 : i32
    %scan3A_32 = arith.constant 125 : i32
    %scan3A_33 = arith.addi %scan3A_31, %scan3A_32 : i32
    %scan3A_34 = arith.constant 1 : i32
    scf.for %scan3A_65 = %scan3A_31 to %scan3A_33 step %scan3A_34  : i32 {
      %mul3A_66 = arith.constant 1 : i32
      %mul3A_67 = arith.muli %scan3A_65, %mul3A_66 : i32
      %add3A = arith.constant 0 : i32
      %add3A_68 = arith.addi %add3A, %mul3A_67 : i32
      %scan3A_69 = arith.constant 0 : i32
      %scan3A_70 = arith.constant 5 : i32
      %scan3A_71 = arith.addi %scan3A_69, %scan3A_70 : i32
      %scan3A_72 = arith.constant 1 : i32
      scf.for %scan3A_74 = %scan3A_69 to %scan3A_71 step %scan3A_72  : i32 {
        %mul3A_75 = arith.constant 1 : i32
        %mul3A_76 = arith.muli %scan3A_74, %mul3A_75 : i32
        %add3A_77 = arith.constant 0 : i32
        %add3A_78 = arith.addi %add3A_77, %mul3A_76 : i32
        %mul3A_79 = arith.constant 16 : i32
        %mul3A_80 = arith.muli %add3A_78, %mul3A_79 : i32
        %get3A = arith.index_cast %add3A_68 : i32 to index
        %get3A_81 = arith.index_cast %mul3A_80 : i32 to index
        %get3A_82 = tpu.vector_load %arg10[%get3A, %get3A_81] {strides = array<i32>} : memref<125x80xi32, #tpu.memory_space<vmem>>, vector<16xi32>,
        %shift_right_logical3A = arith.shrui %get3A_82, %broadcast_in_dim3A_22 : vector<16xi32>
        %and3A = arith.andi %get3A_82, %broadcast_in_dim3A_20 : vector<16xi32>
        %gather3A = tpu.vector_load_idx %arg13[%shift_right_logical3A, %and3A] : memref<80x128xf32, #tpu.memory_space<vmem>>[vector<16xi32>, vector<16xi32>], vector<16xf32>,
        %mul3A_83 = arith.constant 80 : i32
        %mul3A_84 = arith.muli %add3A_68, %mul3A_83 : i32
        %mul3A_85 = arith.constant 16 : i32
        %mul3A_86 = arith.muli %add3A_78, %mul3A_85 : i32
        %add3A_87 = arith.addi %mul3A_84, %mul3A_86 : i32
        %get3A_88 = arith.index_cast %add3A_87 : i32 to index
        %get3A_89 = tpu.vector_load %arg12[%get3A_88] {strides = array<i32>} : memref<10000xf32, #tpu.memory_space<vmem>>, vector<16xf32>,
        %div3A = arith.divf %get3A_89, %gather3A : vector<16xf32>
        %mul3A_90 = arith.constant 80 : i32
        %mul3A_91 = arith.muli %add3A_68, %mul3A_90 : i32
        %mul3A_92 = arith.constant 16 : i32
        %mul3A_93 = arith.muli %add3A_78, %mul3A_92 : i32
        %add3A_94 = arith.addi %mul3A_91, %mul3A_93 : i32
        %swap3A = arith.index_cast %add3A_94 : i32 to index
        %swap3A_95 = tpu.vector_load %arg15[%swap3A] {strides = array<i32>} : memref<10000xf32, #tpu.memory_space<vmem>>, vector<16xf32>,
        tpu.vector_store %arg15[%swap3A], %div3A {strides = array<i32>} : memref<10000xf32, #tpu.memory_space<vmem>>, vector<16xf32>,
      }
      %scan3A_73 = arith.constant 5 : i32
    }
    %scan3A_35 = arith.constant 125 : i32
    %scan3A_36 = arith.constant 0 : i32
    %scan3A_37 = arith.constant 125 : i32
    %scan3A_38 = arith.addi %scan3A_36, %scan3A_37 : i32
    %scan3A_39 = arith.constant 1 : i32
    scf.for %scan3A_65 = %scan3A_36 to %scan3A_38 step %scan3A_39  : i32 {
      %mul3A_66 = arith.constant 1 : i32
      %mul3A_67 = arith.muli %scan3A_65, %mul3A_66 : i32
      %add3A = arith.constant 0 : i32
      %add3A_68 = arith.addi %add3A, %mul3A_67 : i32
      "tpu.region"() ({
        %run_scoped3A_74 = tpu.sem_alloc : memref<!tpu.dma_semaphore, #tpu.memory_space<semaphore_mem>>
        %dma_start3A = arith.constant 0 : i32
        %dma_start3A_75 = tpu.memref_slice %arg11[%add3A_68, %dma_start3A] : memref<125x80xi32, #tpu.memory_space<vmem>> -> memref<1x80xi32, #tpu.memory_space<vmem>>
        %dma_start3A_76 = tpu.memref_squeeze %dma_start3A_75 : memref<1x80xi32, #tpu.memory_space<vmem>> -> memref<80xi32, #tpu.memory_space<vmem>>
        %dma_start3A_77 = arith.constant 0 : i32
        %dma_start3A_78 = arith.constant 0 : i32
        %dma_start3A_79 = tpu.memref_slice %arg2[%dma_start3A_77, %dma_start3A_78] : memref<40000x64xf32, #tpu.memory_space<hbm>> -> memref<40000x64xf32, #tpu.memory_space<hbm>>
        tpu.enqueue_indirect_dma source(%dma_start3A_79 : memref<40000x64xf32, #tpu.memory_space<hbm>>) target(%arg14 : memref<80x64xf32, #tpu.memory_space<vmem>>) offsets(%dma_start3A_76 : memref<80xi32, #tpu.memory_space<vmem>>) semaphore(%run_scoped3A_74 : memref<!tpu.dma_semaphore, #tpu.memory_space<semaphore_mem>>)
        %dma_wait3A = arith.constant 0 : i32
        %dma_wait3A_80 = tpu.memref_slice %arg11[%add3A_68, %dma_wait3A] : memref<125x80xi32, #tpu.memory_space<vmem>> -> memref<1x80xi32, #tpu.memory_space<vmem>>
        %dma_wait3A_81 = tpu.memref_squeeze %dma_wait3A_80 : memref<1x80xi32, #tpu.memory_space<vmem>> -> memref<80xi32, #tpu.memory_space<vmem>>
        %dma_wait3A_82 = arith.constant 0 : i32
        %dma_wait3A_83 = arith.constant 0 : i32
        %dma_wait3A_84 = tpu.memref_slice %arg2[%dma_wait3A_82, %dma_wait3A_83] : memref<40000x64xf32, #tpu.memory_space<hbm>> -> memref<40000x64xf32, #tpu.memory_space<hbm>>
        tpu.wait_indirect_dma semaphore(%run_scoped3A_74 : memref<!tpu.dma_semaphore, #tpu.memory_space<semaphore_mem>>) src(%dma_wait3A_84 : memref<40000x64xf32, #tpu.memory_space<hbm>>) dst(%arg14 : memref<80x64xf32, #tpu.memory_space<vmem>>)
        tpu.yield
      }) : () -> ()
      %scan3A_69 = arith.constant 0 : i32
      %scan3A_70 = arith.constant 5 : i32
      %scan3A_71 = arith.addi %scan3A_69, %scan3A_70 : i32
      %scan3A_72 = arith.constant 1 : i32
      scf.for %scan3A_74 = %scan3A_69 to %scan3A_71 step %scan3A_72  : i32 {
        %mul3A_75 = arith.constant 1 : i32
        %mul3A_76 = arith.muli %scan3A_74, %mul3A_75 : i32
        %add3A_77 = arith.constant 0 : i32
        %add3A_78 = arith.addi %add3A_77, %mul3A_76 : i32
        %mul3A_79 = arith.constant 80 : i32
        %mul3A_80 = arith.muli %add3A_68, %mul3A_79 : i32
        %mul3A_81 = arith.constant 16 : i32
        %mul3A_82 = arith.muli %add3A_78, %mul3A_81 : i32
        %add3A_83 = arith.addi %mul3A_80, %mul3A_82 : i32
        %get3A = arith.index_cast %add3A_83 : i32 to index
        %get3A_84 = tpu.vector_load %arg15[%get3A] {strides = array<i32>} : memref<10000xf32, #tpu.memory_space<vmem>>, vector<16xf32>,
        %mul3A_85 = arith.constant 16 : i32
        %mul3A_86 = arith.muli %add3A_78, %mul3A_85 : i32
        %add3A_87 = arith.constant 0 : i32
        %add3A_88 = arith.addi %mul3A_86, %add3A_87 : i32
        %slice3A = vector.extract_strided_slice %get3A_84 {offsets = [0], sizes = [1], strides = [1]} : vector<16xf32> to vector<1xf32>
        %squeeze3A = vector.extract %slice3A[0] : f32 from vector<1xf32>
        %broadcast_in_dim3A_89 = vector.broadcast %squeeze3A : f32 to vector<16xf32>
        %get3A_90 = arith.index_cast %add3A_88 : i32 to index
        %get3A_91 = arith.constant 0 : index
        %get3A_92 = tpu.vector_load %arg14[%get3A_90, %get3A_91] {strides = array<i32>} : memref<80x64xf32, #tpu.memory_space<vmem>>, vector<16xf32>,
        %mul3A_93 = arith.mulf %get3A_92, %broadcast_in_dim3A_89 : vector<16xf32>
        %swap3A = arith.index_cast %add3A_88 : i32 to index
        %swap3A_94 = arith.constant 0 : index
        %swap3A_95 = tpu.vector_load %arg14[%swap3A, %swap3A_94] {strides = array<i32>} : memref<80x64xf32, #tpu.memory_space<vmem>>, vector<16xf32>,
        tpu.vector_store %arg14[%swap3A, %swap3A_94], %mul3A_93 {strides = array<i32>} : memref<80x64xf32, #tpu.memory_space<vmem>>, vector<16xf32>,
        %get3A_96 = arith.index_cast %add3A_88 : i32 to index
        %get3A_97 = arith.constant 16 : index
        %get3A_98 = tpu.vector_load %arg14[%get3A_96, %get3A_97] {strides = array<i32>} : memref<80x64xf32, #tpu.memory_space<vmem>>, vector<16xf32>,
        %mul3A_99 = arith.mulf %get3A_98, %broadcast_in_dim3A_89 : vector<16xf32>
        %swap3A_100 = arith.index_cast %add3A_88 : i32 to index
        %swap3A_101 = arith.constant 16 : index
        %swap3A_102 = tpu.vector_load %arg14[%swap3A_100, %swap3A_101] {strides = array<i32>} : memref<80x64xf32, #tpu.memory_space<vmem>>, vector<16xf32>,
        tpu.vector_store %arg14[%swap3A_100, %swap3A_101], %mul3A_99 {strides = array<i32>} : memref<80x64xf32, #tpu.memory_space<vmem>>, vector<16xf32>,
        %get3A_103 = arith.index_cast %add3A_88 : i32 to index
        %get3A_104 = arith.constant 32 : index
        %get3A_105 = tpu.vector_load %arg14[%get3A_103, %get3A_104] {strides = array<i32>} : memref<80x64xf32, #tpu.memory_space<vmem>>, vector<16xf32>,
        %mul3A_106 = arith.mulf %get3A_105, %broadcast_in_dim3A_89 : vector<16xf32>
        %swap3A_107 = arith.index_cast %add3A_88 : i32 to index
        %swap3A_108 = arith.constant 32 : index
        %swap3A_109 = tpu.vector_load %arg14[%swap3A_107, %swap3A_108] {strides = array<i32>} : memref<80x64xf32, #tpu.memory_space<vmem>>, vector<16xf32>,
        tpu.vector_store %arg14[%swap3A_107, %swap3A_108], %mul3A_106 {strides = array<i32>} : memref<80x64xf32, #tpu.memory_space<vmem>>, vector<16xf32>,
        %get3A_110 = arith.index_cast %add3A_88 : i32 to index
        %get3A_111 = arith.constant 48 : index
        %get3A_112 = tpu.vector_load %arg14[%get3A_110, %get3A_111] {strides = array<i32>} : memref<80x64xf32, #tpu.memory_space<vmem>>, vector<16xf32>,
        %mul3A_113 = arith.mulf %get3A_112, %broadcast_in_dim3A_89 : vector<16xf32>
        %swap3A_114 = arith.index_cast %add3A_88 : i32 to index
        %swap3A_115 = arith.constant 48 : index
        %swap3A_116 = tpu.vector_load %arg14[%swap3A_114, %swap3A_115] {strides = array<i32>} : memref<80x64xf32, #tpu.memory_space<vmem>>, vector<16xf32>,
        tpu.vector_store %arg14[%swap3A_114, %swap3A_115], %mul3A_113 {strides = array<i32>} : memref<80x64xf32, #tpu.memory_space<vmem>>, vector<16xf32>,
        %mul3A_117 = arith.constant 16 : i32
        %mul3A_118 = arith.muli %add3A_78, %mul3A_117 : i32
        %add3A_119 = arith.constant 1 : i32
        %add3A_120 = arith.addi %mul3A_118, %add3A_119 : i32
        %slice3A_121 = vector.extract_strided_slice %get3A_84 {offsets = [1], sizes = [1], strides = [1]} : vector<16xf32> to vector<1xf32>
        %squeeze3A_122 = vector.extract %slice3A_121[0] : f32 from vector<1xf32>
        %broadcast_in_dim3A_123 = vector.broadcast %squeeze3A_122 : f32 to vector<16xf32>
        %get3A_124 = arith.index_cast %add3A_120 : i32 to index
        %get3A_125 = arith.constant 0 : index
        %get3A_126 = tpu.vector_load %arg14[%get3A_124, %get3A_125] {strides = array<i32>} : memref<80x64xf32, #tpu.memory_space<vmem>>, vector<16xf32>,
        %mul3A_127 = arith.mulf %get3A_126, %broadcast_in_dim3A_123 : vector<16xf32>
        %swap3A_128 = arith.index_cast %add3A_120 : i32 to index
        %swap3A_129 = arith.constant 0 : index
        %swap3A_130 = tpu.vector_load %arg14[%swap3A_128, %swap3A_129] {strides = array<i32>} : memref<80x64xf32, #tpu.memory_space<vmem>>, vector<16xf32>,
        tpu.vector_store %arg14[%swap3A_128, %swap3A_129], %mul3A_127 {strides = array<i32>} : memref<80x64xf32, #tpu.memory_space<vmem>>, vector<16xf32>,
        %get3A_131 = arith.index_cast %add3A_120 : i32 to index
        %get3A_132 = arith.constant 16 : index
        %get3A_133 = tpu.vector_load %arg14[%get3A_131, %get3A_132] {strides = array<i32>} : memref<80x64xf32, #tpu.memory_space<vmem>>, vector<16xf32>,
        %mul3A_134 = arith.mulf %get3A_133, %broadcast_in_dim3A_123 : vector<16xf32>
        %swap3A_135 = arith.index_cast %add3A_120 : i32 to index
        %swap3A_136 = arith.constant 16 : index
        %swap3A_137 = tpu.vector_load %arg14[%swap3A_135, %swap3A_136] {strides = array<i32>} : memref<80x64xf32, #tpu.memory_space<vmem>>, vector<16xf32>,
        tpu.vector_store %arg14[%swap3A_135, %swap3A_136], %mul3A_134 {strides = array<i32>} : memref<80x64xf32, #tpu.memory_space<vmem>>, vector<16xf32>,
        %get3A_138 = arith.index_cast %add3A_120 : i32 to index
        %get3A_139 = arith.constant 32 : index
        %get3A_140 = tpu.vector_load %arg14[%get3A_138, %get3A_139] {strides = array<i32>} : memref<80x64xf32, #tpu.memory_space<vmem>>, vector<16xf32>,
        %mul3A_141 = arith.mulf %get3A_140, %broadcast_in_dim3A_123 : vector<16xf32>
        %swap3A_142 = arith.index_cast %add3A_120 : i32 to index
        %swap3A_143 = arith.constant 32 : index
        %swap3A_144 = tpu.vector_load %arg14[%swap3A_142, %swap3A_143] {strides = array<i32>} : memref<80x64xf32, #tpu.memory_space<vmem>>, vector<16xf32>,
        tpu.vector_store %arg14[%swap3A_142, %swap3A_143], %mul3A_141 {strides = array<i32>} : memref<80x64xf32, #tpu.memory_space<vmem>>, vector<16xf32>,
        %get3A_145 = arith.index_cast %add3A_120 : i32 to index
        %get3A_146 = arith.constant 48 : index
        %get3A_147 = tpu.vector_load %arg14[%get3A_145, %get3A_146] {strides = array<i32>} : memref<80x64xf32, #tpu.memory_space<vmem>>, vector<16xf32>,
        %mul3A_148 = arith.mulf %get3A_147, %broadcast_in_dim3A_123 : vector<16xf32>
        %swap3A_149 = arith.index_cast %add3A_120 : i32 to index
        %swap3A_150 = arith.constant 48 : index
        %swap3A_151 = tpu.vector_load %arg14[%swap3A_149, %swap3A_150] {strides = array<i32>} : memref<80x64xf32, #tpu.memory_space<vmem>>, vector<16xf32>,
        tpu.vector_store %arg14[%swap3A_149, %swap3A_150], %mul3A_148 {strides = array<i32>} : memref<80x64xf32, #tpu.memory_space<vmem>>, vector<16xf32>,
        %mul3A_152 = arith.constant 16 : i32
        %mul3A_153 = arith.muli %add3A_78, %mul3A_152 : i32
        %add3A_154 = arith.constant 2 : i32
        %add3A_155 = arith.addi %mul3A_153, %add3A_154 : i32
        %slice3A_156 = vector.extract_strided_slice %get3A_84 {offsets = [2], sizes = [1], strides = [1]} : vector<16xf32> to vector<1xf32>
        %squeeze3A_157 = vector.extract %slice3A_156[0] : f32 from vector<1xf32>
        %broadcast_in_dim3A_158 = vector.broadcast %squeeze3A_157 : f32 to vector<16xf32>
        %get3A_159 = arith.index_cast %add3A_155 : i32 to index
        %get3A_160 = arith.constant 0 : index
        %get3A_161 = tpu.vector_load %arg14[%get3A_159, %get3A_160] {strides = array<i32>} : memref<80x64xf32, #tpu.memory_space<vmem>>, vector<16xf32>,
        %mul3A_162 = arith.mulf %get3A_161, %broadcast_in_dim3A_158 : vector<16xf32>
        %swap3A_163 = arith.index_cast %add3A_155 : i32 to index
        %swap3A_164 = arith.constant 0 : index
        %swap3A_165 = tpu.vector_load %arg14[%swap3A_163, %swap3A_164] {strides = array<i32>} : memref<80x64xf32, #tpu.memory_space<vmem>>, vector<16xf32>,
        tpu.vector_store %arg14[%swap3A_163, %swap3A_164], %mul3A_162 {strides = array<i32>} : memref<80x64xf32, #tpu.memory_space<vmem>>, vector<16xf32>,
        %get3A_166 = arith.index_cast %add3A_155 : i32 to index
        %get3A_167 = arith.constant 16 : index
        %get3A_168 = tpu.vector_load %arg14[%get3A_166, %get3A_167] {strides = array<i32>} : memref<80x64xf32, #tpu.memory_space<vmem>>, vector<16xf32>,
        %mul3A_169 = arith.mulf %get3A_168, %broadcast_in_dim3A_158 : vector<16xf32>
        %swap3A_170 = arith.index_cast %add3A_155 : i32 to index
        %swap3A_171 = arith.constant 16 : index
        %swap3A_172 = tpu.vector_load %arg14[%swap3A_170, %swap3A_171] {strides = array<i32>} : memref<80x64xf32, #tpu.memory_space<vmem>>, vector<16xf32>,
        tpu.vector_store %arg14[%swap3A_170, %swap3A_171], %mul3A_169 {strides = array<i32>} : memref<80x64xf32, #tpu.memory_space<vmem>>, vector<16xf32>,
        %get3A_173 = arith.index_cast %add3A_155 : i32 to index
        %get3A_174 = arith.constant 32 : index
        %get3A_175 = tpu.vector_load %arg14[%get3A_173, %get3A_174] {strides = array<i32>} : memref<80x64xf32, #tpu.memory_space<vmem>>, vector<16xf32>,
        %mul3A_176 = arith.mulf %get3A_175, %broadcast_in_dim3A_158 : vector<16xf32>
        %swap3A_177 = arith.index_cast %add3A_155 : i32 to index
        %swap3A_178 = arith.constant 32 : index
        %swap3A_179 = tpu.vector_load %arg14[%swap3A_177, %swap3A_178] {strides = array<i32>} : memref<80x64xf32, #tpu.memory_space<vmem>>, vector<16xf32>,
        tpu.vector_store %arg14[%swap3A_177, %swap3A_178], %mul3A_176 {strides = array<i32>} : memref<80x64xf32, #tpu.memory_space<vmem>>, vector<16xf32>,
        %get3A_180 = arith.index_cast %add3A_155 : i32 to index
        %get3A_181 = arith.constant 48 : index
        %get3A_182 = tpu.vector_load %arg14[%get3A_180, %get3A_181] {strides = array<i32>} : memref<80x64xf32, #tpu.memory_space<vmem>>, vector<16xf32>,
        %mul3A_183 = arith.mulf %get3A_182, %broadcast_in_dim3A_158 : vector<16xf32>
        %swap3A_184 = arith.index_cast %add3A_155 : i32 to index
        %swap3A_185 = arith.constant 48 : index
        %swap3A_186 = tpu.vector_load %arg14[%swap3A_184, %swap3A_185] {strides = array<i32>} : memref<80x64xf32, #tpu.memory_space<vmem>>, vector<16xf32>,
        tpu.vector_store %arg14[%swap3A_184, %swap3A_185], %mul3A_183 {strides = array<i32>} : memref<80x64xf32, #tpu.memory_space<vmem>>, vector<16xf32>,
        %mul3A_187 = arith.constant 16 : i32
        %mul3A_188 = arith.muli %add3A_78, %mul3A_187 : i32
        %add3A_189 = arith.constant 3 : i32
        %add3A_190 = arith.addi %mul3A_188, %add3A_189 : i32
        %slice3A_191 = vector.extract_strided_slice %get3A_84 {offsets = [3], sizes = [1], strides = [1]} : vector<16xf32> to vector<1xf32>
        %squeeze3A_192 = vector.extract %slice3A_191[0] : f32 from vector<1xf32>
        %broadcast_in_dim3A_193 = vector.broadcast %squeeze3A_192 : f32 to vector<16xf32>
        %get3A_194 = arith.index_cast %add3A_190 : i32 to index
        %get3A_195 = arith.constant 0 : index
        %get3A_196 = tpu.vector_load %arg14[%get3A_194, %get3A_195] {strides = array<i32>} : memref<80x64xf32, #tpu.memory_space<vmem>>, vector<16xf32>,
        %mul3A_197 = arith.mulf %get3A_196, %broadcast_in_dim3A_193 : vector<16xf32>
        %swap3A_198 = arith.index_cast %add3A_190 : i32 to index
        %swap3A_199 = arith.constant 0 : index
        %swap3A_200 = tpu.vector_load %arg14[%swap3A_198, %swap3A_199] {strides = array<i32>} : memref<80x64xf32, #tpu.memory_space<vmem>>, vector<16xf32>,
        tpu.vector_store %arg14[%swap3A_198, %swap3A_199], %mul3A_197 {strides = array<i32>} : memref<80x64xf32, #tpu.memory_space<vmem>>, vector<16xf32>,
        %get3A_201 = arith.index_cast %add3A_190 : i32 to index
        %get3A_202 = arith.constant 16 : index
        %get3A_203 = tpu.vector_load %arg14[%get3A_201, %get3A_202] {strides = array<i32>} : memref<80x64xf32, #tpu.memory_space<vmem>>, vector<16xf32>,
        %mul3A_204 = arith.mulf %get3A_203, %broadcast_in_dim3A_193 : vector<16xf32>
        %swap3A_205 = arith.index_cast %add3A_190 : i32 to index
        %swap3A_206 = arith.constant 16 : index
        %swap3A_207 = tpu.vector_load %arg14[%swap3A_205, %swap3A_206] {strides = array<i32>} : memref<80x64xf32, #tpu.memory_space<vmem>>, vector<16xf32>,
        tpu.vector_store %arg14[%swap3A_205, %swap3A_206], %mul3A_204 {strides = array<i32>} : memref<80x64xf32, #tpu.memory_space<vmem>>, vector<16xf32>,
        %get3A_208 = arith.index_cast %add3A_190 : i32 to index
        %get3A_209 = arith.constant 32 : index
        %get3A_210 = tpu.vector_load %arg14[%get3A_208, %get3A_209] {strides = array<i32>} : memref<80x64xf32, #tpu.memory_space<vmem>>, vector<16xf32>,
        %mul3A_211 = arith.mulf %get3A_210, %broadcast_in_dim3A_193 : vector<16xf32>
        %swap3A_212 = arith.index_cast %add3A_190 : i32 to index
        %swap3A_213 = arith.constant 32 : index
        %swap3A_214 = tpu.vector_load %arg14[%swap3A_212, %swap3A_213] {strides = array<i32>} : memref<80x64xf32, #tpu.memory_space<vmem>>, vector<16xf32>,
        tpu.vector_store %arg14[%swap3A_212, %swap3A_213], %mul3A_211 {strides = array<i32>} : memref<80x64xf32, #tpu.memory_space<vmem>>, vector<16xf32>,
        %get3A_215 = arith.index_cast %add3A_190 : i32 to index
        %get3A_216 = arith.constant 48 : index
        %get3A_217 = tpu.vector_load %arg14[%get3A_215, %get3A_216] {strides = array<i32>} : memref<80x64xf32, #tpu.memory_space<vmem>>, vector<16xf32>,
        %mul3A_218 = arith.mulf %get3A_217, %broadcast_in_dim3A_193 : vector<16xf32>
        %swap3A_219 = arith.index_cast %add3A_190 : i32 to index
        %swap3A_220 = arith.constant 48 : index
        %swap3A_221 = tpu.vector_load %arg14[%swap3A_219, %swap3A_220] {strides = array<i32>} : memref<80x64xf32, #tpu.memory_space<vmem>>, vector<16xf32>,
        tpu.vector_store %arg14[%swap3A_219, %swap3A_220], %mul3A_218 {strides = array<i32>} : memref<80x64xf32, #tpu.memory_space<vmem>>, vector<16xf32>,
        %mul3A_222 = arith.constant 16 : i32
        %mul3A_223 = arith.muli %add3A_78, %mul3A_222 : i32
        %add3A_224 = arith.constant 4 : i32
        %add3A_225 = arith.addi %mul3A_223, %add3A_224 : i32
        %slice3A_226 = vector.extract_strided_slice %get3A_84 {offsets = [4], sizes = [1], strides = [1]} : vector<16xf32> to vector<1xf32>
        %squeeze3A_227 = vector.extract %slice3A_226[0] : f32 from vector<1xf32>
        %broadcast_in_dim3A_228 = vector.broadcast %squeeze3A_227 : f32 to vector<16xf32>
        %get3A_229 = arith.index_cast %add3A_225 : i32 to index
        %get3A_230 = arith.constant 0 : index
        %get3A_231 = tpu.vector_load %arg14[%get3A_229, %get3A_230] {strides = array<i32>} : memref<80x64xf32, #tpu.memory_space<vmem>>, vector<16xf32>,
        %mul3A_232 = arith.mulf %get3A_231, %broadcast_in_dim3A_228 : vector<16xf32>
        %swap3A_233 = arith.index_cast %add3A_225 : i32 to index
        %swap3A_234 = arith.constant 0 : index
        %swap3A_235 = tpu.vector_load %arg14[%swap3A_233, %swap3A_234] {strides = array<i32>} : memref<80x64xf32, #tpu.memory_space<vmem>>, vector<16xf32>,
        tpu.vector_store %arg14[%swap3A_233, %swap3A_234], %mul3A_232 {strides = array<i32>} : memref<80x64xf32, #tpu.memory_space<vmem>>, vector<16xf32>,
        %get3A_236 = arith.index_cast %add3A_225 : i32 to index
        %get3A_237 = arith.constant 16 : index
        %get3A_238 = tpu.vector_load %arg14[%get3A_236, %get3A_237] {strides = array<i32>} : memref<80x64xf32, #tpu.memory_space<vmem>>, vector<16xf32>,
        %mul3A_239 = arith.mulf %get3A_238, %broadcast_in_dim3A_228 : vector<16xf32>
        %swap3A_240 = arith.index_cast %add3A_225 : i32 to index
        %swap3A_241 = arith.constant 16 : index
        %swap3A_242 = tpu.vector_load %arg14[%swap3A_240, %swap3A_241] {strides = array<i32>} : memref<80x64xf32, #tpu.memory_space<vmem>>, vector<16xf32>,
        tpu.vector_store %arg14[%swap3A_240, %swap3A_241], %mul3A_239 {strides = array<i32>} : memref<80x64xf32, #tpu.memory_space<vmem>>, vector<16xf32>,
        %get3A_243 = arith.index_cast %add3A_225 : i32 to index
        %get3A_244 = arith.constant 32 : index
        %get3A_245 = tpu.vector_load %arg14[%get3A_243, %get3A_244] {strides = array<i32>} : memref<80x64xf32, #tpu.memory_space<vmem>>, vector<16xf32>,
        %mul3A_246 = arith.mulf %get3A_245, %broadcast_in_dim3A_228 : vector<16xf32>
        %swap3A_247 = arith.index_cast %add3A_225 : i32 to index
        %swap3A_248 = arith.constant 32 : index
        %swap3A_249 = tpu.vector_load %arg14[%swap3A_247, %swap3A_248] {strides = array<i32>} : memref<80x64xf32, #tpu.memory_space<vmem>>, vector<16xf32>,
        tpu.vector_store %arg14[%swap3A_247, %swap3A_248], %mul3A_246 {strides = array<i32>} : memref<80x64xf32, #tpu.memory_space<vmem>>, vector<16xf32>,
        %get3A_250 = arith.index_cast %add3A_225 : i32 to index
        %get3A_251 = arith.constant 48 : index
        %get3A_252 = tpu.vector_load %arg14[%get3A_250, %get3A_251] {strides = array<i32>} : memref<80x64xf32, #tpu.memory_space<vmem>>, vector<16xf32>,
        %mul3A_253 = arith.mulf %get3A_252, %broadcast_in_dim3A_228 : vector<16xf32>
        %swap3A_254 = arith.index_cast %add3A_225 : i32 to index
        %swap3A_255 = arith.constant 48 : index
        %swap3A_256 = tpu.vector_load %arg14[%swap3A_254, %swap3A_255] {strides = array<i32>} : memref<80x64xf32, #tpu.memory_space<vmem>>, vector<16xf32>,
        tpu.vector_store %arg14[%swap3A_254, %swap3A_255], %mul3A_253 {strides = array<i32>} : memref<80x64xf32, #tpu.memory_space<vmem>>, vector<16xf32>,
        %mul3A_257 = arith.constant 16 : i32
        %mul3A_258 = arith.muli %add3A_78, %mul3A_257 : i32
        %add3A_259 = arith.constant 5 : i32
        %add3A_260 = arith.addi %mul3A_258, %add3A_259 : i32
        %slice3A_261 = vector.extract_strided_slice %get3A_84 {offsets = [5], sizes = [1], strides = [1]} : vector<16xf32> to vector<1xf32>
        %squeeze3A_262 = vector.extract %slice3A_261[0] : f32 from vector<1xf32>
        %broadcast_in_dim3A_263 = vector.broadcast %squeeze3A_262 : f32 to vector<16xf32>
        %get3A_264 = arith.index_cast %add3A_260 : i32 to index
        %get3A_265 = arith.constant 0 : index
        %get3A_266 = tpu.vector_load %arg14[%get3A_264, %get3A_265] {strides = array<i32>} : memref<80x64xf32, #tpu.memory_space<vmem>>, vector<16xf32>,
        %mul3A_267 = arith.mulf %get3A_266, %broadcast_in_dim3A_263 : vector<16xf32>
        %swap3A_268 = arith.index_cast %add3A_260 : i32 to index
        %swap3A_269 = arith.constant 0 : index
        %swap3A_270 = tpu.vector_load %arg14[%swap3A_268, %swap3A_269] {strides = array<i32>} : memref<80x64xf32, #tpu.memory_space<vmem>>, vector<16xf32>,
        tpu.vector_store %arg14[%swap3A_268, %swap3A_269], %mul3A_267 {strides = array<i32>} : memref<80x64xf32, #tpu.memory_space<vmem>>, vector<16xf32>,
        %get3A_271 = arith.index_cast %add3A_260 : i32 to index
        %get3A_272 = arith.constant 16 : index
        %get3A_273 = tpu.vector_load %arg14[%get3A_271, %get3A_272] {strides = array<i32>} : memref<80x64xf32, #tpu.memory_space<vmem>>, vector<16xf32>,
        %mul3A_274 = arith.mulf %get3A_273, %broadcast_in_dim3A_263 : vector<16xf32>
        %swap3A_275 = arith.index_cast %add3A_260 : i32 to index
        %swap3A_276 = arith.constant 16 : index
        %swap3A_277 = tpu.vector_load %arg14[%swap3A_275, %swap3A_276] {strides = array<i32>} : memref<80x64xf32, #tpu.memory_space<vmem>>, vector<16xf32>,
        tpu.vector_store %arg14[%swap3A_275, %swap3A_276], %mul3A_274 {strides = array<i32>} : memref<80x64xf32, #tpu.memory_space<vmem>>, vector<16xf32>,
        %get3A_278 = arith.index_cast %add3A_260 : i32 to index
        %get3A_279 = arith.constant 32 : index
        %get3A_280 = tpu.vector_load %arg14[%get3A_278, %get3A_279] {strides = array<i32>} : memref<80x64xf32, #tpu.memory_space<vmem>>, vector<16xf32>,
        %mul3A_281 = arith.mulf %get3A_280, %broadcast_in_dim3A_263 : vector<16xf32>
        %swap3A_282 = arith.index_cast %add3A_260 : i32 to index
        %swap3A_283 = arith.constant 32 : index
        %swap3A_284 = tpu.vector_load %arg14[%swap3A_282, %swap3A_283] {strides = array<i32>} : memref<80x64xf32, #tpu.memory_space<vmem>>, vector<16xf32>,
        tpu.vector_store %arg14[%swap3A_282, %swap3A_283], %mul3A_281 {strides = array<i32>} : memref<80x64xf32, #tpu.memory_space<vmem>>, vector<16xf32>,
        %get3A_285 = arith.index_cast %add3A_260 : i32 to index
        %get3A_286 = arith.constant 48 : index
        %get3A_287 = tpu.vector_load %arg14[%get3A_285, %get3A_286] {strides = array<i32>} : memref<80x64xf32, #tpu.memory_space<vmem>>, vector<16xf32>,
        %mul3A_288 = arith.mulf %get3A_287, %broadcast_in_dim3A_263 : vector<16xf32>
        %swap3A_289 = arith.index_cast %add3A_260 : i32 to index
        %swap3A_290 = arith.constant 48 : index
        %swap3A_291 = tpu.vector_load %arg14[%swap3A_289, %swap3A_290] {strides = array<i32>} : memref<80x64xf32, #tpu.memory_space<vmem>>, vector<16xf32>,
        tpu.vector_store %arg14[%swap3A_289, %swap3A_290], %mul3A_288 {strides = array<i32>} : memref<80x64xf32, #tpu.memory_space<vmem>>, vector<16xf32>,
        %mul3A_292 = arith.constant 16 : i32
        %mul3A_293 = arith.muli %add3A_78, %mul3A_292 : i32
        %add3A_294 = arith.constant 6 : i32
        %add3A_295 = arith.addi %mul3A_293, %add3A_294 : i32
        %slice3A_296 = vector.extract_strided_slice %get3A_84 {offsets = [6], sizes = [1], strides = [1]} : vector<16xf32> to vector<1xf32>
        %squeeze3A_297 = vector.extract %slice3A_296[0] : f32 from vector<1xf32>
        %broadcast_in_dim3A_298 = vector.broadcast %squeeze3A_297 : f32 to vector<16xf32>
        %get3A_299 = arith.index_cast %add3A_295 : i32 to index
        %get3A_300 = arith.constant 0 : index
        %get3A_301 = tpu.vector_load %arg14[%get3A_299, %get3A_300] {strides = array<i32>} : memref<80x64xf32, #tpu.memory_space<vmem>>, vector<16xf32>,
        %mul3A_302 = arith.mulf %get3A_301, %broadcast_in_dim3A_298 : vector<16xf32>
        %swap3A_303 = arith.index_cast %add3A_295 : i32 to index
        %swap3A_304 = arith.constant 0 : index
        %swap3A_305 = tpu.vector_load %arg14[%swap3A_303, %swap3A_304] {strides = array<i32>} : memref<80x64xf32, #tpu.memory_space<vmem>>, vector<16xf32>,
        tpu.vector_store %arg14[%swap3A_303, %swap3A_304], %mul3A_302 {strides = array<i32>} : memref<80x64xf32, #tpu.memory_space<vmem>>, vector<16xf32>,
        %get3A_306 = arith.index_cast %add3A_295 : i32 to index
        %get3A_307 = arith.constant 16 : index
        %get3A_308 = tpu.vector_load %arg14[%get3A_306, %get3A_307] {strides = array<i32>} : memref<80x64xf32, #tpu.memory_space<vmem>>, vector<16xf32>,
        %mul3A_309 = arith.mulf %get3A_308, %broadcast_in_dim3A_298 : vector<16xf32>
        %swap3A_310 = arith.index_cast %add3A_295 : i32 to index
        %swap3A_311 = arith.constant 16 : index
        %swap3A_312 = tpu.vector_load %arg14[%swap3A_310, %swap3A_311] {strides = array<i32>} : memref<80x64xf32, #tpu.memory_space<vmem>>, vector<16xf32>,
        tpu.vector_store %arg14[%swap3A_310, %swap3A_311], %mul3A_309 {strides = array<i32>} : memref<80x64xf32, #tpu.memory_space<vmem>>, vector<16xf32>,
        %get3A_313 = arith.index_cast %add3A_295 : i32 to index
        %get3A_314 = arith.constant 32 : index
        %get3A_315 = tpu.vector_load %arg14[%get3A_313, %get3A_314] {strides = array<i32>} : memref<80x64xf32, #tpu.memory_space<vmem>>, vector<16xf32>,
        %mul3A_316 = arith.mulf %get3A_315, %broadcast_in_dim3A_298 : vector<16xf32>
        %swap3A_317 = arith.index_cast %add3A_295 : i32 to index
        %swap3A_318 = arith.constant 32 : index
        %swap3A_319 = tpu.vector_load %arg14[%swap3A_317, %swap3A_318] {strides = array<i32>} : memref<80x64xf32, #tpu.memory_space<vmem>>, vector<16xf32>,
        tpu.vector_store %arg14[%swap3A_317, %swap3A_318], %mul3A_316 {strides = array<i32>} : memref<80x64xf32, #tpu.memory_space<vmem>>, vector<16xf32>,
        %get3A_320 = arith.index_cast %add3A_295 : i32 to index
        %get3A_321 = arith.constant 48 : index
        %get3A_322 = tpu.vector_load %arg14[%get3A_320, %get3A_321] {strides = array<i32>} : memref<80x64xf32, #tpu.memory_space<vmem>>, vector<16xf32>,
        %mul3A_323 = arith.mulf %get3A_322, %broadcast_in_dim3A_298 : vector<16xf32>
        %swap3A_324 = arith.index_cast %add3A_295 : i32 to index
        %swap3A_325 = arith.constant 48 : index
        %swap3A_326 = tpu.vector_load %arg14[%swap3A_324, %swap3A_325] {strides = array<i32>} : memref<80x64xf32, #tpu.memory_space<vmem>>, vector<16xf32>,
        tpu.vector_store %arg14[%swap3A_324, %swap3A_325], %mul3A_323 {strides = array<i32>} : memref<80x64xf32, #tpu.memory_space<vmem>>, vector<16xf32>,
        %mul3A_327 = arith.constant 16 : i32
        %mul3A_328 = arith.muli %add3A_78, %mul3A_327 : i32
        %add3A_329 = arith.constant 7 : i32
        %add3A_330 = arith.addi %mul3A_328, %add3A_329 : i32
        %slice3A_331 = vector.extract_strided_slice %get3A_84 {offsets = [7], sizes = [1], strides = [1]} : vector<16xf32> to vector<1xf32>
        %squeeze3A_332 = vector.extract %slice3A_331[0] : f32 from vector<1xf32>
        %broadcast_in_dim3A_333 = vector.broadcast %squeeze3A_332 : f32 to vector<16xf32>
        %get3A_334 = arith.index_cast %add3A_330 : i32 to index
        %get3A_335 = arith.constant 0 : index
        %get3A_336 = tpu.vector_load %arg14[%get3A_334, %get3A_335] {strides = array<i32>} : memref<80x64xf32, #tpu.memory_space<vmem>>, vector<16xf32>,
        %mul3A_337 = arith.mulf %get3A_336, %broadcast_in_dim3A_333 : vector<16xf32>
        %swap3A_338 = arith.index_cast %add3A_330 : i32 to index
        %swap3A_339 = arith.constant 0 : index
        %swap3A_340 = tpu.vector_load %arg14[%swap3A_338, %swap3A_339] {strides = array<i32>} : memref<80x64xf32, #tpu.memory_space<vmem>>, vector<16xf32>,
        tpu.vector_store %arg14[%swap3A_338, %swap3A_339], %mul3A_337 {strides = array<i32>} : memref<80x64xf32, #tpu.memory_space<vmem>>, vector<16xf32>,
        %get3A_341 = arith.index_cast %add3A_330 : i32 to index
        %get3A_342 = arith.constant 16 : index
        %get3A_343 = tpu.vector_load %arg14[%get3A_341, %get3A_342] {strides = array<i32>} : memref<80x64xf32, #tpu.memory_space<vmem>>, vector<16xf32>,
        %mul3A_344 = arith.mulf %get3A_343, %broadcast_in_dim3A_333 : vector<16xf32>
        %swap3A_345 = arith.index_cast %add3A_330 : i32 to index
        %swap3A_346 = arith.constant 16 : index
        %swap3A_347 = tpu.vector_load %arg14[%swap3A_345, %swap3A_346] {strides = array<i32>} : memref<80x64xf32, #tpu.memory_space<vmem>>, vector<16xf32>,
        tpu.vector_store %arg14[%swap3A_345, %swap3A_346], %mul3A_344 {strides = array<i32>} : memref<80x64xf32, #tpu.memory_space<vmem>>, vector<16xf32>,
        %get3A_348 = arith.index_cast %add3A_330 : i32 to index
        %get3A_349 = arith.constant 32 : index
        %get3A_350 = tpu.vector_load %arg14[%get3A_348, %get3A_349] {strides = array<i32>} : memref<80x64xf32, #tpu.memory_space<vmem>>, vector<16xf32>,
        %mul3A_351 = arith.mulf %get3A_350, %broadcast_in_dim3A_333 : vector<16xf32>
        %swap3A_352 = arith.index_cast %add3A_330 : i32 to index
        %swap3A_353 = arith.constant 32 : index
        %swap3A_354 = tpu.vector_load %arg14[%swap3A_352, %swap3A_353] {strides = array<i32>} : memref<80x64xf32, #tpu.memory_space<vmem>>, vector<16xf32>,
        tpu.vector_store %arg14[%swap3A_352, %swap3A_353], %mul3A_351 {strides = array<i32>} : memref<80x64xf32, #tpu.memory_space<vmem>>, vector<16xf32>,
        %get3A_355 = arith.index_cast %add3A_330 : i32 to index
        %get3A_356 = arith.constant 48 : index
        %get3A_357 = tpu.vector_load %arg14[%get3A_355, %get3A_356] {strides = array<i32>} : memref<80x64xf32, #tpu.memory_space<vmem>>, vector<16xf32>,
        %mul3A_358 = arith.mulf %get3A_357, %broadcast_in_dim3A_333 : vector<16xf32>
        %swap3A_359 = arith.index_cast %add3A_330 : i32 to index
        %swap3A_360 = arith.constant 48 : index
        %swap3A_361 = tpu.vector_load %arg14[%swap3A_359, %swap3A_360] {strides = array<i32>} : memref<80x64xf32, #tpu.memory_space<vmem>>, vector<16xf32>,
        tpu.vector_store %arg14[%swap3A_359, %swap3A_360], %mul3A_358 {strides = array<i32>} : memref<80x64xf32, #tpu.memory_space<vmem>>, vector<16xf32>,
        %mul3A_362 = arith.constant 16 : i32
        %mul3A_363 = arith.muli %add3A_78, %mul3A_362 : i32
        %add3A_364 = arith.constant 8 : i32
        %add3A_365 = arith.addi %mul3A_363, %add3A_364 : i32
        %slice3A_366 = vector.extract_strided_slice %get3A_84 {offsets = [8], sizes = [1], strides = [1]} : vector<16xf32> to vector<1xf32>
        %squeeze3A_367 = vector.extract %slice3A_366[0] : f32 from vector<1xf32>
        %broadcast_in_dim3A_368 = vector.broadcast %squeeze3A_367 : f32 to vector<16xf32>
        %get3A_369 = arith.index_cast %add3A_365 : i32 to index
        %get3A_370 = arith.constant 0 : index
        %get3A_371 = tpu.vector_load %arg14[%get3A_369, %get3A_370] {strides = array<i32>} : memref<80x64xf32, #tpu.memory_space<vmem>>, vector<16xf32>,
        %mul3A_372 = arith.mulf %get3A_371, %broadcast_in_dim3A_368 : vector<16xf32>
        %swap3A_373 = arith.index_cast %add3A_365 : i32 to index
        %swap3A_374 = arith.constant 0 : index
        %swap3A_375 = tpu.vector_load %arg14[%swap3A_373, %swap3A_374] {strides = array<i32>} : memref<80x64xf32, #tpu.memory_space<vmem>>, vector<16xf32>,
        tpu.vector_store %arg14[%swap3A_373, %swap3A_374], %mul3A_372 {strides = array<i32>} : memref<80x64xf32, #tpu.memory_space<vmem>>, vector<16xf32>,
        %get3A_376 = arith.index_cast %add3A_365 : i32 to index
        %get3A_377 = arith.constant 16 : index
        %get3A_378 = tpu.vector_load %arg14[%get3A_376, %get3A_377] {strides = array<i32>} : memref<80x64xf32, #tpu.memory_space<vmem>>, vector<16xf32>,
        %mul3A_379 = arith.mulf %get3A_378, %broadcast_in_dim3A_368 : vector<16xf32>
        %swap3A_380 = arith.index_cast %add3A_365 : i32 to index
        %swap3A_381 = arith.constant 16 : index
        %swap3A_382 = tpu.vector_load %arg14[%swap3A_380, %swap3A_381] {strides = array<i32>} : memref<80x64xf32, #tpu.memory_space<vmem>>, vector<16xf32>,
        tpu.vector_store %arg14[%swap3A_380, %swap3A_381], %mul3A_379 {strides = array<i32>} : memref<80x64xf32, #tpu.memory_space<vmem>>, vector<16xf32>,
        %get3A_383 = arith.index_cast %add3A_365 : i32 to index
        %get3A_384 = arith.constant 32 : index
        %get3A_385 = tpu.vector_load %arg14[%get3A_383, %get3A_384] {strides = array<i32>} : memref<80x64xf32, #tpu.memory_space<vmem>>, vector<16xf32>,
        %mul3A_386 = arith.mulf %get3A_385, %broadcast_in_dim3A_368 : vector<16xf32>
        %swap3A_387 = arith.index_cast %add3A_365 : i32 to index
        %swap3A_388 = arith.constant 32 : index
        %swap3A_389 = tpu.vector_load %arg14[%swap3A_387, %swap3A_388] {strides = array<i32>} : memref<80x64xf32, #tpu.memory_space<vmem>>, vector<16xf32>,
        tpu.vector_store %arg14[%swap3A_387, %swap3A_388], %mul3A_386 {strides = array<i32>} : memref<80x64xf32, #tpu.memory_space<vmem>>, vector<16xf32>,
        %get3A_390 = arith.index_cast %add3A_365 : i32 to index
        %get3A_391 = arith.constant 48 : index
        %get3A_392 = tpu.vector_load %arg14[%get3A_390, %get3A_391] {strides = array<i32>} : memref<80x64xf32, #tpu.memory_space<vmem>>, vector<16xf32>,
        %mul3A_393 = arith.mulf %get3A_392, %broadcast_in_dim3A_368 : vector<16xf32>
        %swap3A_394 = arith.index_cast %add3A_365 : i32 to index
        %swap3A_395 = arith.constant 48 : index
        %swap3A_396 = tpu.vector_load %arg14[%swap3A_394, %swap3A_395] {strides = array<i32>} : memref<80x64xf32, #tpu.memory_space<vmem>>, vector<16xf32>,
        tpu.vector_store %arg14[%swap3A_394, %swap3A_395], %mul3A_393 {strides = array<i32>} : memref<80x64xf32, #tpu.memory_space<vmem>>, vector<16xf32>,
        %mul3A_397 = arith.constant 16 : i32
        %mul3A_398 = arith.muli %add3A_78, %mul3A_397 : i32
        %add3A_399 = arith.constant 9 : i32
        %add3A_400 = arith.addi %mul3A_398, %add3A_399 : i32
        %slice3A_401 = vector.extract_strided_slice %get3A_84 {offsets = [9], sizes = [1], strides = [1]} : vector<16xf32> to vector<1xf32>
        %squeeze3A_402 = vector.extract %slice3A_401[0] : f32 from vector<1xf32>
        %broadcast_in_dim3A_403 = vector.broadcast %squeeze3A_402 : f32 to vector<16xf32>
        %get3A_404 = arith.index_cast %add3A_400 : i32 to index
        %get3A_405 = arith.constant 0 : index
        %get3A_406 = tpu.vector_load %arg14[%get3A_404, %get3A_405] {strides = array<i32>} : memref<80x64xf32, #tpu.memory_space<vmem>>, vector<16xf32>,
        %mul3A_407 = arith.mulf %get3A_406, %broadcast_in_dim3A_403 : vector<16xf32>
        %swap3A_408 = arith.index_cast %add3A_400 : i32 to index
        %swap3A_409 = arith.constant 0 : index
        %swap3A_410 = tpu.vector_load %arg14[%swap3A_408, %swap3A_409] {strides = array<i32>} : memref<80x64xf32, #tpu.memory_space<vmem>>, vector<16xf32>,
        tpu.vector_store %arg14[%swap3A_408, %swap3A_409], %mul3A_407 {strides = array<i32>} : memref<80x64xf32, #tpu.memory_space<vmem>>, vector<16xf32>,
        %get3A_411 = arith.index_cast %add3A_400 : i32 to index
        %get3A_412 = arith.constant 16 : index
        %get3A_413 = tpu.vector_load %arg14[%get3A_411, %get3A_412] {strides = array<i32>} : memref<80x64xf32, #tpu.memory_space<vmem>>, vector<16xf32>,
        %mul3A_414 = arith.mulf %get3A_413, %broadcast_in_dim3A_403 : vector<16xf32>
        %swap3A_415 = arith.index_cast %add3A_400 : i32 to index
        %swap3A_416 = arith.constant 16 : index
        %swap3A_417 = tpu.vector_load %arg14[%swap3A_415, %swap3A_416] {strides = array<i32>} : memref<80x64xf32, #tpu.memory_space<vmem>>, vector<16xf32>,
        tpu.vector_store %arg14[%swap3A_415, %swap3A_416], %mul3A_414 {strides = array<i32>} : memref<80x64xf32, #tpu.memory_space<vmem>>, vector<16xf32>,
        %get3A_418 = arith.index_cast %add3A_400 : i32 to index
        %get3A_419 = arith.constant 32 : index
        %get3A_420 = tpu.vector_load %arg14[%get3A_418, %get3A_419] {strides = array<i32>} : memref<80x64xf32, #tpu.memory_space<vmem>>, vector<16xf32>,
        %mul3A_421 = arith.mulf %get3A_420, %broadcast_in_dim3A_403 : vector<16xf32>
        %swap3A_422 = arith.index_cast %add3A_400 : i32 to index
        %swap3A_423 = arith.constant 32 : index
        %swap3A_424 = tpu.vector_load %arg14[%swap3A_422, %swap3A_423] {strides = array<i32>} : memref<80x64xf32, #tpu.memory_space<vmem>>, vector<16xf32>,
        tpu.vector_store %arg14[%swap3A_422, %swap3A_423], %mul3A_421 {strides = array<i32>} : memref<80x64xf32, #tpu.memory_space<vmem>>, vector<16xf32>,
        %get3A_425 = arith.index_cast %add3A_400 : i32 to index
        %get3A_426 = arith.constant 48 : index
        %get3A_427 = tpu.vector_load %arg14[%get3A_425, %get3A_426] {strides = array<i32>} : memref<80x64xf32, #tpu.memory_space<vmem>>, vector<16xf32>,
        %mul3A_428 = arith.mulf %get3A_427, %broadcast_in_dim3A_403 : vector<16xf32>
        %swap3A_429 = arith.index_cast %add3A_400 : i32 to index
        %swap3A_430 = arith.constant 48 : index
        %swap3A_431 = tpu.vector_load %arg14[%swap3A_429, %swap3A_430] {strides = array<i32>} : memref<80x64xf32, #tpu.memory_space<vmem>>, vector<16xf32>,
        tpu.vector_store %arg14[%swap3A_429, %swap3A_430], %mul3A_428 {strides = array<i32>} : memref<80x64xf32, #tpu.memory_space<vmem>>, vector<16xf32>,
        %mul3A_432 = arith.constant 16 : i32
        %mul3A_433 = arith.muli %add3A_78, %mul3A_432 : i32
        %add3A_434 = arith.constant 10 : i32
        %add3A_435 = arith.addi %mul3A_433, %add3A_434 : i32
        %slice3A_436 = vector.extract_strided_slice %get3A_84 {offsets = [10], sizes = [1], strides = [1]} : vector<16xf32> to vector<1xf32>
        %squeeze3A_437 = vector.extract %slice3A_436[0] : f32 from vector<1xf32>
        %broadcast_in_dim3A_438 = vector.broadcast %squeeze3A_437 : f32 to vector<16xf32>
        %get3A_439 = arith.index_cast %add3A_435 : i32 to index
        %get3A_440 = arith.constant 0 : index
        %get3A_441 = tpu.vector_load %arg14[%get3A_439, %get3A_440] {strides = array<i32>} : memref<80x64xf32, #tpu.memory_space<vmem>>, vector<16xf32>,
        %mul3A_442 = arith.mulf %get3A_441, %broadcast_in_dim3A_438 : vector<16xf32>
        %swap3A_443 = arith.index_cast %add3A_435 : i32 to index
        %swap3A_444 = arith.constant 0 : index
        %swap3A_445 = tpu.vector_load %arg14[%swap3A_443, %swap3A_444] {strides = array<i32>} : memref<80x64xf32, #tpu.memory_space<vmem>>, vector<16xf32>,
        tpu.vector_store %arg14[%swap3A_443, %swap3A_444], %mul3A_442 {strides = array<i32>} : memref<80x64xf32, #tpu.memory_space<vmem>>, vector<16xf32>,
        %get3A_446 = arith.index_cast %add3A_435 : i32 to index
        %get3A_447 = arith.constant 16 : index
        %get3A_448 = tpu.vector_load %arg14[%get3A_446, %get3A_447] {strides = array<i32>} : memref<80x64xf32, #tpu.memory_space<vmem>>, vector<16xf32>,
        %mul3A_449 = arith.mulf %get3A_448, %broadcast_in_dim3A_438 : vector<16xf32>
        %swap3A_450 = arith.index_cast %add3A_435 : i32 to index
        %swap3A_451 = arith.constant 16 : index
        %swap3A_452 = tpu.vector_load %arg14[%swap3A_450, %swap3A_451] {strides = array<i32>} : memref<80x64xf32, #tpu.memory_space<vmem>>, vector<16xf32>,
        tpu.vector_store %arg14[%swap3A_450, %swap3A_451], %mul3A_449 {strides = array<i32>} : memref<80x64xf32, #tpu.memory_space<vmem>>, vector<16xf32>,
        %get3A_453 = arith.index_cast %add3A_435 : i32 to index
        %get3A_454 = arith.constant 32 : index
        %get3A_455 = tpu.vector_load %arg14[%get3A_453, %get3A_454] {strides = array<i32>} : memref<80x64xf32, #tpu.memory_space<vmem>>, vector<16xf32>,
        %mul3A_456 = arith.mulf %get3A_455, %broadcast_in_dim3A_438 : vector<16xf32>
        %swap3A_457 = arith.index_cast %add3A_435 : i32 to index
        %swap3A_458 = arith.constant 32 : index
        %swap3A_459 = tpu.vector_load %arg14[%swap3A_457, %swap3A_458] {strides = array<i32>} : memref<80x64xf32, #tpu.memory_space<vmem>>, vector<16xf32>,
        tpu.vector_store %arg14[%swap3A_457, %swap3A_458], %mul3A_456 {strides = array<i32>} : memref<80x64xf32, #tpu.memory_space<vmem>>, vector<16xf32>,
        %get3A_460 = arith.index_cast %add3A_435 : i32 to index
        %get3A_461 = arith.constant 48 : index
        %get3A_462 = tpu.vector_load %arg14[%get3A_460, %get3A_461] {strides = array<i32>} : memref<80x64xf32, #tpu.memory_space<vmem>>, vector<16xf32>,
        %mul3A_463 = arith.mulf %get3A_462, %broadcast_in_dim3A_438 : vector<16xf32>
        %swap3A_464 = arith.index_cast %add3A_435 : i32 to index
        %swap3A_465 = arith.constant 48 : index
        %swap3A_466 = tpu.vector_load %arg14[%swap3A_464, %swap3A_465] {strides = array<i32>} : memref<80x64xf32, #tpu.memory_space<vmem>>, vector<16xf32>,
        tpu.vector_store %arg14[%swap3A_464, %swap3A_465], %mul3A_463 {strides = array<i32>} : memref<80x64xf32, #tpu.memory_space<vmem>>, vector<16xf32>,
        %mul3A_467 = arith.constant 16 : i32
        %mul3A_468 = arith.muli %add3A_78, %mul3A_467 : i32
        %add3A_469 = arith.constant 11 : i32
        %add3A_470 = arith.addi %mul3A_468, %add3A_469 : i32
        %slice3A_471 = vector.extract_strided_slice %get3A_84 {offsets = [11], sizes = [1], strides = [1]} : vector<16xf32> to vector<1xf32>
        %squeeze3A_472 = vector.extract %slice3A_471[0] : f32 from vector<1xf32>
        %broadcast_in_dim3A_473 = vector.broadcast %squeeze3A_472 : f32 to vector<16xf32>
        %get3A_474 = arith.index_cast %add3A_470 : i32 to index
        %get3A_475 = arith.constant 0 : index
        %get3A_476 = tpu.vector_load %arg14[%get3A_474, %get3A_475] {strides = array<i32>} : memref<80x64xf32, #tpu.memory_space<vmem>>, vector<16xf32>,
        %mul3A_477 = arith.mulf %get3A_476, %broadcast_in_dim3A_473 : vector<16xf32>
        %swap3A_478 = arith.index_cast %add3A_470 : i32 to index
        %swap3A_479 = arith.constant 0 : index
        %swap3A_480 = tpu.vector_load %arg14[%swap3A_478, %swap3A_479] {strides = array<i32>} : memref<80x64xf32, #tpu.memory_space<vmem>>, vector<16xf32>,
        tpu.vector_store %arg14[%swap3A_478, %swap3A_479], %mul3A_477 {strides = array<i32>} : memref<80x64xf32, #tpu.memory_space<vmem>>, vector<16xf32>,
        %get3A_481 = arith.index_cast %add3A_470 : i32 to index
        %get3A_482 = arith.constant 16 : index
        %get3A_483 = tpu.vector_load %arg14[%get3A_481, %get3A_482] {strides = array<i32>} : memref<80x64xf32, #tpu.memory_space<vmem>>, vector<16xf32>,
        %mul3A_484 = arith.mulf %get3A_483, %broadcast_in_dim3A_473 : vector<16xf32>
        %swap3A_485 = arith.index_cast %add3A_470 : i32 to index
        %swap3A_486 = arith.constant 16 : index
        %swap3A_487 = tpu.vector_load %arg14[%swap3A_485, %swap3A_486] {strides = array<i32>} : memref<80x64xf32, #tpu.memory_space<vmem>>, vector<16xf32>,
        tpu.vector_store %arg14[%swap3A_485, %swap3A_486], %mul3A_484 {strides = array<i32>} : memref<80x64xf32, #tpu.memory_space<vmem>>, vector<16xf32>,
        %get3A_488 = arith.index_cast %add3A_470 : i32 to index
        %get3A_489 = arith.constant 32 : index
        %get3A_490 = tpu.vector_load %arg14[%get3A_488, %get3A_489] {strides = array<i32>} : memref<80x64xf32, #tpu.memory_space<vmem>>, vector<16xf32>,
        %mul3A_491 = arith.mulf %get3A_490, %broadcast_in_dim3A_473 : vector<16xf32>
        %swap3A_492 = arith.index_cast %add3A_470 : i32 to index
        %swap3A_493 = arith.constant 32 : index
        %swap3A_494 = tpu.vector_load %arg14[%swap3A_492, %swap3A_493] {strides = array<i32>} : memref<80x64xf32, #tpu.memory_space<vmem>>, vector<16xf32>,
        tpu.vector_store %arg14[%swap3A_492, %swap3A_493], %mul3A_491 {strides = array<i32>} : memref<80x64xf32, #tpu.memory_space<vmem>>, vector<16xf32>,
        %get3A_495 = arith.index_cast %add3A_470 : i32 to index
        %get3A_496 = arith.constant 48 : index
        %get3A_497 = tpu.vector_load %arg14[%get3A_495, %get3A_496] {strides = array<i32>} : memref<80x64xf32, #tpu.memory_space<vmem>>, vector<16xf32>,
        %mul3A_498 = arith.mulf %get3A_497, %broadcast_in_dim3A_473 : vector<16xf32>
        %swap3A_499 = arith.index_cast %add3A_470 : i32 to index
        %swap3A_500 = arith.constant 48 : index
        %swap3A_501 = tpu.vector_load %arg14[%swap3A_499, %swap3A_500] {strides = array<i32>} : memref<80x64xf32, #tpu.memory_space<vmem>>, vector<16xf32>,
        tpu.vector_store %arg14[%swap3A_499, %swap3A_500], %mul3A_498 {strides = array<i32>} : memref<80x64xf32, #tpu.memory_space<vmem>>, vector<16xf32>,
        %mul3A_502 = arith.constant 16 : i32
        %mul3A_503 = arith.muli %add3A_78, %mul3A_502 : i32
        %add3A_504 = arith.constant 12 : i32
        %add3A_505 = arith.addi %mul3A_503, %add3A_504 : i32
        %slice3A_506 = vector.extract_strided_slice %get3A_84 {offsets = [12], sizes = [1], strides = [1]} : vector<16xf32> to vector<1xf32>
        %squeeze3A_507 = vector.extract %slice3A_506[0] : f32 from vector<1xf32>
        %broadcast_in_dim3A_508 = vector.broadcast %squeeze3A_507 : f32 to vector<16xf32>
        %get3A_509 = arith.index_cast %add3A_505 : i32 to index
        %get3A_510 = arith.constant 0 : index
        %get3A_511 = tpu.vector_load %arg14[%get3A_509, %get3A_510] {strides = array<i32>} : memref<80x64xf32, #tpu.memory_space<vmem>>, vector<16xf32>,
        %mul3A_512 = arith.mulf %get3A_511, %broadcast_in_dim3A_508 : vector<16xf32>
        %swap3A_513 = arith.index_cast %add3A_505 : i32 to index
        %swap3A_514 = arith.constant 0 : index
        %swap3A_515 = tpu.vector_load %arg14[%swap3A_513, %swap3A_514] {strides = array<i32>} : memref<80x64xf32, #tpu.memory_space<vmem>>, vector<16xf32>,
        tpu.vector_store %arg14[%swap3A_513, %swap3A_514], %mul3A_512 {strides = array<i32>} : memref<80x64xf32, #tpu.memory_space<vmem>>, vector<16xf32>,
        %get3A_516 = arith.index_cast %add3A_505 : i32 to index
        %get3A_517 = arith.constant 16 : index
        %get3A_518 = tpu.vector_load %arg14[%get3A_516, %get3A_517] {strides = array<i32>} : memref<80x64xf32, #tpu.memory_space<vmem>>, vector<16xf32>,
        %mul3A_519 = arith.mulf %get3A_518, %broadcast_in_dim3A_508 : vector<16xf32>
        %swap3A_520 = arith.index_cast %add3A_505 : i32 to index
        %swap3A_521 = arith.constant 16 : index
        %swap3A_522 = tpu.vector_load %arg14[%swap3A_520, %swap3A_521] {strides = array<i32>} : memref<80x64xf32, #tpu.memory_space<vmem>>, vector<16xf32>,
        tpu.vector_store %arg14[%swap3A_520, %swap3A_521], %mul3A_519 {strides = array<i32>} : memref<80x64xf32, #tpu.memory_space<vmem>>, vector<16xf32>,
        %get3A_523 = arith.index_cast %add3A_505 : i32 to index
        %get3A_524 = arith.constant 32 : index
        %get3A_525 = tpu.vector_load %arg14[%get3A_523, %get3A_524] {strides = array<i32>} : memref<80x64xf32, #tpu.memory_space<vmem>>, vector<16xf32>,
        %mul3A_526 = arith.mulf %get3A_525, %broadcast_in_dim3A_508 : vector<16xf32>
        %swap3A_527 = arith.index_cast %add3A_505 : i32 to index
        %swap3A_528 = arith.constant 32 : index
        %swap3A_529 = tpu.vector_load %arg14[%swap3A_527, %swap3A_528] {strides = array<i32>} : memref<80x64xf32, #tpu.memory_space<vmem>>, vector<16xf32>,
        tpu.vector_store %arg14[%swap3A_527, %swap3A_528], %mul3A_526 {strides = array<i32>} : memref<80x64xf32, #tpu.memory_space<vmem>>, vector<16xf32>,
        %get3A_530 = arith.index_cast %add3A_505 : i32 to index
        %get3A_531 = arith.constant 48 : index
        %get3A_532 = tpu.vector_load %arg14[%get3A_530, %get3A_531] {strides = array<i32>} : memref<80x64xf32, #tpu.memory_space<vmem>>, vector<16xf32>,
        %mul3A_533 = arith.mulf %get3A_532, %broadcast_in_dim3A_508 : vector<16xf32>
        %swap3A_534 = arith.index_cast %add3A_505 : i32 to index
        %swap3A_535 = arith.constant 48 : index
        %swap3A_536 = tpu.vector_load %arg14[%swap3A_534, %swap3A_535] {strides = array<i32>} : memref<80x64xf32, #tpu.memory_space<vmem>>, vector<16xf32>,
        tpu.vector_store %arg14[%swap3A_534, %swap3A_535], %mul3A_533 {strides = array<i32>} : memref<80x64xf32, #tpu.memory_space<vmem>>, vector<16xf32>,
        %mul3A_537 = arith.constant 16 : i32
        %mul3A_538 = arith.muli %add3A_78, %mul3A_537 : i32
        %add3A_539 = arith.constant 13 : i32
        %add3A_540 = arith.addi %mul3A_538, %add3A_539 : i32
        %slice3A_541 = vector.extract_strided_slice %get3A_84 {offsets = [13], sizes = [1], strides = [1]} : vector<16xf32> to vector<1xf32>
        %squeeze3A_542 = vector.extract %slice3A_541[0] : f32 from vector<1xf32>
        %broadcast_in_dim3A_543 = vector.broadcast %squeeze3A_542 : f32 to vector<16xf32>
        %get3A_544 = arith.index_cast %add3A_540 : i32 to index
        %get3A_545 = arith.constant 0 : index
        %get3A_546 = tpu.vector_load %arg14[%get3A_544, %get3A_545] {strides = array<i32>} : memref<80x64xf32, #tpu.memory_space<vmem>>, vector<16xf32>,
        %mul3A_547 = arith.mulf %get3A_546, %broadcast_in_dim3A_543 : vector<16xf32>
        %swap3A_548 = arith.index_cast %add3A_540 : i32 to index
        %swap3A_549 = arith.constant 0 : index
        %swap3A_550 = tpu.vector_load %arg14[%swap3A_548, %swap3A_549] {strides = array<i32>} : memref<80x64xf32, #tpu.memory_space<vmem>>, vector<16xf32>,
        tpu.vector_store %arg14[%swap3A_548, %swap3A_549], %mul3A_547 {strides = array<i32>} : memref<80x64xf32, #tpu.memory_space<vmem>>, vector<16xf32>,
        %get3A_551 = arith.index_cast %add3A_540 : i32 to index
        %get3A_552 = arith.constant 16 : index
        %get3A_553 = tpu.vector_load %arg14[%get3A_551, %get3A_552] {strides = array<i32>} : memref<80x64xf32, #tpu.memory_space<vmem>>, vector<16xf32>,
        %mul3A_554 = arith.mulf %get3A_553, %broadcast_in_dim3A_543 : vector<16xf32>
        %swap3A_555 = arith.index_cast %add3A_540 : i32 to index
        %swap3A_556 = arith.constant 16 : index
        %swap3A_557 = tpu.vector_load %arg14[%swap3A_555, %swap3A_556] {strides = array<i32>} : memref<80x64xf32, #tpu.memory_space<vmem>>, vector<16xf32>,
        tpu.vector_store %arg14[%swap3A_555, %swap3A_556], %mul3A_554 {strides = array<i32>} : memref<80x64xf32, #tpu.memory_space<vmem>>, vector<16xf32>,
        %get3A_558 = arith.index_cast %add3A_540 : i32 to index
        %get3A_559 = arith.constant 32 : index
        %get3A_560 = tpu.vector_load %arg14[%get3A_558, %get3A_559] {strides = array<i32>} : memref<80x64xf32, #tpu.memory_space<vmem>>, vector<16xf32>,
        %mul3A_561 = arith.mulf %get3A_560, %broadcast_in_dim3A_543 : vector<16xf32>
        %swap3A_562 = arith.index_cast %add3A_540 : i32 to index
        %swap3A_563 = arith.constant 32 : index
        %swap3A_564 = tpu.vector_load %arg14[%swap3A_562, %swap3A_563] {strides = array<i32>} : memref<80x64xf32, #tpu.memory_space<vmem>>, vector<16xf32>,
        tpu.vector_store %arg14[%swap3A_562, %swap3A_563], %mul3A_561 {strides = array<i32>} : memref<80x64xf32, #tpu.memory_space<vmem>>, vector<16xf32>,
        %get3A_565 = arith.index_cast %add3A_540 : i32 to index
        %get3A_566 = arith.constant 48 : index
        %get3A_567 = tpu.vector_load %arg14[%get3A_565, %get3A_566] {strides = array<i32>} : memref<80x64xf32, #tpu.memory_space<vmem>>, vector<16xf32>,
        %mul3A_568 = arith.mulf %get3A_567, %broadcast_in_dim3A_543 : vector<16xf32>
        %swap3A_569 = arith.index_cast %add3A_540 : i32 to index
        %swap3A_570 = arith.constant 48 : index
        %swap3A_571 = tpu.vector_load %arg14[%swap3A_569, %swap3A_570] {strides = array<i32>} : memref<80x64xf32, #tpu.memory_space<vmem>>, vector<16xf32>,
        tpu.vector_store %arg14[%swap3A_569, %swap3A_570], %mul3A_568 {strides = array<i32>} : memref<80x64xf32, #tpu.memory_space<vmem>>, vector<16xf32>,
        %mul3A_572 = arith.constant 16 : i32
        %mul3A_573 = arith.muli %add3A_78, %mul3A_572 : i32
        %add3A_574 = arith.constant 14 : i32
        %add3A_575 = arith.addi %mul3A_573, %add3A_574 : i32
        %slice3A_576 = vector.extract_strided_slice %get3A_84 {offsets = [14], sizes = [1], strides = [1]} : vector<16xf32> to vector<1xf32>
        %squeeze3A_577 = vector.extract %slice3A_576[0] : f32 from vector<1xf32>
        %broadcast_in_dim3A_578 = vector.broadcast %squeeze3A_577 : f32 to vector<16xf32>
        %get3A_579 = arith.index_cast %add3A_575 : i32 to index
        %get3A_580 = arith.constant 0 : index
        %get3A_581 = tpu.vector_load %arg14[%get3A_579, %get3A_580] {strides = array<i32>} : memref<80x64xf32, #tpu.memory_space<vmem>>, vector<16xf32>,
        %mul3A_582 = arith.mulf %get3A_581, %broadcast_in_dim3A_578 : vector<16xf32>
        %swap3A_583 = arith.index_cast %add3A_575 : i32 to index
        %swap3A_584 = arith.constant 0 : index
        %swap3A_585 = tpu.vector_load %arg14[%swap3A_583, %swap3A_584] {strides = array<i32>} : memref<80x64xf32, #tpu.memory_space<vmem>>, vector<16xf32>,
        tpu.vector_store %arg14[%swap3A_583, %swap3A_584], %mul3A_582 {strides = array<i32>} : memref<80x64xf32, #tpu.memory_space<vmem>>, vector<16xf32>,
        %get3A_586 = arith.index_cast %add3A_575 : i32 to index
        %get3A_587 = arith.constant 16 : index
        %get3A_588 = tpu.vector_load %arg14[%get3A_586, %get3A_587] {strides = array<i32>} : memref<80x64xf32, #tpu.memory_space<vmem>>, vector<16xf32>,
        %mul3A_589 = arith.mulf %get3A_588, %broadcast_in_dim3A_578 : vector<16xf32>
        %swap3A_590 = arith.index_cast %add3A_575 : i32 to index
        %swap3A_591 = arith.constant 16 : index
        %swap3A_592 = tpu.vector_load %arg14[%swap3A_590, %swap3A_591] {strides = array<i32>} : memref<80x64xf32, #tpu.memory_space<vmem>>, vector<16xf32>,
        tpu.vector_store %arg14[%swap3A_590, %swap3A_591], %mul3A_589 {strides = array<i32>} : memref<80x64xf32, #tpu.memory_space<vmem>>, vector<16xf32>,
        %get3A_593 = arith.index_cast %add3A_575 : i32 to index
        %get3A_594 = arith.constant 32 : index
        %get3A_595 = tpu.vector_load %arg14[%get3A_593, %get3A_594] {strides = array<i32>} : memref<80x64xf32, #tpu.memory_space<vmem>>, vector<16xf32>,
        %mul3A_596 = arith.mulf %get3A_595, %broadcast_in_dim3A_578 : vector<16xf32>
        %swap3A_597 = arith.index_cast %add3A_575 : i32 to index
        %swap3A_598 = arith.constant 32 : index
        %swap3A_599 = tpu.vector_load %arg14[%swap3A_597, %swap3A_598] {strides = array<i32>} : memref<80x64xf32, #tpu.memory_space<vmem>>, vector<16xf32>,
        tpu.vector_store %arg14[%swap3A_597, %swap3A_598], %mul3A_596 {strides = array<i32>} : memref<80x64xf32, #tpu.memory_space<vmem>>, vector<16xf32>,
        %get3A_600 = arith.index_cast %add3A_575 : i32 to index
        %get3A_601 = arith.constant 48 : index
        %get3A_602 = tpu.vector_load %arg14[%get3A_600, %get3A_601] {strides = array<i32>} : memref<80x64xf32, #tpu.memory_space<vmem>>, vector<16xf32>,
        %mul3A_603 = arith.mulf %get3A_602, %broadcast_in_dim3A_578 : vector<16xf32>
        %swap3A_604 = arith.index_cast %add3A_575 : i32 to index
        %swap3A_605 = arith.constant 48 : index
        %swap3A_606 = tpu.vector_load %arg14[%swap3A_604, %swap3A_605] {strides = array<i32>} : memref<80x64xf32, #tpu.memory_space<vmem>>, vector<16xf32>,
        tpu.vector_store %arg14[%swap3A_604, %swap3A_605], %mul3A_603 {strides = array<i32>} : memref<80x64xf32, #tpu.memory_space<vmem>>, vector<16xf32>,
        %mul3A_607 = arith.constant 16 : i32
        %mul3A_608 = arith.muli %add3A_78, %mul3A_607 : i32
        %add3A_609 = arith.constant 15 : i32
        %add3A_610 = arith.addi %mul3A_608, %add3A_609 : i32
        %slice3A_611 = vector.extract_strided_slice %get3A_84 {offsets = [15], sizes = [1], strides = [1]} : vector<16xf32> to vector<1xf32>
        %squeeze3A_612 = vector.extract %slice3A_611[0] : f32 from vector<1xf32>
        %broadcast_in_dim3A_613 = vector.broadcast %squeeze3A_612 : f32 to vector<16xf32>
        %get3A_614 = arith.index_cast %add3A_610 : i32 to index
        %get3A_615 = arith.constant 0 : index
        %get3A_616 = tpu.vector_load %arg14[%get3A_614, %get3A_615] {strides = array<i32>} : memref<80x64xf32, #tpu.memory_space<vmem>>, vector<16xf32>,
        %mul3A_617 = arith.mulf %get3A_616, %broadcast_in_dim3A_613 : vector<16xf32>
        %swap3A_618 = arith.index_cast %add3A_610 : i32 to index
        %swap3A_619 = arith.constant 0 : index
        %swap3A_620 = tpu.vector_load %arg14[%swap3A_618, %swap3A_619] {strides = array<i32>} : memref<80x64xf32, #tpu.memory_space<vmem>>, vector<16xf32>,
        tpu.vector_store %arg14[%swap3A_618, %swap3A_619], %mul3A_617 {strides = array<i32>} : memref<80x64xf32, #tpu.memory_space<vmem>>, vector<16xf32>,
        %get3A_621 = arith.index_cast %add3A_610 : i32 to index
        %get3A_622 = arith.constant 16 : index
        %get3A_623 = tpu.vector_load %arg14[%get3A_621, %get3A_622] {strides = array<i32>} : memref<80x64xf32, #tpu.memory_space<vmem>>, vector<16xf32>,
        %mul3A_624 = arith.mulf %get3A_623, %broadcast_in_dim3A_613 : vector<16xf32>
        %swap3A_625 = arith.index_cast %add3A_610 : i32 to index
        %swap3A_626 = arith.constant 16 : index
        %swap3A_627 = tpu.vector_load %arg14[%swap3A_625, %swap3A_626] {strides = array<i32>} : memref<80x64xf32, #tpu.memory_space<vmem>>, vector<16xf32>,
        tpu.vector_store %arg14[%swap3A_625, %swap3A_626], %mul3A_624 {strides = array<i32>} : memref<80x64xf32, #tpu.memory_space<vmem>>, vector<16xf32>,
        %get3A_628 = arith.index_cast %add3A_610 : i32 to index
        %get3A_629 = arith.constant 32 : index
        %get3A_630 = tpu.vector_load %arg14[%get3A_628, %get3A_629] {strides = array<i32>} : memref<80x64xf32, #tpu.memory_space<vmem>>, vector<16xf32>,
        %mul3A_631 = arith.mulf %get3A_630, %broadcast_in_dim3A_613 : vector<16xf32>
        %swap3A_632 = arith.index_cast %add3A_610 : i32 to index
        %swap3A_633 = arith.constant 32 : index
        %swap3A_634 = tpu.vector_load %arg14[%swap3A_632, %swap3A_633] {strides = array<i32>} : memref<80x64xf32, #tpu.memory_space<vmem>>, vector<16xf32>,
        tpu.vector_store %arg14[%swap3A_632, %swap3A_633], %mul3A_631 {strides = array<i32>} : memref<80x64xf32, #tpu.memory_space<vmem>>, vector<16xf32>,
        %get3A_635 = arith.index_cast %add3A_610 : i32 to index
        %get3A_636 = arith.constant 48 : index
        %get3A_637 = tpu.vector_load %arg14[%get3A_635, %get3A_636] {strides = array<i32>} : memref<80x64xf32, #tpu.memory_space<vmem>>, vector<16xf32>,
        %mul3A_638 = arith.mulf %get3A_637, %broadcast_in_dim3A_613 : vector<16xf32>
        %swap3A_639 = arith.index_cast %add3A_610 : i32 to index
        %swap3A_640 = arith.constant 48 : index
        %swap3A_641 = tpu.vector_load %arg14[%swap3A_639, %swap3A_640] {strides = array<i32>} : memref<80x64xf32, #tpu.memory_space<vmem>>, vector<16xf32>,
        tpu.vector_store %arg14[%swap3A_639, %swap3A_640], %mul3A_638 {strides = array<i32>} : memref<80x64xf32, #tpu.memory_space<vmem>>, vector<16xf32>,
      }
      %scan3A_73 = arith.constant 5 : i32
      "tpu.region"() ({
        %run_scoped3A_74 = tpu.sem_alloc : memref<!tpu.dma_semaphore, #tpu.memory_space<semaphore_mem>>
        %dma_start3A = arith.constant 0 : i32
        %dma_start3A_75 = tpu.memref_slice %arg10[%add3A_68, %dma_start3A] : memref<125x80xi32, #tpu.memory_space<vmem>> -> memref<1x80xi32, #tpu.memory_space<vmem>>
        %dma_start3A_76 = tpu.memref_squeeze %dma_start3A_75 : memref<1x80xi32, #tpu.memory_space<vmem>> -> memref<80xi32, #tpu.memory_space<vmem>>
        %dma_start3A_77 = arith.constant 0 : i32
        %dma_start3A_78 = arith.constant 0 : i32
        %dma_start3A_79 = tpu.memref_slice %arg17[%dma_start3A_77, %dma_start3A_78] : memref<10240x64xf32, #tpu.memory_space<vmem_shared>> -> memref<10240x64xf32, #tpu.memory_space<vmem_shared>>
        tpu.enqueue_indirect_dma source(%arg14 : memref<80x64xf32, #tpu.memory_space<vmem>>) target(%dma_start3A_79 : memref<10240x64xf32, #tpu.memory_space<vmem_shared>>) offsets(%dma_start3A_76 : memref<80xi32, #tpu.memory_space<vmem>>) semaphore(%run_scoped3A_74 : memref<!tpu.dma_semaphore, #tpu.memory_space<semaphore_mem>>) {add = true}
        %dma_wait3A = arith.constant 0 : i32
        %dma_wait3A_80 = tpu.memref_slice %arg10[%add3A_68, %dma_wait3A] : memref<125x80xi32, #tpu.memory_space<vmem>> -> memref<1x80xi32, #tpu.memory_space<vmem>>
        %dma_wait3A_81 = tpu.memref_squeeze %dma_wait3A_80 : memref<1x80xi32, #tpu.memory_space<vmem>> -> memref<80xi32, #tpu.memory_space<vmem>>
        %dma_wait3A_82 = arith.constant 0 : i32
        %dma_wait3A_83 = arith.constant 0 : i32
        %dma_wait3A_84 = tpu.memref_slice %arg17[%dma_wait3A_82, %dma_wait3A_83] : memref<10240x64xf32, #tpu.memory_space<vmem_shared>> -> memref<10240x64xf32, #tpu.memory_space<vmem_shared>>
        tpu.wait_indirect_dma semaphore(%run_scoped3A_74 : memref<!tpu.dma_semaphore, #tpu.memory_space<semaphore_mem>>) src(%arg14 : memref<80x64xf32, #tpu.memory_space<vmem>>) dst(%dma_wait3A_84 : memref<10240x64xf32, #tpu.memory_space<vmem_shared>>)
        tpu.yield
      }) : () -> ()
    }
    %scan3A_40 = arith.constant 125 : i32
    %barrier3A_41 = arith.constant 0 : index
    tpu.barrier barrier_id(%barrier3A_41)
    %mul3A_42 = arith.constant 640 : i32
    %mul3A_43 = arith.muli %arg1, %mul3A_42 : i32
    %mul3A_44 = arith.constant 640 : i32
    %mul3A_45 = arith.muli %arg1, %mul3A_44 : i32
    %run_scoped3A = arith.constant 0 : i32
    "tpu.region"() ({
      %run_scoped3A_65 = tpu.sem_alloc : memref<!tpu.dma_semaphore, #tpu.memory_space<semaphore_mem>>
      %dma_start3A = arith.constant 0 : i32
      %dma_start3A_66 = tpu.memref_slice %arg7[%arg0, %mul3A_45, %run_scoped3A, %dma_start3A] : memref<2x10240x2x64xf32, #tpu.memory_space<hbm>> -> memref<1x640x1x64xf32, #tpu.memory_space<hbm>>
      %dma_start3A_67 = tpu.memref_squeeze %dma_start3A_66 : memref<1x640x1x64xf32, #tpu.memory_space<hbm>> -> memref<640x64xf32, #tpu.memory_space<hbm>>
      %dma_start3A_68 = arith.constant 0 : i32
      %dma_start3A_69 = tpu.memref_slice %arg17[%mul3A_43, %dma_start3A_68] : memref<10240x64xf32, #tpu.memory_space<vmem_shared>> -> memref<640x64xf32, #tpu.memory_space<vmem_shared>>
      tpu.enqueue_dma source(%dma_start3A_69 : memref<640x64xf32, #tpu.memory_space<vmem_shared>>) target(%dma_start3A_67 : memref<640x64xf32, #tpu.memory_space<hbm>>) target_semaphore(%run_scoped3A_65 : memref<!tpu.dma_semaphore, #tpu.memory_space<semaphore_mem>>)
      %dma_wait3A = arith.constant 0 : i32
      %dma_wait3A_70 = tpu.memref_slice %arg7[%arg0, %mul3A_45, %run_scoped3A, %dma_wait3A] : memref<2x10240x2x64xf32, #tpu.memory_space<hbm>> -> memref<1x640x1x64xf32, #tpu.memory_space<hbm>>
      %dma_wait3A_71 = tpu.memref_squeeze %dma_wait3A_70 : memref<1x640x1x64xf32, #tpu.memory_space<hbm>> -> memref<640x64xf32, #tpu.memory_space<hbm>>
      %dma_wait3A_72 = arith.constant 0 : i32
      %dma_wait3A_73 = tpu.memref_slice %arg17[%mul3A_43, %dma_wait3A_72] : memref<10240x64xf32, #tpu.memory_space<vmem_shared>> -> memref<640x64xf32, #tpu.memory_space<vmem_shared>>
      tpu.wait_dma2 semaphore(%run_scoped3A_65 : memref<!tpu.dma_semaphore, #tpu.memory_space<semaphore_mem>>) src(%dma_wait3A_73 : memref<640x64xf32, #tpu.memory_space<vmem_shared>>) dst(%dma_wait3A_71 : memref<640x64xf32, #tpu.memory_space<hbm>>)
      tpu.yield
    }) : () -> ()
    %mul3A_46 = arith.constant 640 : i32
    %mul3A_47 = arith.muli %arg1, %mul3A_46 : i32
    "tpu.region"() ({
      %run_scoped3A_65 = tpu.sem_alloc : memref<!tpu.dma_semaphore, #tpu.memory_space<semaphore_mem>>
      %dma_start3A = arith.constant 0 : i32
      %dma_start3A_66 = tpu.memref_slice %arg17[%mul3A_47, %dma_start3A] : memref<10240x64xf32, #tpu.memory_space<vmem_shared>> -> memref<640x64xf32, #tpu.memory_space<vmem_shared>>
      tpu.enqueue_dma source(%arg6 : memref<640x64xf32, #tpu.memory_space<hbm>>) target(%dma_start3A_66 : memref<640x64xf32, #tpu.memory_space<vmem_shared>>) target_semaphore(%run_scoped3A_65 : memref<!tpu.dma_semaphore, #tpu.memory_space<semaphore_mem>>)
      %dma_wait3A = arith.constant 0 : i32
      %dma_wait3A_67 = tpu.memref_slice %arg17[%mul3A_47, %dma_wait3A] : memref<10240x64xf32, #tpu.memory_space<vmem_shared>> -> memref<640x64xf32, #tpu.memory_space<vmem_shared>>
      tpu.wait_dma2 semaphore(%run_scoped3A_65 : memref<!tpu.dma_semaphore, #tpu.memory_space<semaphore_mem>>) src(%arg6 : memref<640x64xf32, #tpu.memory_space<hbm>>) dst(%dma_wait3A_67 : memref<640x64xf32, #tpu.memory_space<vmem_shared>>)
      tpu.yield
    }) : () -> ()
    %scan3A_48 = arith.constant 0 : i32
    %scan3A_49 = arith.constant 125 : i32
    %scan3A_50 = arith.addi %scan3A_48, %scan3A_49 : i32
    %scan3A_51 = arith.constant 1 : i32
    scf.for %scan3A_65 = %scan3A_48 to %scan3A_50 step %scan3A_51  : i32 {
      %mul3A_66 = arith.constant 1 : i32
      %mul3A_67 = arith.muli %scan3A_65, %mul3A_66 : i32
      %add3A = arith.constant 0 : i32
      %add3A_68 = arith.addi %add3A, %mul3A_67 : i32
      %scan3A_69 = arith.constant 0 : i32
      %scan3A_70 = arith.constant 5 : i32
      %scan3A_71 = arith.addi %scan3A_69, %scan3A_70 : i32
      %scan3A_72 = arith.constant 1 : i32
      scf.for %scan3A_74 = %scan3A_69 to %scan3A_71 step %scan3A_72  : i32 {
        %mul3A_75 = arith.constant 1 : i32
        %mul3A_76 = arith.muli %scan3A_74, %mul3A_75 : i32
        %add3A_77 = arith.constant 0 : i32
        %add3A_78 = arith.addi %add3A_77, %mul3A_76 : i32
        %mul3A_79 = arith.constant 16 : i32
        %mul3A_80 = arith.muli %add3A_78, %mul3A_79 : i32
        %get3A = arith.index_cast %add3A_68 : i32 to index
        %get3A_81 = arith.index_cast %mul3A_80 : i32 to index
        %get3A_82 = tpu.vector_load %arg11[%get3A, %get3A_81] {strides = array<i32>} : memref<125x80xi32, #tpu.memory_space<vmem>>, vector<16xi32>,
        %add3A_83 = arith.addi %get3A_82, %broadcast_in_dim3A_18 : vector<16xi32>
        %swap3A = arith.index_cast %add3A_68 : i32 to index
        %swap3A_84 = arith.index_cast %mul3A_80 : i32 to index
        %swap3A_85 = tpu.vector_load %arg11[%swap3A, %swap3A_84] {strides = array<i32>} : memref<125x80xi32, #tpu.memory_space<vmem>>, vector<16xi32>,
        tpu.vector_store %arg11[%swap3A, %swap3A_84], %add3A_83 {strides = array<i32>} : memref<125x80xi32, #tpu.memory_space<vmem>>, vector<16xi32>,
      }
      %scan3A_73 = arith.constant 5 : i32
    }
    %scan3A_52 = arith.constant 125 : i32
    %barrier3A_53 = arith.constant 0 : index
    tpu.barrier barrier_id(%barrier3A_53)
    %scan3A_54 = arith.constant 0 : i32
    %scan3A_55 = arith.constant 125 : i32
    %scan3A_56 = arith.addi %scan3A_54, %scan3A_55 : i32
    %scan3A_57 = arith.constant 1 : i32
    scf.for %scan3A_65 = %scan3A_54 to %scan3A_56 step %scan3A_57  : i32 {
      %mul3A_66 = arith.constant 1 : i32
      %mul3A_67 = arith.muli %scan3A_65, %mul3A_66 : i32
      %add3A = arith.constant 0 : i32
      %add3A_68 = arith.addi %add3A, %mul3A_67 : i32
      "tpu.region"() ({
        %run_scoped3A_74 = tpu.sem_alloc : memref<!tpu.dma_semaphore, #tpu.memory_space<semaphore_mem>>
        %dma_start3A = arith.constant 0 : i32
        %dma_start3A_75 = tpu.memref_slice %arg11[%add3A_68, %dma_start3A] : memref<125x80xi32, #tpu.memory_space<vmem>> -> memref<1x80xi32, #tpu.memory_space<vmem>>
        %dma_start3A_76 = tpu.memref_squeeze %dma_start3A_75 : memref<1x80xi32, #tpu.memory_space<vmem>> -> memref<80xi32, #tpu.memory_space<vmem>>
        %dma_start3A_77 = arith.constant 0 : i32
        %dma_start3A_78 = arith.constant 0 : i32
        %dma_start3A_79 = tpu.memref_slice %arg2[%dma_start3A_77, %dma_start3A_78] : memref<40000x64xf32, #tpu.memory_space<hbm>> -> memref<40000x64xf32, #tpu.memory_space<hbm>>
        tpu.enqueue_indirect_dma source(%dma_start3A_79 : memref<40000x64xf32, #tpu.memory_space<hbm>>) target(%arg14 : memref<80x64xf32, #tpu.memory_space<vmem>>) offsets(%dma_start3A_76 : memref<80xi32, #tpu.memory_space<vmem>>) semaphore(%run_scoped3A_74 : memref<!tpu.dma_semaphore, #tpu.memory_space<semaphore_mem>>)
        %dma_wait3A = arith.constant 0 : i32
        %dma_wait3A_80 = tpu.memref_slice %arg11[%add3A_68, %dma_wait3A] : memref<125x80xi32, #tpu.memory_space<vmem>> -> memref<1x80xi32, #tpu.memory_space<vmem>>
        %dma_wait3A_81 = tpu.memref_squeeze %dma_wait3A_80 : memref<1x80xi32, #tpu.memory_space<vmem>> -> memref<80xi32, #tpu.memory_space<vmem>>
        %dma_wait3A_82 = arith.constant 0 : i32
        %dma_wait3A_83 = arith.constant 0 : i32
        %dma_wait3A_84 = tpu.memref_slice %arg2[%dma_wait3A_82, %dma_wait3A_83] : memref<40000x64xf32, #tpu.memory_space<hbm>> -> memref<40000x64xf32, #tpu.memory_space<hbm>>
        tpu.wait_indirect_dma semaphore(%run_scoped3A_74 : memref<!tpu.dma_semaphore, #tpu.memory_space<semaphore_mem>>) src(%dma_wait3A_84 : memref<40000x64xf32, #tpu.memory_space<hbm>>) dst(%arg14 : memref<80x64xf32, #tpu.memory_space<vmem>>)
        tpu.yield
      }) : () -> ()
      %scan3A_69 = arith.constant 0 : i32
      %scan3A_70 = arith.constant 5 : i32
      %scan3A_71 = arith.addi %scan3A_69, %scan3A_70 : i32
      %scan3A_72 = arith.constant 1 : i32
      scf.for %scan3A_74 = %scan3A_69 to %scan3A_71 step %scan3A_72  : i32 {
        %mul3A_75 = arith.constant 1 : i32
        %mul3A_76 = arith.muli %scan3A_74, %mul3A_75 : i32
        %add3A_77 = arith.constant 0 : i32
        %add3A_78 = arith.addi %add3A_77, %mul3A_76 : i32
        %mul3A_79 = arith.constant 80 : i32
        %mul3A_80 = arith.muli %add3A_68, %mul3A_79 : i32
        %mul3A_81 = arith.constant 16 : i32
        %mul3A_82 = arith.muli %add3A_78, %mul3A_81 : i32
        %add3A_83 = arith.addi %mul3A_80, %mul3A_82 : i32
        %get3A = arith.index_cast %add3A_83 : i32 to index
        %get3A_84 = tpu.vector_load %arg15[%get3A] {strides = array<i32>} : memref<10000xf32, #tpu.memory_space<vmem>>, vector<16xf32>,
        %mul3A_85 = arith.constant 16 : i32
        %mul3A_86 = arith.muli %add3A_78, %mul3A_85 : i32
        %add3A_87 = arith.constant 0 : i32
        %add3A_88 = arith.addi %mul3A_86, %add3A_87 : i32
        %slice3A = vector.extract_strided_slice %get3A_84 {offsets = [0], sizes = [1], strides = [1]} : vector<16xf32> to vector<1xf32>
        %squeeze3A = vector.extract %slice3A[0] : f32 from vector<1xf32>
        %broadcast_in_dim3A_89 = vector.broadcast %squeeze3A : f32 to vector<16xf32>
        %get3A_90 = arith.index_cast %add3A_88 : i32 to index
        %get3A_91 = arith.constant 0 : index
        %get3A_92 = tpu.vector_load %arg14[%get3A_90, %get3A_91] {strides = array<i32>} : memref<80x64xf32, #tpu.memory_space<vmem>>, vector<16xf32>,
        %mul3A_93 = arith.mulf %get3A_92, %broadcast_in_dim3A_89 : vector<16xf32>
        %swap3A = arith.index_cast %add3A_88 : i32 to index
        %swap3A_94 = arith.constant 0 : index
        %swap3A_95 = tpu.vector_load %arg14[%swap3A, %swap3A_94] {strides = array<i32>} : memref<80x64xf32, #tpu.memory_space<vmem>>, vector<16xf32>,
        tpu.vector_store %arg14[%swap3A, %swap3A_94], %mul3A_93 {strides = array<i32>} : memref<80x64xf32, #tpu.memory_space<vmem>>, vector<16xf32>,
        %get3A_96 = arith.index_cast %add3A_88 : i32 to index
        %get3A_97 = arith.constant 16 : index
        %get3A_98 = tpu.vector_load %arg14[%get3A_96, %get3A_97] {strides = array<i32>} : memref<80x64xf32, #tpu.memory_space<vmem>>, vector<16xf32>,
        %mul3A_99 = arith.mulf %get3A_98, %broadcast_in_dim3A_89 : vector<16xf32>
        %swap3A_100 = arith.index_cast %add3A_88 : i32 to index
        %swap3A_101 = arith.constant 16 : index
        %swap3A_102 = tpu.vector_load %arg14[%swap3A_100, %swap3A_101] {strides = array<i32>} : memref<80x64xf32, #tpu.memory_space<vmem>>, vector<16xf32>,
        tpu.vector_store %arg14[%swap3A_100, %swap3A_101], %mul3A_99 {strides = array<i32>} : memref<80x64xf32, #tpu.memory_space<vmem>>, vector<16xf32>,
        %get3A_103 = arith.index_cast %add3A_88 : i32 to index
        %get3A_104 = arith.constant 32 : index
        %get3A_105 = tpu.vector_load %arg14[%get3A_103, %get3A_104] {strides = array<i32>} : memref<80x64xf32, #tpu.memory_space<vmem>>, vector<16xf32>,
        %mul3A_106 = arith.mulf %get3A_105, %broadcast_in_dim3A_89 : vector<16xf32>
        %swap3A_107 = arith.index_cast %add3A_88 : i32 to index
        %swap3A_108 = arith.constant 32 : index
        %swap3A_109 = tpu.vector_load %arg14[%swap3A_107, %swap3A_108] {strides = array<i32>} : memref<80x64xf32, #tpu.memory_space<vmem>>, vector<16xf32>,
        tpu.vector_store %arg14[%swap3A_107, %swap3A_108], %mul3A_106 {strides = array<i32>} : memref<80x64xf32, #tpu.memory_space<vmem>>, vector<16xf32>,
        %get3A_110 = arith.index_cast %add3A_88 : i32 to index
        %get3A_111 = arith.constant 48 : index
        %get3A_112 = tpu.vector_load %arg14[%get3A_110, %get3A_111] {strides = array<i32>} : memref<80x64xf32, #tpu.memory_space<vmem>>, vector<16xf32>,
        %mul3A_113 = arith.mulf %get3A_112, %broadcast_in_dim3A_89 : vector<16xf32>
        %swap3A_114 = arith.index_cast %add3A_88 : i32 to index
        %swap3A_115 = arith.constant 48 : index
        %swap3A_116 = tpu.vector_load %arg14[%swap3A_114, %swap3A_115] {strides = array<i32>} : memref<80x64xf32, #tpu.memory_space<vmem>>, vector<16xf32>,
        tpu.vector_store %arg14[%swap3A_114, %swap3A_115], %mul3A_113 {strides = array<i32>} : memref<80x64xf32, #tpu.memory_space<vmem>>, vector<16xf32>,
        %mul3A_117 = arith.constant 16 : i32
        %mul3A_118 = arith.muli %add3A_78, %mul3A_117 : i32
        %add3A_119 = arith.constant 1 : i32
        %add3A_120 = arith.addi %mul3A_118, %add3A_119 : i32
        %slice3A_121 = vector.extract_strided_slice %get3A_84 {offsets = [1], sizes = [1], strides = [1]} : vector<16xf32> to vector<1xf32>
        %squeeze3A_122 = vector.extract %slice3A_121[0] : f32 from vector<1xf32>
        %broadcast_in_dim3A_123 = vector.broadcast %squeeze3A_122 : f32 to vector<16xf32>
        %get3A_124 = arith.index_cast %add3A_120 : i32 to index
        %get3A_125 = arith.constant 0 : index
        %get3A_126 = tpu.vector_load %arg14[%get3A_124, %get3A_125] {strides = array<i32>} : memref<80x64xf32, #tpu.memory_space<vmem>>, vector<16xf32>,
        %mul3A_127 = arith.mulf %get3A_126, %broadcast_in_dim3A_123 : vector<16xf32>
        %swap3A_128 = arith.index_cast %add3A_120 : i32 to index
        %swap3A_129 = arith.constant 0 : index
        %swap3A_130 = tpu.vector_load %arg14[%swap3A_128, %swap3A_129] {strides = array<i32>} : memref<80x64xf32, #tpu.memory_space<vmem>>, vector<16xf32>,
        tpu.vector_store %arg14[%swap3A_128, %swap3A_129], %mul3A_127 {strides = array<i32>} : memref<80x64xf32, #tpu.memory_space<vmem>>, vector<16xf32>,
        %get3A_131 = arith.index_cast %add3A_120 : i32 to index
        %get3A_132 = arith.constant 16 : index
        %get3A_133 = tpu.vector_load %arg14[%get3A_131, %get3A_132] {strides = array<i32>} : memref<80x64xf32, #tpu.memory_space<vmem>>, vector<16xf32>,
        %mul3A_134 = arith.mulf %get3A_133, %broadcast_in_dim3A_123 : vector<16xf32>
        %swap3A_135 = arith.index_cast %add3A_120 : i32 to index
        %swap3A_136 = arith.constant 16 : index
        %swap3A_137 = tpu.vector_load %arg14[%swap3A_135, %swap3A_136] {strides = array<i32>} : memref<80x64xf32, #tpu.memory_space<vmem>>, vector<16xf32>,
        tpu.vector_store %arg14[%swap3A_135, %swap3A_136], %mul3A_134 {strides = array<i32>} : memref<80x64xf32, #tpu.memory_space<vmem>>, vector<16xf32>,
        %get3A_138 = arith.index_cast %add3A_120 : i32 to index
        %get3A_139 = arith.constant 32 : index
        %get3A_140 = tpu.vector_load %arg14[%get3A_138, %get3A_139] {strides = array<i32>} : memref<80x64xf32, #tpu.memory_space<vmem>>, vector<16xf32>,
        %mul3A_141 = arith.mulf %get3A_140, %broadcast_in_dim3A_123 : vector<16xf32>
        %swap3A_142 = arith.index_cast %add3A_120 : i32 to index
        %swap3A_143 = arith.constant 32 : index
        %swap3A_144 = tpu.vector_load %arg14[%swap3A_142, %swap3A_143] {strides = array<i32>} : memref<80x64xf32, #tpu.memory_space<vmem>>, vector<16xf32>,
        tpu.vector_store %arg14[%swap3A_142, %swap3A_143], %mul3A_141 {strides = array<i32>} : memref<80x64xf32, #tpu.memory_space<vmem>>, vector<16xf32>,
        %get3A_145 = arith.index_cast %add3A_120 : i32 to index
        %get3A_146 = arith.constant 48 : index
        %get3A_147 = tpu.vector_load %arg14[%get3A_145, %get3A_146] {strides = array<i32>} : memref<80x64xf32, #tpu.memory_space<vmem>>, vector<16xf32>,
        %mul3A_148 = arith.mulf %get3A_147, %broadcast_in_dim3A_123 : vector<16xf32>
        %swap3A_149 = arith.index_cast %add3A_120 : i32 to index
        %swap3A_150 = arith.constant 48 : index
        %swap3A_151 = tpu.vector_load %arg14[%swap3A_149, %swap3A_150] {strides = array<i32>} : memref<80x64xf32, #tpu.memory_space<vmem>>, vector<16xf32>,
        tpu.vector_store %arg14[%swap3A_149, %swap3A_150], %mul3A_148 {strides = array<i32>} : memref<80x64xf32, #tpu.memory_space<vmem>>, vector<16xf32>,
        %mul3A_152 = arith.constant 16 : i32
        %mul3A_153 = arith.muli %add3A_78, %mul3A_152 : i32
        %add3A_154 = arith.constant 2 : i32
        %add3A_155 = arith.addi %mul3A_153, %add3A_154 : i32
        %slice3A_156 = vector.extract_strided_slice %get3A_84 {offsets = [2], sizes = [1], strides = [1]} : vector<16xf32> to vector<1xf32>
        %squeeze3A_157 = vector.extract %slice3A_156[0] : f32 from vector<1xf32>
        %broadcast_in_dim3A_158 = vector.broadcast %squeeze3A_157 : f32 to vector<16xf32>
        %get3A_159 = arith.index_cast %add3A_155 : i32 to index
        %get3A_160 = arith.constant 0 : index
        %get3A_161 = tpu.vector_load %arg14[%get3A_159, %get3A_160] {strides = array<i32>} : memref<80x64xf32, #tpu.memory_space<vmem>>, vector<16xf32>,
        %mul3A_162 = arith.mulf %get3A_161, %broadcast_in_dim3A_158 : vector<16xf32>
        %swap3A_163 = arith.index_cast %add3A_155 : i32 to index
        %swap3A_164 = arith.constant 0 : index
        %swap3A_165 = tpu.vector_load %arg14[%swap3A_163, %swap3A_164] {strides = array<i32>} : memref<80x64xf32, #tpu.memory_space<vmem>>, vector<16xf32>,
        tpu.vector_store %arg14[%swap3A_163, %swap3A_164], %mul3A_162 {strides = array<i32>} : memref<80x64xf32, #tpu.memory_space<vmem>>, vector<16xf32>,
        %get3A_166 = arith.index_cast %add3A_155 : i32 to index
        %get3A_167 = arith.constant 16 : index
        %get3A_168 = tpu.vector_load %arg14[%get3A_166, %get3A_167] {strides = array<i32>} : memref<80x64xf32, #tpu.memory_space<vmem>>, vector<16xf32>,
        %mul3A_169 = arith.mulf %get3A_168, %broadcast_in_dim3A_158 : vector<16xf32>
        %swap3A_170 = arith.index_cast %add3A_155 : i32 to index
        %swap3A_171 = arith.constant 16 : index
        %swap3A_172 = tpu.vector_load %arg14[%swap3A_170, %swap3A_171] {strides = array<i32>} : memref<80x64xf32, #tpu.memory_space<vmem>>, vector<16xf32>,
        tpu.vector_store %arg14[%swap3A_170, %swap3A_171], %mul3A_169 {strides = array<i32>} : memref<80x64xf32, #tpu.memory_space<vmem>>, vector<16xf32>,
        %get3A_173 = arith.index_cast %add3A_155 : i32 to index
        %get3A_174 = arith.constant 32 : index
        %get3A_175 = tpu.vector_load %arg14[%get3A_173, %get3A_174] {strides = array<i32>} : memref<80x64xf32, #tpu.memory_space<vmem>>, vector<16xf32>,
        %mul3A_176 = arith.mulf %get3A_175, %broadcast_in_dim3A_158 : vector<16xf32>
        %swap3A_177 = arith.index_cast %add3A_155 : i32 to index
        %swap3A_178 = arith.constant 32 : index
        %swap3A_179 = tpu.vector_load %arg14[%swap3A_177, %swap3A_178] {strides = array<i32>} : memref<80x64xf32, #tpu.memory_space<vmem>>, vector<16xf32>,
        tpu.vector_store %arg14[%swap3A_177, %swap3A_178], %mul3A_176 {strides = array<i32>} : memref<80x64xf32, #tpu.memory_space<vmem>>, vector<16xf32>,
        %get3A_180 = arith.index_cast %add3A_155 : i32 to index
        %get3A_181 = arith.constant 48 : index
        %get3A_182 = tpu.vector_load %arg14[%get3A_180, %get3A_181] {strides = array<i32>} : memref<80x64xf32, #tpu.memory_space<vmem>>, vector<16xf32>,
        %mul3A_183 = arith.mulf %get3A_182, %broadcast_in_dim3A_158 : vector<16xf32>
        %swap3A_184 = arith.index_cast %add3A_155 : i32 to index
        %swap3A_185 = arith.constant 48 : index
        %swap3A_186 = tpu.vector_load %arg14[%swap3A_184, %swap3A_185] {strides = array<i32>} : memref<80x64xf32, #tpu.memory_space<vmem>>, vector<16xf32>,
        tpu.vector_store %arg14[%swap3A_184, %swap3A_185], %mul3A_183 {strides = array<i32>} : memref<80x64xf32, #tpu.memory_space<vmem>>, vector<16xf32>,
        %mul3A_187 = arith.constant 16 : i32
        %mul3A_188 = arith.muli %add3A_78, %mul3A_187 : i32
        %add3A_189 = arith.constant 3 : i32
        %add3A_190 = arith.addi %mul3A_188, %add3A_189 : i32
        %slice3A_191 = vector.extract_strided_slice %get3A_84 {offsets = [3], sizes = [1], strides = [1]} : vector<16xf32> to vector<1xf32>
        %squeeze3A_192 = vector.extract %slice3A_191[0] : f32 from vector<1xf32>
        %broadcast_in_dim3A_193 = vector.broadcast %squeeze3A_192 : f32 to vector<16xf32>
        %get3A_194 = arith.index_cast %add3A_190 : i32 to index
        %get3A_195 = arith.constant 0 : index
        %get3A_196 = tpu.vector_load %arg14[%get3A_194, %get3A_195] {strides = array<i32>} : memref<80x64xf32, #tpu.memory_space<vmem>>, vector<16xf32>,
        %mul3A_197 = arith.mulf %get3A_196, %broadcast_in_dim3A_193 : vector<16xf32>
        %swap3A_198 = arith.index_cast %add3A_190 : i32 to index
        %swap3A_199 = arith.constant 0 : index
        %swap3A_200 = tpu.vector_load %arg14[%swap3A_198, %swap3A_199] {strides = array<i32>} : memref<80x64xf32, #tpu.memory_space<vmem>>, vector<16xf32>,
        tpu.vector_store %arg14[%swap3A_198, %swap3A_199], %mul3A_197 {strides = array<i32>} : memref<80x64xf32, #tpu.memory_space<vmem>>, vector<16xf32>,
        %get3A_201 = arith.index_cast %add3A_190 : i32 to index
        %get3A_202 = arith.constant 16 : index
        %get3A_203 = tpu.vector_load %arg14[%get3A_201, %get3A_202] {strides = array<i32>} : memref<80x64xf32, #tpu.memory_space<vmem>>, vector<16xf32>,
        %mul3A_204 = arith.mulf %get3A_203, %broadcast_in_dim3A_193 : vector<16xf32>
        %swap3A_205 = arith.index_cast %add3A_190 : i32 to index
        %swap3A_206 = arith.constant 16 : index
        %swap3A_207 = tpu.vector_load %arg14[%swap3A_205, %swap3A_206] {strides = array<i32>} : memref<80x64xf32, #tpu.memory_space<vmem>>, vector<16xf32>,
        tpu.vector_store %arg14[%swap3A_205, %swap3A_206], %mul3A_204 {strides = array<i32>} : memref<80x64xf32, #tpu.memory_space<vmem>>, vector<16xf32>,
        %get3A_208 = arith.index_cast %add3A_190 : i32 to index
        %get3A_209 = arith.constant 32 : index
        %get3A_210 = tpu.vector_load %arg14[%get3A_208, %get3A_209] {strides = array<i32>} : memref<80x64xf32, #tpu.memory_space<vmem>>, vector<16xf32>,
        %mul3A_211 = arith.mulf %get3A_210, %broadcast_in_dim3A_193 : vector<16xf32>
        %swap3A_212 = arith.index_cast %add3A_190 : i32 to index
        %swap3A_213 = arith.constant 32 : index
        %swap3A_214 = tpu.vector_load %arg14[%swap3A_212, %swap3A_213] {strides = array<i32>} : memref<80x64xf32, #tpu.memory_space<vmem>>, vector<16xf32>,
        tpu.vector_store %arg14[%swap3A_212, %swap3A_213], %mul3A_211 {strides = array<i32>} : memref<80x64xf32, #tpu.memory_space<vmem>>, vector<16xf32>,
        %get3A_215 = arith.index_cast %add3A_190 : i32 to index
        %get3A_216 = arith.constant 48 : index
        %get3A_217 = tpu.vector_load %arg14[%get3A_215, %get3A_216] {strides = array<i32>} : memref<80x64xf32, #tpu.memory_space<vmem>>, vector<16xf32>,
        %mul3A_218 = arith.mulf %get3A_217, %broadcast_in_dim3A_193 : vector<16xf32>
        %swap3A_219 = arith.index_cast %add3A_190 : i32 to index
        %swap3A_220 = arith.constant 48 : index
        %swap3A_221 = tpu.vector_load %arg14[%swap3A_219, %swap3A_220] {strides = array<i32>} : memref<80x64xf32, #tpu.memory_space<vmem>>, vector<16xf32>,
        tpu.vector_store %arg14[%swap3A_219, %swap3A_220], %mul3A_218 {strides = array<i32>} : memref<80x64xf32, #tpu.memory_space<vmem>>, vector<16xf32>,
        %mul3A_222 = arith.constant 16 : i32
        %mul3A_223 = arith.muli %add3A_78, %mul3A_222 : i32
        %add3A_224 = arith.constant 4 : i32
        %add3A_225 = arith.addi %mul3A_223, %add3A_224 : i32
        %slice3A_226 = vector.extract_strided_slice %get3A_84 {offsets = [4], sizes = [1], strides = [1]} : vector<16xf32> to vector<1xf32>
        %squeeze3A_227 = vector.extract %slice3A_226[0] : f32 from vector<1xf32>
        %broadcast_in_dim3A_228 = vector.broadcast %squeeze3A_227 : f32 to vector<16xf32>
        %get3A_229 = arith.index_cast %add3A_225 : i32 to index
        %get3A_230 = arith.constant 0 : index
        %get3A_231 = tpu.vector_load %arg14[%get3A_229, %get3A_230] {strides = array<i32>} : memref<80x64xf32, #tpu.memory_space<vmem>>, vector<16xf32>,
        %mul3A_232 = arith.mulf %get3A_231, %broadcast_in_dim3A_228 : vector<16xf32>
        %swap3A_233 = arith.index_cast %add3A_225 : i32 to index
        %swap3A_234 = arith.constant 0 : index
        %swap3A_235 = tpu.vector_load %arg14[%swap3A_233, %swap3A_234] {strides = array<i32>} : memref<80x64xf32, #tpu.memory_space<vmem>>, vector<16xf32>,
        tpu.vector_store %arg14[%swap3A_233, %swap3A_234], %mul3A_232 {strides = array<i32>} : memref<80x64xf32, #tpu.memory_space<vmem>>, vector<16xf32>,
        %get3A_236 = arith.index_cast %add3A_225 : i32 to index
        %get3A_237 = arith.constant 16 : index
        %get3A_238 = tpu.vector_load %arg14[%get3A_236, %get3A_237] {strides = array<i32>} : memref<80x64xf32, #tpu.memory_space<vmem>>, vector<16xf32>,
        %mul3A_239 = arith.mulf %get3A_238, %broadcast_in_dim3A_228 : vector<16xf32>
        %swap3A_240 = arith.index_cast %add3A_225 : i32 to index
        %swap3A_241 = arith.constant 16 : index
        %swap3A_242 = tpu.vector_load %arg14[%swap3A_240, %swap3A_241] {strides = array<i32>} : memref<80x64xf32, #tpu.memory_space<vmem>>, vector<16xf32>,
        tpu.vector_store %arg14[%swap3A_240, %swap3A_241], %mul3A_239 {strides = array<i32>} : memref<80x64xf32, #tpu.memory_space<vmem>>, vector<16xf32>,
        %get3A_243 = arith.index_cast %add3A_225 : i32 to index
        %get3A_244 = arith.constant 32 : index
        %get3A_245 = tpu.vector_load %arg14[%get3A_243, %get3A_244] {strides = array<i32>} : memref<80x64xf32, #tpu.memory_space<vmem>>, vector<16xf32>,
        %mul3A_246 = arith.mulf %get3A_245, %broadcast_in_dim3A_228 : vector<16xf32>
        %swap3A_247 = arith.index_cast %add3A_225 : i32 to index
        %swap3A_248 = arith.constant 32 : index
        %swap3A_249 = tpu.vector_load %arg14[%swap3A_247, %swap3A_248] {strides = array<i32>} : memref<80x64xf32, #tpu.memory_space<vmem>>, vector<16xf32>,
        tpu.vector_store %arg14[%swap3A_247, %swap3A_248], %mul3A_246 {strides = array<i32>} : memref<80x64xf32, #tpu.memory_space<vmem>>, vector<16xf32>,
        %get3A_250 = arith.index_cast %add3A_225 : i32 to index
        %get3A_251 = arith.constant 48 : index
        %get3A_252 = tpu.vector_load %arg14[%get3A_250, %get3A_251] {strides = array<i32>} : memref<80x64xf32, #tpu.memory_space<vmem>>, vector<16xf32>,
        %mul3A_253 = arith.mulf %get3A_252, %broadcast_in_dim3A_228 : vector<16xf32>
        %swap3A_254 = arith.index_cast %add3A_225 : i32 to index
        %swap3A_255 = arith.constant 48 : index
        %swap3A_256 = tpu.vector_load %arg14[%swap3A_254, %swap3A_255] {strides = array<i32>} : memref<80x64xf32, #tpu.memory_space<vmem>>, vector<16xf32>,
        tpu.vector_store %arg14[%swap3A_254, %swap3A_255], %mul3A_253 {strides = array<i32>} : memref<80x64xf32, #tpu.memory_space<vmem>>, vector<16xf32>,
        %mul3A_257 = arith.constant 16 : i32
        %mul3A_258 = arith.muli %add3A_78, %mul3A_257 : i32
        %add3A_259 = arith.constant 5 : i32
        %add3A_260 = arith.addi %mul3A_258, %add3A_259 : i32
        %slice3A_261 = vector.extract_strided_slice %get3A_84 {offsets = [5], sizes = [1], strides = [1]} : vector<16xf32> to vector<1xf32>
        %squeeze3A_262 = vector.extract %slice3A_261[0] : f32 from vector<1xf32>
        %broadcast_in_dim3A_263 = vector.broadcast %squeeze3A_262 : f32 to vector<16xf32>
        %get3A_264 = arith.index_cast %add3A_260 : i32 to index
        %get3A_265 = arith.constant 0 : index
        %get3A_266 = tpu.vector_load %arg14[%get3A_264, %get3A_265] {strides = array<i32>} : memref<80x64xf32, #tpu.memory_space<vmem>>, vector<16xf32>,
        %mul3A_267 = arith.mulf %get3A_266, %broadcast_in_dim3A_263 : vector<16xf32>
        %swap3A_268 = arith.index_cast %add3A_260 : i32 to index
        %swap3A_269 = arith.constant 0 : index
        %swap3A_270 = tpu.vector_load %arg14[%swap3A_268, %swap3A_269] {strides = array<i32>} : memref<80x64xf32, #tpu.memory_space<vmem>>, vector<16xf32>,
        tpu.vector_store %arg14[%swap3A_268, %swap3A_269], %mul3A_267 {strides = array<i32>} : memref<80x64xf32, #tpu.memory_space<vmem>>, vector<16xf32>,
        %get3A_271 = arith.index_cast %add3A_260 : i32 to index
        %get3A_272 = arith.constant 16 : index
        %get3A_273 = tpu.vector_load %arg14[%get3A_271, %get3A_272] {strides = array<i32>} : memref<80x64xf32, #tpu.memory_space<vmem>>, vector<16xf32>,
        %mul3A_274 = arith.mulf %get3A_273, %broadcast_in_dim3A_263 : vector<16xf32>
        %swap3A_275 = arith.index_cast %add3A_260 : i32 to index
        %swap3A_276 = arith.constant 16 : index
        %swap3A_277 = tpu.vector_load %arg14[%swap3A_275, %swap3A_276] {strides = array<i32>} : memref<80x64xf32, #tpu.memory_space<vmem>>, vector<16xf32>,
        tpu.vector_store %arg14[%swap3A_275, %swap3A_276], %mul3A_274 {strides = array<i32>} : memref<80x64xf32, #tpu.memory_space<vmem>>, vector<16xf32>,
        %get3A_278 = arith.index_cast %add3A_260 : i32 to index
        %get3A_279 = arith.constant 32 : index
        %get3A_280 = tpu.vector_load %arg14[%get3A_278, %get3A_279] {strides = array<i32>} : memref<80x64xf32, #tpu.memory_space<vmem>>, vector<16xf32>,
        %mul3A_281 = arith.mulf %get3A_280, %broadcast_in_dim3A_263 : vector<16xf32>
        %swap3A_282 = arith.index_cast %add3A_260 : i32 to index
        %swap3A_283 = arith.constant 32 : index
        %swap3A_284 = tpu.vector_load %arg14[%swap3A_282, %swap3A_283] {strides = array<i32>} : memref<80x64xf32, #tpu.memory_space<vmem>>, vector<16xf32>,
        tpu.vector_store %arg14[%swap3A_282, %swap3A_283], %mul3A_281 {strides = array<i32>} : memref<80x64xf32, #tpu.memory_space<vmem>>, vector<16xf32>,
        %get3A_285 = arith.index_cast %add3A_260 : i32 to index
        %get3A_286 = arith.constant 48 : index
        %get3A_287 = tpu.vector_load %arg14[%get3A_285, %get3A_286] {strides = array<i32>} : memref<80x64xf32, #tpu.memory_space<vmem>>, vector<16xf32>,
        %mul3A_288 = arith.mulf %get3A_287, %broadcast_in_dim3A_263 : vector<16xf32>
        %swap3A_289 = arith.index_cast %add3A_260 : i32 to index
        %swap3A_290 = arith.constant 48 : index
        %swap3A_291 = tpu.vector_load %arg14[%swap3A_289, %swap3A_290] {strides = array<i32>} : memref<80x64xf32, #tpu.memory_space<vmem>>, vector<16xf32>,
        tpu.vector_store %arg14[%swap3A_289, %swap3A_290], %mul3A_288 {strides = array<i32>} : memref<80x64xf32, #tpu.memory_space<vmem>>, vector<16xf32>,
        %mul3A_292 = arith.constant 16 : i32
        %mul3A_293 = arith.muli %add3A_78, %mul3A_292 : i32
        %add3A_294 = arith.constant 6 : i32
        %add3A_295 = arith.addi %mul3A_293, %add3A_294 : i32
        %slice3A_296 = vector.extract_strided_slice %get3A_84 {offsets = [6], sizes = [1], strides = [1]} : vector<16xf32> to vector<1xf32>
        %squeeze3A_297 = vector.extract %slice3A_296[0] : f32 from vector<1xf32>
        %broadcast_in_dim3A_298 = vector.broadcast %squeeze3A_297 : f32 to vector<16xf32>
        %get3A_299 = arith.index_cast %add3A_295 : i32 to index
        %get3A_300 = arith.constant 0 : index
        %get3A_301 = tpu.vector_load %arg14[%get3A_299, %get3A_300] {strides = array<i32>} : memref<80x64xf32, #tpu.memory_space<vmem>>, vector<16xf32>,
        %mul3A_302 = arith.mulf %get3A_301, %broadcast_in_dim3A_298 : vector<16xf32>
        %swap3A_303 = arith.index_cast %add3A_295 : i32 to index
        %swap3A_304 = arith.constant 0 : index
        %swap3A_305 = tpu.vector_load %arg14[%swap3A_303, %swap3A_304] {strides = array<i32>} : memref<80x64xf32, #tpu.memory_space<vmem>>, vector<16xf32>,
        tpu.vector_store %arg14[%swap3A_303, %swap3A_304], %mul3A_302 {strides = array<i32>} : memref<80x64xf32, #tpu.memory_space<vmem>>, vector<16xf32>,
        %get3A_306 = arith.index_cast %add3A_295 : i32 to index
        %get3A_307 = arith.constant 16 : index
        %get3A_308 = tpu.vector_load %arg14[%get3A_306, %get3A_307] {strides = array<i32>} : memref<80x64xf32, #tpu.memory_space<vmem>>, vector<16xf32>,
        %mul3A_309 = arith.mulf %get3A_308, %broadcast_in_dim3A_298 : vector<16xf32>
        %swap3A_310 = arith.index_cast %add3A_295 : i32 to index
        %swap3A_311 = arith.constant 16 : index
        %swap3A_312 = tpu.vector_load %arg14[%swap3A_310, %swap3A_311] {strides = array<i32>} : memref<80x64xf32, #tpu.memory_space<vmem>>, vector<16xf32>,
        tpu.vector_store %arg14[%swap3A_310, %swap3A_311], %mul3A_309 {strides = array<i32>} : memref<80x64xf32, #tpu.memory_space<vmem>>, vector<16xf32>,
        %get3A_313 = arith.index_cast %add3A_295 : i32 to index
        %get3A_314 = arith.constant 32 : index
        %get3A_315 = tpu.vector_load %arg14[%get3A_313, %get3A_314] {strides = array<i32>} : memref<80x64xf32, #tpu.memory_space<vmem>>, vector<16xf32>,
        %mul3A_316 = arith.mulf %get3A_315, %broadcast_in_dim3A_298 : vector<16xf32>
        %swap3A_317 = arith.index_cast %add3A_295 : i32 to index
        %swap3A_318 = arith.constant 32 : index
        %swap3A_319 = tpu.vector_load %arg14[%swap3A_317, %swap3A_318] {strides = array<i32>} : memref<80x64xf32, #tpu.memory_space<vmem>>, vector<16xf32>,
        tpu.vector_store %arg14[%swap3A_317, %swap3A_318], %mul3A_316 {strides = array<i32>} : memref<80x64xf32, #tpu.memory_space<vmem>>, vector<16xf32>,
        %get3A_320 = arith.index_cast %add3A_295 : i32 to index
        %get3A_321 = arith.constant 48 : index
        %get3A_322 = tpu.vector_load %arg14[%get3A_320, %get3A_321] {strides = array<i32>} : memref<80x64xf32, #tpu.memory_space<vmem>>, vector<16xf32>,
        %mul3A_323 = arith.mulf %get3A_322, %broadcast_in_dim3A_298 : vector<16xf32>
        %swap3A_324 = arith.index_cast %add3A_295 : i32 to index
        %swap3A_325 = arith.constant 48 : index
        %swap3A_326 = tpu.vector_load %arg14[%swap3A_324, %swap3A_325] {strides = array<i32>} : memref<80x64xf32, #tpu.memory_space<vmem>>, vector<16xf32>,
        tpu.vector_store %arg14[%swap3A_324, %swap3A_325], %mul3A_323 {strides = array<i32>} : memref<80x64xf32, #tpu.memory_space<vmem>>, vector<16xf32>,
        %mul3A_327 = arith.constant 16 : i32
        %mul3A_328 = arith.muli %add3A_78, %mul3A_327 : i32
        %add3A_329 = arith.constant 7 : i32
        %add3A_330 = arith.addi %mul3A_328, %add3A_329 : i32
        %slice3A_331 = vector.extract_strided_slice %get3A_84 {offsets = [7], sizes = [1], strides = [1]} : vector<16xf32> to vector<1xf32>
        %squeeze3A_332 = vector.extract %slice3A_331[0] : f32 from vector<1xf32>
        %broadcast_in_dim3A_333 = vector.broadcast %squeeze3A_332 : f32 to vector<16xf32>
        %get3A_334 = arith.index_cast %add3A_330 : i32 to index
        %get3A_335 = arith.constant 0 : index
        %get3A_336 = tpu.vector_load %arg14[%get3A_334, %get3A_335] {strides = array<i32>} : memref<80x64xf32, #tpu.memory_space<vmem>>, vector<16xf32>,
        %mul3A_337 = arith.mulf %get3A_336, %broadcast_in_dim3A_333 : vector<16xf32>
        %swap3A_338 = arith.index_cast %add3A_330 : i32 to index
        %swap3A_339 = arith.constant 0 : index
        %swap3A_340 = tpu.vector_load %arg14[%swap3A_338, %swap3A_339] {strides = array<i32>} : memref<80x64xf32, #tpu.memory_space<vmem>>, vector<16xf32>,
        tpu.vector_store %arg14[%swap3A_338, %swap3A_339], %mul3A_337 {strides = array<i32>} : memref<80x64xf32, #tpu.memory_space<vmem>>, vector<16xf32>,
        %get3A_341 = arith.index_cast %add3A_330 : i32 to index
        %get3A_342 = arith.constant 16 : index
        %get3A_343 = tpu.vector_load %arg14[%get3A_341, %get3A_342] {strides = array<i32>} : memref<80x64xf32, #tpu.memory_space<vmem>>, vector<16xf32>,
        %mul3A_344 = arith.mulf %get3A_343, %broadcast_in_dim3A_333 : vector<16xf32>
        %swap3A_345 = arith.index_cast %add3A_330 : i32 to index
        %swap3A_346 = arith.constant 16 : index
        %swap3A_347 = tpu.vector_load %arg14[%swap3A_345, %swap3A_346] {strides = array<i32>} : memref<80x64xf32, #tpu.memory_space<vmem>>, vector<16xf32>,
        tpu.vector_store %arg14[%swap3A_345, %swap3A_346], %mul3A_344 {strides = array<i32>} : memref<80x64xf32, #tpu.memory_space<vmem>>, vector<16xf32>,
        %get3A_348 = arith.index_cast %add3A_330 : i32 to index
        %get3A_349 = arith.constant 32 : index
        %get3A_350 = tpu.vector_load %arg14[%get3A_348, %get3A_349] {strides = array<i32>} : memref<80x64xf32, #tpu.memory_space<vmem>>, vector<16xf32>,
        %mul3A_351 = arith.mulf %get3A_350, %broadcast_in_dim3A_333 : vector<16xf32>
        %swap3A_352 = arith.index_cast %add3A_330 : i32 to index
        %swap3A_353 = arith.constant 32 : index
        %swap3A_354 = tpu.vector_load %arg14[%swap3A_352, %swap3A_353] {strides = array<i32>} : memref<80x64xf32, #tpu.memory_space<vmem>>, vector<16xf32>,
        tpu.vector_store %arg14[%swap3A_352, %swap3A_353], %mul3A_351 {strides = array<i32>} : memref<80x64xf32, #tpu.memory_space<vmem>>, vector<16xf32>,
        %get3A_355 = arith.index_cast %add3A_330 : i32 to index
        %get3A_356 = arith.constant 48 : index
        %get3A_357 = tpu.vector_load %arg14[%get3A_355, %get3A_356] {strides = array<i32>} : memref<80x64xf32, #tpu.memory_space<vmem>>, vector<16xf32>,
        %mul3A_358 = arith.mulf %get3A_357, %broadcast_in_dim3A_333 : vector<16xf32>
        %swap3A_359 = arith.index_cast %add3A_330 : i32 to index
        %swap3A_360 = arith.constant 48 : index
        %swap3A_361 = tpu.vector_load %arg14[%swap3A_359, %swap3A_360] {strides = array<i32>} : memref<80x64xf32, #tpu.memory_space<vmem>>, vector<16xf32>,
        tpu.vector_store %arg14[%swap3A_359, %swap3A_360], %mul3A_358 {strides = array<i32>} : memref<80x64xf32, #tpu.memory_space<vmem>>, vector<16xf32>,
        %mul3A_362 = arith.constant 16 : i32
        %mul3A_363 = arith.muli %add3A_78, %mul3A_362 : i32
        %add3A_364 = arith.constant 8 : i32
        %add3A_365 = arith.addi %mul3A_363, %add3A_364 : i32
        %slice3A_366 = vector.extract_strided_slice %get3A_84 {offsets = [8], sizes = [1], strides = [1]} : vector<16xf32> to vector<1xf32>
        %squeeze3A_367 = vector.extract %slice3A_366[0] : f32 from vector<1xf32>
        %broadcast_in_dim3A_368 = vector.broadcast %squeeze3A_367 : f32 to vector<16xf32>
        %get3A_369 = arith.index_cast %add3A_365 : i32 to index
        %get3A_370 = arith.constant 0 : index
        %get3A_371 = tpu.vector_load %arg14[%get3A_369, %get3A_370] {strides = array<i32>} : memref<80x64xf32, #tpu.memory_space<vmem>>, vector<16xf32>,
        %mul3A_372 = arith.mulf %get3A_371, %broadcast_in_dim3A_368 : vector<16xf32>
        %swap3A_373 = arith.index_cast %add3A_365 : i32 to index
        %swap3A_374 = arith.constant 0 : index
        %swap3A_375 = tpu.vector_load %arg14[%swap3A_373, %swap3A_374] {strides = array<i32>} : memref<80x64xf32, #tpu.memory_space<vmem>>, vector<16xf32>,
        tpu.vector_store %arg14[%swap3A_373, %swap3A_374], %mul3A_372 {strides = array<i32>} : memref<80x64xf32, #tpu.memory_space<vmem>>, vector<16xf32>,
        %get3A_376 = arith.index_cast %add3A_365 : i32 to index
        %get3A_377 = arith.constant 16 : index
        %get3A_378 = tpu.vector_load %arg14[%get3A_376, %get3A_377] {strides = array<i32>} : memref<80x64xf32, #tpu.memory_space<vmem>>, vector<16xf32>,
        %mul3A_379 = arith.mulf %get3A_378, %broadcast_in_dim3A_368 : vector<16xf32>
        %swap3A_380 = arith.index_cast %add3A_365 : i32 to index
        %swap3A_381 = arith.constant 16 : index
        %swap3A_382 = tpu.vector_load %arg14[%swap3A_380, %swap3A_381] {strides = array<i32>} : memref<80x64xf32, #tpu.memory_space<vmem>>, vector<16xf32>,
        tpu.vector_store %arg14[%swap3A_380, %swap3A_381], %mul3A_379 {strides = array<i32>} : memref<80x64xf32, #tpu.memory_space<vmem>>, vector<16xf32>,
        %get3A_383 = arith.index_cast %add3A_365 : i32 to index
        %get3A_384 = arith.constant 32 : index
        %get3A_385 = tpu.vector_load %arg14[%get3A_383, %get3A_384] {strides = array<i32>} : memref<80x64xf32, #tpu.memory_space<vmem>>, vector<16xf32>,
        %mul3A_386 = arith.mulf %get3A_385, %broadcast_in_dim3A_368 : vector<16xf32>
        %swap3A_387 = arith.index_cast %add3A_365 : i32 to index
        %swap3A_388 = arith.constant 32 : index
        %swap3A_389 = tpu.vector_load %arg14[%swap3A_387, %swap3A_388] {strides = array<i32>} : memref<80x64xf32, #tpu.memory_space<vmem>>, vector<16xf32>,
        tpu.vector_store %arg14[%swap3A_387, %swap3A_388], %mul3A_386 {strides = array<i32>} : memref<80x64xf32, #tpu.memory_space<vmem>>, vector<16xf32>,
        %get3A_390 = arith.index_cast %add3A_365 : i32 to index
        %get3A_391 = arith.constant 48 : index
        %get3A_392 = tpu.vector_load %arg14[%get3A_390, %get3A_391] {strides = array<i32>} : memref<80x64xf32, #tpu.memory_space<vmem>>, vector<16xf32>,
        %mul3A_393 = arith.mulf %get3A_392, %broadcast_in_dim3A_368 : vector<16xf32>
        %swap3A_394 = arith.index_cast %add3A_365 : i32 to index
        %swap3A_395 = arith.constant 48 : index
        %swap3A_396 = tpu.vector_load %arg14[%swap3A_394, %swap3A_395] {strides = array<i32>} : memref<80x64xf32, #tpu.memory_space<vmem>>, vector<16xf32>,
        tpu.vector_store %arg14[%swap3A_394, %swap3A_395], %mul3A_393 {strides = array<i32>} : memref<80x64xf32, #tpu.memory_space<vmem>>, vector<16xf32>,
        %mul3A_397 = arith.constant 16 : i32
        %mul3A_398 = arith.muli %add3A_78, %mul3A_397 : i32
        %add3A_399 = arith.constant 9 : i32
        %add3A_400 = arith.addi %mul3A_398, %add3A_399 : i32
        %slice3A_401 = vector.extract_strided_slice %get3A_84 {offsets = [9], sizes = [1], strides = [1]} : vector<16xf32> to vector<1xf32>
        %squeeze3A_402 = vector.extract %slice3A_401[0] : f32 from vector<1xf32>
        %broadcast_in_dim3A_403 = vector.broadcast %squeeze3A_402 : f32 to vector<16xf32>
        %get3A_404 = arith.index_cast %add3A_400 : i32 to index
        %get3A_405 = arith.constant 0 : index
        %get3A_406 = tpu.vector_load %arg14[%get3A_404, %get3A_405] {strides = array<i32>} : memref<80x64xf32, #tpu.memory_space<vmem>>, vector<16xf32>,
        %mul3A_407 = arith.mulf %get3A_406, %broadcast_in_dim3A_403 : vector<16xf32>
        %swap3A_408 = arith.index_cast %add3A_400 : i32 to index
        %swap3A_409 = arith.constant 0 : index
        %swap3A_410 = tpu.vector_load %arg14[%swap3A_408, %swap3A_409] {strides = array<i32>} : memref<80x64xf32, #tpu.memory_space<vmem>>, vector<16xf32>,
        tpu.vector_store %arg14[%swap3A_408, %swap3A_409], %mul3A_407 {strides = array<i32>} : memref<80x64xf32, #tpu.memory_space<vmem>>, vector<16xf32>,
        %get3A_411 = arith.index_cast %add3A_400 : i32 to index
        %get3A_412 = arith.constant 16 : index
        %get3A_413 = tpu.vector_load %arg14[%get3A_411, %get3A_412] {strides = array<i32>} : memref<80x64xf32, #tpu.memory_space<vmem>>, vector<16xf32>,
        %mul3A_414 = arith.mulf %get3A_413, %broadcast_in_dim3A_403 : vector<16xf32>
        %swap3A_415 = arith.index_cast %add3A_400 : i32 to index
        %swap3A_416 = arith.constant 16 : index
        %swap3A_417 = tpu.vector_load %arg14[%swap3A_415, %swap3A_416] {strides = array<i32>} : memref<80x64xf32, #tpu.memory_space<vmem>>, vector<16xf32>,
        tpu.vector_store %arg14[%swap3A_415, %swap3A_416], %mul3A_414 {strides = array<i32>} : memref<80x64xf32, #tpu.memory_space<vmem>>, vector<16xf32>,
        %get3A_418 = arith.index_cast %add3A_400 : i32 to index
        %get3A_419 = arith.constant 32 : index
        %get3A_420 = tpu.vector_load %arg14[%get3A_418, %get3A_419] {strides = array<i32>} : memref<80x64xf32, #tpu.memory_space<vmem>>, vector<16xf32>,
        %mul3A_421 = arith.mulf %get3A_420, %broadcast_in_dim3A_403 : vector<16xf32>
        %swap3A_422 = arith.index_cast %add3A_400 : i32 to index
        %swap3A_423 = arith.constant 32 : index
        %swap3A_424 = tpu.vector_load %arg14[%swap3A_422, %swap3A_423] {strides = array<i32>} : memref<80x64xf32, #tpu.memory_space<vmem>>, vector<16xf32>,
        tpu.vector_store %arg14[%swap3A_422, %swap3A_423], %mul3A_421 {strides = array<i32>} : memref<80x64xf32, #tpu.memory_space<vmem>>, vector<16xf32>,
        %get3A_425 = arith.index_cast %add3A_400 : i32 to index
        %get3A_426 = arith.constant 48 : index
        %get3A_427 = tpu.vector_load %arg14[%get3A_425, %get3A_426] {strides = array<i32>} : memref<80x64xf32, #tpu.memory_space<vmem>>, vector<16xf32>,
        %mul3A_428 = arith.mulf %get3A_427, %broadcast_in_dim3A_403 : vector<16xf32>
        %swap3A_429 = arith.index_cast %add3A_400 : i32 to index
        %swap3A_430 = arith.constant 48 : index
        %swap3A_431 = tpu.vector_load %arg14[%swap3A_429, %swap3A_430] {strides = array<i32>} : memref<80x64xf32, #tpu.memory_space<vmem>>, vector<16xf32>,
        tpu.vector_store %arg14[%swap3A_429, %swap3A_430], %mul3A_428 {strides = array<i32>} : memref<80x64xf32, #tpu.memory_space<vmem>>, vector<16xf32>,
        %mul3A_432 = arith.constant 16 : i32
        %mul3A_433 = arith.muli %add3A_78, %mul3A_432 : i32
        %add3A_434 = arith.constant 10 : i32
        %add3A_435 = arith.addi %mul3A_433, %add3A_434 : i32
        %slice3A_436 = vector.extract_strided_slice %get3A_84 {offsets = [10], sizes = [1], strides = [1]} : vector<16xf32> to vector<1xf32>
        %squeeze3A_437 = vector.extract %slice3A_436[0] : f32 from vector<1xf32>
        %broadcast_in_dim3A_438 = vector.broadcast %squeeze3A_437 : f32 to vector<16xf32>
        %get3A_439 = arith.index_cast %add3A_435 : i32 to index
        %get3A_440 = arith.constant 0 : index
        %get3A_441 = tpu.vector_load %arg14[%get3A_439, %get3A_440] {strides = array<i32>} : memref<80x64xf32, #tpu.memory_space<vmem>>, vector<16xf32>,
        %mul3A_442 = arith.mulf %get3A_441, %broadcast_in_dim3A_438 : vector<16xf32>
        %swap3A_443 = arith.index_cast %add3A_435 : i32 to index
        %swap3A_444 = arith.constant 0 : index
        %swap3A_445 = tpu.vector_load %arg14[%swap3A_443, %swap3A_444] {strides = array<i32>} : memref<80x64xf32, #tpu.memory_space<vmem>>, vector<16xf32>,
        tpu.vector_store %arg14[%swap3A_443, %swap3A_444], %mul3A_442 {strides = array<i32>} : memref<80x64xf32, #tpu.memory_space<vmem>>, vector<16xf32>,
        %get3A_446 = arith.index_cast %add3A_435 : i32 to index
        %get3A_447 = arith.constant 16 : index
        %get3A_448 = tpu.vector_load %arg14[%get3A_446, %get3A_447] {strides = array<i32>} : memref<80x64xf32, #tpu.memory_space<vmem>>, vector<16xf32>,
        %mul3A_449 = arith.mulf %get3A_448, %broadcast_in_dim3A_438 : vector<16xf32>
        %swap3A_450 = arith.index_cast %add3A_435 : i32 to index
        %swap3A_451 = arith.constant 16 : index
        %swap3A_452 = tpu.vector_load %arg14[%swap3A_450, %swap3A_451] {strides = array<i32>} : memref<80x64xf32, #tpu.memory_space<vmem>>, vector<16xf32>,
        tpu.vector_store %arg14[%swap3A_450, %swap3A_451], %mul3A_449 {strides = array<i32>} : memref<80x64xf32, #tpu.memory_space<vmem>>, vector<16xf32>,
        %get3A_453 = arith.index_cast %add3A_435 : i32 to index
        %get3A_454 = arith.constant 32 : index
        %get3A_455 = tpu.vector_load %arg14[%get3A_453, %get3A_454] {strides = array<i32>} : memref<80x64xf32, #tpu.memory_space<vmem>>, vector<16xf32>,
        %mul3A_456 = arith.mulf %get3A_455, %broadcast_in_dim3A_438 : vector<16xf32>
        %swap3A_457 = arith.index_cast %add3A_435 : i32 to index
        %swap3A_458 = arith.constant 32 : index
        %swap3A_459 = tpu.vector_load %arg14[%swap3A_457, %swap3A_458] {strides = array<i32>} : memref<80x64xf32, #tpu.memory_space<vmem>>, vector<16xf32>,
        tpu.vector_store %arg14[%swap3A_457, %swap3A_458], %mul3A_456 {strides = array<i32>} : memref<80x64xf32, #tpu.memory_space<vmem>>, vector<16xf32>,
        %get3A_460 = arith.index_cast %add3A_435 : i32 to index
        %get3A_461 = arith.constant 48 : index
        %get3A_462 = tpu.vector_load %arg14[%get3A_460, %get3A_461] {strides = array<i32>} : memref<80x64xf32, #tpu.memory_space<vmem>>, vector<16xf32>,
        %mul3A_463 = arith.mulf %get3A_462, %broadcast_in_dim3A_438 : vector<16xf32>
        %swap3A_464 = arith.index_cast %add3A_435 : i32 to index
        %swap3A_465 = arith.constant 48 : index
        %swap3A_466 = tpu.vector_load %arg14[%swap3A_464, %swap3A_465] {strides = array<i32>} : memref<80x64xf32, #tpu.memory_space<vmem>>, vector<16xf32>,
        tpu.vector_store %arg14[%swap3A_464, %swap3A_465], %mul3A_463 {strides = array<i32>} : memref<80x64xf32, #tpu.memory_space<vmem>>, vector<16xf32>,
        %mul3A_467 = arith.constant 16 : i32
        %mul3A_468 = arith.muli %add3A_78, %mul3A_467 : i32
        %add3A_469 = arith.constant 11 : i32
        %add3A_470 = arith.addi %mul3A_468, %add3A_469 : i32
        %slice3A_471 = vector.extract_strided_slice %get3A_84 {offsets = [11], sizes = [1], strides = [1]} : vector<16xf32> to vector<1xf32>
        %squeeze3A_472 = vector.extract %slice3A_471[0] : f32 from vector<1xf32>
        %broadcast_in_dim3A_473 = vector.broadcast %squeeze3A_472 : f32 to vector<16xf32>
        %get3A_474 = arith.index_cast %add3A_470 : i32 to index
        %get3A_475 = arith.constant 0 : index
        %get3A_476 = tpu.vector_load %arg14[%get3A_474, %get3A_475] {strides = array<i32>} : memref<80x64xf32, #tpu.memory_space<vmem>>, vector<16xf32>,
        %mul3A_477 = arith.mulf %get3A_476, %broadcast_in_dim3A_473 : vector<16xf32>
        %swap3A_478 = arith.index_cast %add3A_470 : i32 to index
        %swap3A_479 = arith.constant 0 : index
        %swap3A_480 = tpu.vector_load %arg14[%swap3A_478, %swap3A_479] {strides = array<i32>} : memref<80x64xf32, #tpu.memory_space<vmem>>, vector<16xf32>,
        tpu.vector_store %arg14[%swap3A_478, %swap3A_479], %mul3A_477 {strides = array<i32>} : memref<80x64xf32, #tpu.memory_space<vmem>>, vector<16xf32>,
        %get3A_481 = arith.index_cast %add3A_470 : i32 to index
        %get3A_482 = arith.constant 16 : index
        %get3A_483 = tpu.vector_load %arg14[%get3A_481, %get3A_482] {strides = array<i32>} : memref<80x64xf32, #tpu.memory_space<vmem>>, vector<16xf32>,
        %mul3A_484 = arith.mulf %get3A_483, %broadcast_in_dim3A_473 : vector<16xf32>
        %swap3A_485 = arith.index_cast %add3A_470 : i32 to index
        %swap3A_486 = arith.constant 16 : index
        %swap3A_487 = tpu.vector_load %arg14[%swap3A_485, %swap3A_486] {strides = array<i32>} : memref<80x64xf32, #tpu.memory_space<vmem>>, vector<16xf32>,
        tpu.vector_store %arg14[%swap3A_485, %swap3A_486], %mul3A_484 {strides = array<i32>} : memref<80x64xf32, #tpu.memory_space<vmem>>, vector<16xf32>,
        %get3A_488 = arith.index_cast %add3A_470 : i32 to index
        %get3A_489 = arith.constant 32 : index
        %get3A_490 = tpu.vector_load %arg14[%get3A_488, %get3A_489] {strides = array<i32>} : memref<80x64xf32, #tpu.memory_space<vmem>>, vector<16xf32>,
        %mul3A_491 = arith.mulf %get3A_490, %broadcast_in_dim3A_473 : vector<16xf32>
        %swap3A_492 = arith.index_cast %add3A_470 : i32 to index
        %swap3A_493 = arith.constant 32 : index
        %swap3A_494 = tpu.vector_load %arg14[%swap3A_492, %swap3A_493] {strides = array<i32>} : memref<80x64xf32, #tpu.memory_space<vmem>>, vector<16xf32>,
        tpu.vector_store %arg14[%swap3A_492, %swap3A_493], %mul3A_491 {strides = array<i32>} : memref<80x64xf32, #tpu.memory_space<vmem>>, vector<16xf32>,
        %get3A_495 = arith.index_cast %add3A_470 : i32 to index
        %get3A_496 = arith.constant 48 : index
        %get3A_497 = tpu.vector_load %arg14[%get3A_495, %get3A_496] {strides = array<i32>} : memref<80x64xf32, #tpu.memory_space<vmem>>, vector<16xf32>,
        %mul3A_498 = arith.mulf %get3A_497, %broadcast_in_dim3A_473 : vector<16xf32>
        %swap3A_499 = arith.index_cast %add3A_470 : i32 to index
        %swap3A_500 = arith.constant 48 : index
        %swap3A_501 = tpu.vector_load %arg14[%swap3A_499, %swap3A_500] {strides = array<i32>} : memref<80x64xf32, #tpu.memory_space<vmem>>, vector<16xf32>,
        tpu.vector_store %arg14[%swap3A_499, %swap3A_500], %mul3A_498 {strides = array<i32>} : memref<80x64xf32, #tpu.memory_space<vmem>>, vector<16xf32>,
        %mul3A_502 = arith.constant 16 : i32
        %mul3A_503 = arith.muli %add3A_78, %mul3A_502 : i32
        %add3A_504 = arith.constant 12 : i32
        %add3A_505 = arith.addi %mul3A_503, %add3A_504 : i32
        %slice3A_506 = vector.extract_strided_slice %get3A_84 {offsets = [12], sizes = [1], strides = [1]} : vector<16xf32> to vector<1xf32>
        %squeeze3A_507 = vector.extract %slice3A_506[0] : f32 from vector<1xf32>
        %broadcast_in_dim3A_508 = vector.broadcast %squeeze3A_507 : f32 to vector<16xf32>
        %get3A_509 = arith.index_cast %add3A_505 : i32 to index
        %get3A_510 = arith.constant 0 : index
        %get3A_511 = tpu.vector_load %arg14[%get3A_509, %get3A_510] {strides = array<i32>} : memref<80x64xf32, #tpu.memory_space<vmem>>, vector<16xf32>,
        %mul3A_512 = arith.mulf %get3A_511, %broadcast_in_dim3A_508 : vector<16xf32>
        %swap3A_513 = arith.index_cast %add3A_505 : i32 to index
        %swap3A_514 = arith.constant 0 : index
        %swap3A_515 = tpu.vector_load %arg14[%swap3A_513, %swap3A_514] {strides = array<i32>} : memref<80x64xf32, #tpu.memory_space<vmem>>, vector<16xf32>,
        tpu.vector_store %arg14[%swap3A_513, %swap3A_514], %mul3A_512 {strides = array<i32>} : memref<80x64xf32, #tpu.memory_space<vmem>>, vector<16xf32>,
        %get3A_516 = arith.index_cast %add3A_505 : i32 to index
        %get3A_517 = arith.constant 16 : index
        %get3A_518 = tpu.vector_load %arg14[%get3A_516, %get3A_517] {strides = array<i32>} : memref<80x64xf32, #tpu.memory_space<vmem>>, vector<16xf32>,
        %mul3A_519 = arith.mulf %get3A_518, %broadcast_in_dim3A_508 : vector<16xf32>
        %swap3A_520 = arith.index_cast %add3A_505 : i32 to index
        %swap3A_521 = arith.constant 16 : index
        %swap3A_522 = tpu.vector_load %arg14[%swap3A_520, %swap3A_521] {strides = array<i32>} : memref<80x64xf32, #tpu.memory_space<vmem>>, vector<16xf32>,
        tpu.vector_store %arg14[%swap3A_520, %swap3A_521], %mul3A_519 {strides = array<i32>} : memref<80x64xf32, #tpu.memory_space<vmem>>, vector<16xf32>,
        %get3A_523 = arith.index_cast %add3A_505 : i32 to index
        %get3A_524 = arith.constant 32 : index
        %get3A_525 = tpu.vector_load %arg14[%get3A_523, %get3A_524] {strides = array<i32>} : memref<80x64xf32, #tpu.memory_space<vmem>>, vector<16xf32>,
        %mul3A_526 = arith.mulf %get3A_525, %broadcast_in_dim3A_508 : vector<16xf32>
        %swap3A_527 = arith.index_cast %add3A_505 : i32 to index
        %swap3A_528 = arith.constant 32 : index
        %swap3A_529 = tpu.vector_load %arg14[%swap3A_527, %swap3A_528] {strides = array<i32>} : memref<80x64xf32, #tpu.memory_space<vmem>>, vector<16xf32>,
        tpu.vector_store %arg14[%swap3A_527, %swap3A_528], %mul3A_526 {strides = array<i32>} : memref<80x64xf32, #tpu.memory_space<vmem>>, vector<16xf32>,
        %get3A_530 = arith.index_cast %add3A_505 : i32 to index
        %get3A_531 = arith.constant 48 : index
        %get3A_532 = tpu.vector_load %arg14[%get3A_530, %get3A_531] {strides = array<i32>} : memref<80x64xf32, #tpu.memory_space<vmem>>, vector<16xf32>,
        %mul3A_533 = arith.mulf %get3A_532, %broadcast_in_dim3A_508 : vector<16xf32>
        %swap3A_534 = arith.index_cast %add3A_505 : i32 to index
        %swap3A_535 = arith.constant 48 : index
        %swap3A_536 = tpu.vector_load %arg14[%swap3A_534, %swap3A_535] {strides = array<i32>} : memref<80x64xf32, #tpu.memory_space<vmem>>, vector<16xf32>,
        tpu.vector_store %arg14[%swap3A_534, %swap3A_535], %mul3A_533 {strides = array<i32>} : memref<80x64xf32, #tpu.memory_space<vmem>>, vector<16xf32>,
        %mul3A_537 = arith.constant 16 : i32
        %mul3A_538 = arith.muli %add3A_78, %mul3A_537 : i32
        %add3A_539 = arith.constant 13 : i32
        %add3A_540 = arith.addi %mul3A_538, %add3A_539 : i32
        %slice3A_541 = vector.extract_strided_slice %get3A_84 {offsets = [13], sizes = [1], strides = [1]} : vector<16xf32> to vector<1xf32>
        %squeeze3A_542 = vector.extract %slice3A_541[0] : f32 from vector<1xf32>
        %broadcast_in_dim3A_543 = vector.broadcast %squeeze3A_542 : f32 to vector<16xf32>
        %get3A_544 = arith.index_cast %add3A_540 : i32 to index
        %get3A_545 = arith.constant 0 : index
        %get3A_546 = tpu.vector_load %arg14[%get3A_544, %get3A_545] {strides = array<i32>} : memref<80x64xf32, #tpu.memory_space<vmem>>, vector<16xf32>,
        %mul3A_547 = arith.mulf %get3A_546, %broadcast_in_dim3A_543 : vector<16xf32>
        %swap3A_548 = arith.index_cast %add3A_540 : i32 to index
        %swap3A_549 = arith.constant 0 : index
        %swap3A_550 = tpu.vector_load %arg14[%swap3A_548, %swap3A_549] {strides = array<i32>} : memref<80x64xf32, #tpu.memory_space<vmem>>, vector<16xf32>,
        tpu.vector_store %arg14[%swap3A_548, %swap3A_549], %mul3A_547 {strides = array<i32>} : memref<80x64xf32, #tpu.memory_space<vmem>>, vector<16xf32>,
        %get3A_551 = arith.index_cast %add3A_540 : i32 to index
        %get3A_552 = arith.constant 16 : index
        %get3A_553 = tpu.vector_load %arg14[%get3A_551, %get3A_552] {strides = array<i32>} : memref<80x64xf32, #tpu.memory_space<vmem>>, vector<16xf32>,
        %mul3A_554 = arith.mulf %get3A_553, %broadcast_in_dim3A_543 : vector<16xf32>
        %swap3A_555 = arith.index_cast %add3A_540 : i32 to index
        %swap3A_556 = arith.constant 16 : index
        %swap3A_557 = tpu.vector_load %arg14[%swap3A_555, %swap3A_556] {strides = array<i32>} : memref<80x64xf32, #tpu.memory_space<vmem>>, vector<16xf32>,
        tpu.vector_store %arg14[%swap3A_555, %swap3A_556], %mul3A_554 {strides = array<i32>} : memref<80x64xf32, #tpu.memory_space<vmem>>, vector<16xf32>,
        %get3A_558 = arith.index_cast %add3A_540 : i32 to index
        %get3A_559 = arith.constant 32 : index
        %get3A_560 = tpu.vector_load %arg14[%get3A_558, %get3A_559] {strides = array<i32>} : memref<80x64xf32, #tpu.memory_space<vmem>>, vector<16xf32>,
        %mul3A_561 = arith.mulf %get3A_560, %broadcast_in_dim3A_543 : vector<16xf32>
        %swap3A_562 = arith.index_cast %add3A_540 : i32 to index
        %swap3A_563 = arith.constant 32 : index
        %swap3A_564 = tpu.vector_load %arg14[%swap3A_562, %swap3A_563] {strides = array<i32>} : memref<80x64xf32, #tpu.memory_space<vmem>>, vector<16xf32>,
        tpu.vector_store %arg14[%swap3A_562, %swap3A_563], %mul3A_561 {strides = array<i32>} : memref<80x64xf32, #tpu.memory_space<vmem>>, vector<16xf32>,
        %get3A_565 = arith.index_cast %add3A_540 : i32 to index
        %get3A_566 = arith.constant 48 : index
        %get3A_567 = tpu.vector_load %arg14[%get3A_565, %get3A_566] {strides = array<i32>} : memref<80x64xf32, #tpu.memory_space<vmem>>, vector<16xf32>,
        %mul3A_568 = arith.mulf %get3A_567, %broadcast_in_dim3A_543 : vector<16xf32>
        %swap3A_569 = arith.index_cast %add3A_540 : i32 to index
        %swap3A_570 = arith.constant 48 : index
        %swap3A_571 = tpu.vector_load %arg14[%swap3A_569, %swap3A_570] {strides = array<i32>} : memref<80x64xf32, #tpu.memory_space<vmem>>, vector<16xf32>,
        tpu.vector_store %arg14[%swap3A_569, %swap3A_570], %mul3A_568 {strides = array<i32>} : memref<80x64xf32, #tpu.memory_space<vmem>>, vector<16xf32>,
        %mul3A_572 = arith.constant 16 : i32
        %mul3A_573 = arith.muli %add3A_78, %mul3A_572 : i32
        %add3A_574 = arith.constant 14 : i32
        %add3A_575 = arith.addi %mul3A_573, %add3A_574 : i32
        %slice3A_576 = vector.extract_strided_slice %get3A_84 {offsets = [14], sizes = [1], strides = [1]} : vector<16xf32> to vector<1xf32>
        %squeeze3A_577 = vector.extract %slice3A_576[0] : f32 from vector<1xf32>
        %broadcast_in_dim3A_578 = vector.broadcast %squeeze3A_577 : f32 to vector<16xf32>
        %get3A_579 = arith.index_cast %add3A_575 : i32 to index
        %get3A_580 = arith.constant 0 : index
        %get3A_581 = tpu.vector_load %arg14[%get3A_579, %get3A_580] {strides = array<i32>} : memref<80x64xf32, #tpu.memory_space<vmem>>, vector<16xf32>,
        %mul3A_582 = arith.mulf %get3A_581, %broadcast_in_dim3A_578 : vector<16xf32>
        %swap3A_583 = arith.index_cast %add3A_575 : i32 to index
        %swap3A_584 = arith.constant 0 : index
        %swap3A_585 = tpu.vector_load %arg14[%swap3A_583, %swap3A_584] {strides = array<i32>} : memref<80x64xf32, #tpu.memory_space<vmem>>, vector<16xf32>,
        tpu.vector_store %arg14[%swap3A_583, %swap3A_584], %mul3A_582 {strides = array<i32>} : memref<80x64xf32, #tpu.memory_space<vmem>>, vector<16xf32>,
        %get3A_586 = arith.index_cast %add3A_575 : i32 to index
        %get3A_587 = arith.constant 16 : index
        %get3A_588 = tpu.vector_load %arg14[%get3A_586, %get3A_587] {strides = array<i32>} : memref<80x64xf32, #tpu.memory_space<vmem>>, vector<16xf32>,
        %mul3A_589 = arith.mulf %get3A_588, %broadcast_in_dim3A_578 : vector<16xf32>
        %swap3A_590 = arith.index_cast %add3A_575 : i32 to index
        %swap3A_591 = arith.constant 16 : index
        %swap3A_592 = tpu.vector_load %arg14[%swap3A_590, %swap3A_591] {strides = array<i32>} : memref<80x64xf32, #tpu.memory_space<vmem>>, vector<16xf32>,
        tpu.vector_store %arg14[%swap3A_590, %swap3A_591], %mul3A_589 {strides = array<i32>} : memref<80x64xf32, #tpu.memory_space<vmem>>, vector<16xf32>,
        %get3A_593 = arith.index_cast %add3A_575 : i32 to index
        %get3A_594 = arith.constant 32 : index
        %get3A_595 = tpu.vector_load %arg14[%get3A_593, %get3A_594] {strides = array<i32>} : memref<80x64xf32, #tpu.memory_space<vmem>>, vector<16xf32>,
        %mul3A_596 = arith.mulf %get3A_595, %broadcast_in_dim3A_578 : vector<16xf32>
        %swap3A_597 = arith.index_cast %add3A_575 : i32 to index
        %swap3A_598 = arith.constant 32 : index
        %swap3A_599 = tpu.vector_load %arg14[%swap3A_597, %swap3A_598] {strides = array<i32>} : memref<80x64xf32, #tpu.memory_space<vmem>>, vector<16xf32>,
        tpu.vector_store %arg14[%swap3A_597, %swap3A_598], %mul3A_596 {strides = array<i32>} : memref<80x64xf32, #tpu.memory_space<vmem>>, vector<16xf32>,
        %get3A_600 = arith.index_cast %add3A_575 : i32 to index
        %get3A_601 = arith.constant 48 : index
        %get3A_602 = tpu.vector_load %arg14[%get3A_600, %get3A_601] {strides = array<i32>} : memref<80x64xf32, #tpu.memory_space<vmem>>, vector<16xf32>,
        %mul3A_603 = arith.mulf %get3A_602, %broadcast_in_dim3A_578 : vector<16xf32>
        %swap3A_604 = arith.index_cast %add3A_575 : i32 to index
        %swap3A_605 = arith.constant 48 : index
        %swap3A_606 = tpu.vector_load %arg14[%swap3A_604, %swap3A_605] {strides = array<i32>} : memref<80x64xf32, #tpu.memory_space<vmem>>, vector<16xf32>,
        tpu.vector_store %arg14[%swap3A_604, %swap3A_605], %mul3A_603 {strides = array<i32>} : memref<80x64xf32, #tpu.memory_space<vmem>>, vector<16xf32>,
        %mul3A_607 = arith.constant 16 : i32
        %mul3A_608 = arith.muli %add3A_78, %mul3A_607 : i32
        %add3A_609 = arith.constant 15 : i32
        %add3A_610 = arith.addi %mul3A_608, %add3A_609 : i32
        %slice3A_611 = vector.extract_strided_slice %get3A_84 {offsets = [15], sizes = [1], strides = [1]} : vector<16xf32> to vector<1xf32>
        %squeeze3A_612 = vector.extract %slice3A_611[0] : f32 from vector<1xf32>
        %broadcast_in_dim3A_613 = vector.broadcast %squeeze3A_612 : f32 to vector<16xf32>
        %get3A_614 = arith.index_cast %add3A_610 : i32 to index
        %get3A_615 = arith.constant 0 : index
        %get3A_616 = tpu.vector_load %arg14[%get3A_614, %get3A_615] {strides = array<i32>} : memref<80x64xf32, #tpu.memory_space<vmem>>, vector<16xf32>,
        %mul3A_617 = arith.mulf %get3A_616, %broadcast_in_dim3A_613 : vector<16xf32>
        %swap3A_618 = arith.index_cast %add3A_610 : i32 to index
        %swap3A_619 = arith.constant 0 : index
        %swap3A_620 = tpu.vector_load %arg14[%swap3A_618, %swap3A_619] {strides = array<i32>} : memref<80x64xf32, #tpu.memory_space<vmem>>, vector<16xf32>,
        tpu.vector_store %arg14[%swap3A_618, %swap3A_619], %mul3A_617 {strides = array<i32>} : memref<80x64xf32, #tpu.memory_space<vmem>>, vector<16xf32>,
        %get3A_621 = arith.index_cast %add3A_610 : i32 to index
        %get3A_622 = arith.constant 16 : index
        %get3A_623 = tpu.vector_load %arg14[%get3A_621, %get3A_622] {strides = array<i32>} : memref<80x64xf32, #tpu.memory_space<vmem>>, vector<16xf32>,
        %mul3A_624 = arith.mulf %get3A_623, %broadcast_in_dim3A_613 : vector<16xf32>
        %swap3A_625 = arith.index_cast %add3A_610 : i32 to index
        %swap3A_626 = arith.constant 16 : index
        %swap3A_627 = tpu.vector_load %arg14[%swap3A_625, %swap3A_626] {strides = array<i32>} : memref<80x64xf32, #tpu.memory_space<vmem>>, vector<16xf32>,
        tpu.vector_store %arg14[%swap3A_625, %swap3A_626], %mul3A_624 {strides = array<i32>} : memref<80x64xf32, #tpu.memory_space<vmem>>, vector<16xf32>,
        %get3A_628 = arith.index_cast %add3A_610 : i32 to index
        %get3A_629 = arith.constant 32 : index
        %get3A_630 = tpu.vector_load %arg14[%get3A_628, %get3A_629] {strides = array<i32>} : memref<80x64xf32, #tpu.memory_space<vmem>>, vector<16xf32>,
        %mul3A_631 = arith.mulf %get3A_630, %broadcast_in_dim3A_613 : vector<16xf32>
        %swap3A_632 = arith.index_cast %add3A_610 : i32 to index
        %swap3A_633 = arith.constant 32 : index
        %swap3A_634 = tpu.vector_load %arg14[%swap3A_632, %swap3A_633] {strides = array<i32>} : memref<80x64xf32, #tpu.memory_space<vmem>>, vector<16xf32>,
        tpu.vector_store %arg14[%swap3A_632, %swap3A_633], %mul3A_631 {strides = array<i32>} : memref<80x64xf32, #tpu.memory_space<vmem>>, vector<16xf32>,
        %get3A_635 = arith.index_cast %add3A_610 : i32 to index
        %get3A_636 = arith.constant 48 : index
        %get3A_637 = tpu.vector_load %arg14[%get3A_635, %get3A_636] {strides = array<i32>} : memref<80x64xf32, #tpu.memory_space<vmem>>, vector<16xf32>,
        %mul3A_638 = arith.mulf %get3A_637, %broadcast_in_dim3A_613 : vector<16xf32>
        %swap3A_639 = arith.index_cast %add3A_610 : i32 to index
        %swap3A_640 = arith.constant 48 : index
        %swap3A_641 = tpu.vector_load %arg14[%swap3A_639, %swap3A_640] {strides = array<i32>} : memref<80x64xf32, #tpu.memory_space<vmem>>, vector<16xf32>,
        tpu.vector_store %arg14[%swap3A_639, %swap3A_640], %mul3A_638 {strides = array<i32>} : memref<80x64xf32, #tpu.memory_space<vmem>>, vector<16xf32>,
      }
      %scan3A_73 = arith.constant 5 : i32
      "tpu.region"() ({
        %run_scoped3A_74 = tpu.sem_alloc : memref<!tpu.dma_semaphore, #tpu.memory_space<semaphore_mem>>
        %dma_start3A = arith.constant 0 : i32
        %dma_start3A_75 = tpu.memref_slice %arg10[%add3A_68, %dma_start3A] : memref<125x80xi32, #tpu.memory_space<vmem>> -> memref<1x80xi32, #tpu.memory_space<vmem>>
        %dma_start3A_76 = tpu.memref_squeeze %dma_start3A_75 : memref<1x80xi32, #tpu.memory_space<vmem>> -> memref<80xi32, #tpu.memory_space<vmem>>
        %dma_start3A_77 = arith.constant 0 : i32
        %dma_start3A_78 = arith.constant 0 : i32
        %dma_start3A_79 = tpu.memref_slice %arg17[%dma_start3A_77, %dma_start3A_78] : memref<10240x64xf32, #tpu.memory_space<vmem_shared>> -> memref<10240x64xf32, #tpu.memory_space<vmem_shared>>
        tpu.enqueue_indirect_dma source(%arg14 : memref<80x64xf32, #tpu.memory_space<vmem>>) target(%dma_start3A_79 : memref<10240x64xf32, #tpu.memory_space<vmem_shared>>) offsets(%dma_start3A_76 : memref<80xi32, #tpu.memory_space<vmem>>) semaphore(%run_scoped3A_74 : memref<!tpu.dma_semaphore, #tpu.memory_space<semaphore_mem>>) {add = true}
        %dma_wait3A = arith.constant 0 : i32
        %dma_wait3A_80 = tpu.memref_slice %arg10[%add3A_68, %dma_wait3A] : memref<125x80xi32, #tpu.memory_space<vmem>> -> memref<1x80xi32, #tpu.memory_space<vmem>>
        %dma_wait3A_81 = tpu.memref_squeeze %dma_wait3A_80 : memref<1x80xi32, #tpu.memory_space<vmem>> -> memref<80xi32, #tpu.memory_space<vmem>>
        %dma_wait3A_82 = arith.constant 0 : i32
        %dma_wait3A_83 = arith.constant 0 : i32
        %dma_wait3A_84 = tpu.memref_slice %arg17[%dma_wait3A_82, %dma_wait3A_83] : memref<10240x64xf32, #tpu.memory_space<vmem_shared>> -> memref<10240x64xf32, #tpu.memory_space<vmem_shared>>
        tpu.wait_indirect_dma semaphore(%run_scoped3A_74 : memref<!tpu.dma_semaphore, #tpu.memory_space<semaphore_mem>>) src(%arg14 : memref<80x64xf32, #tpu.memory_space<vmem>>) dst(%dma_wait3A_84 : memref<10240x64xf32, #tpu.memory_space<vmem_shared>>)
        tpu.yield
      }) : () -> ()
    }
    %scan3A_58 = arith.constant 125 : i32
    %barrier3A_59 = arith.constant 0 : index
    tpu.barrier barrier_id(%barrier3A_59)
    %mul3A_60 = arith.constant 640 : i32
    %mul3A_61 = arith.muli %arg1, %mul3A_60 : i32
    %mul3A_62 = arith.constant 640 : i32
    %mul3A_63 = arith.muli %arg1, %mul3A_62 : i32
    %run_scoped3A_64 = arith.constant 1 : i32
    "tpu.region"() ({
      %run_scoped3A_65 = tpu.sem_alloc : memref<!tpu.dma_semaphore, #tpu.memory_space<semaphore_mem>>
      %dma_start3A = arith.constant 0 : i32
      %dma_start3A_66 = tpu.memref_slice %arg7[%arg0, %mul3A_63, %run_scoped3A_64, %dma_start3A] : memref<2x10240x2x64xf32, #tpu.memory_space<hbm>> -> memref<1x640x1x64xf32, #tpu.memory_space<hbm>>
      %dma_start3A_67 = tpu.memref_squeeze %dma_start3A_66 : memref<1x640x1x64xf32, #tpu.memory_space<hbm>> -> memref<640x64xf32, #tpu.memory_space<hbm>>
      %dma_start3A_68 = arith.constant 0 : i32
      %dma_start3A_69 = tpu.memref_slice %arg17[%mul3A_61, %dma_start3A_68] : memref<10240x64xf32, #tpu.memory_space<vmem_shared>> -> memref<640x64xf32, #tpu.memory_space<vmem_shared>>
      tpu.enqueue_dma source(%dma_start3A_69 : memref<640x64xf32, #tpu.memory_space<vmem_shared>>) target(%dma_start3A_67 : memref<640x64xf32, #tpu.memory_space<hbm>>) target_semaphore(%run_scoped3A_65 : memref<!tpu.dma_semaphore, #tpu.memory_space<semaphore_mem>>)
      %dma_wait3A = arith.constant 0 : i32
      %dma_wait3A_70 = tpu.memref_slice %arg7[%arg0, %mul3A_63, %run_scoped3A_64, %dma_wait3A] : memref<2x10240x2x64xf32, #tpu.memory_space<hbm>> -> memref<1x640x1x64xf32, #tpu.memory_space<hbm>>
      %dma_wait3A_71 = tpu.memref_squeeze %dma_wait3A_70 : memref<1x640x1x64xf32, #tpu.memory_space<hbm>> -> memref<640x64xf32, #tpu.memory_space<hbm>>
      %dma_wait3A_72 = arith.constant 0 : i32
      %dma_wait3A_73 = tpu.memref_slice %arg17[%mul3A_61, %dma_wait3A_72] : memref<10240x64xf32, #tpu.memory_space<vmem_shared>> -> memref<640x64xf32, #tpu.memory_space<vmem_shared>>
      tpu.wait_dma2 semaphore(%run_scoped3A_65 : memref<!tpu.dma_semaphore, #tpu.memory_space<semaphore_mem>>) src(%dma_wait3A_73 : memref<640x64xf32, #tpu.memory_space<vmem_shared>>) dst(%dma_wait3A_71 : memref<640x64xf32, #tpu.memory_space<hbm>>)
      tpu.yield
    }) : () -> ()
    return
  }
}

module attributes {stable_mosaic.version = 14 : i64} {
  func.func @_proj_body(%arg0: i32, %arg1: i32, %arg2: memref<1000x256xf32, #tpu.memory_space<vmem>>, %arg3: memref<256x128xf32, #tpu.memory_space<vmem>>, %arg4: memref<2x128xf32, #tpu.memory_space<vmem>>, %arg5: memref<2x128xf32, #tpu.memory_space<vmem>>, %arg6: memref<1000x128xf32, #tpu.memory_space<vmem>>, %arg7: memref<1000x2xf32, #tpu.memory_space<vmem>>) attributes {dimension_semantics = [#tpu.dimension_semantics<arbitrary>, #tpu.dimension_semantics<arbitrary>], iteration_bounds = array<i64: 2, 10>, scalar_prefetch = 0 : i64, scratch_operands = 0 : i64, tpu.core_type = #tpu.core_type<tc>, window_params = [{transform_indices = @transform_0, window_bounds = array<i64: 1000, 256>}, {transform_indices = @transform_1, window_bounds = array<i64: 256, 128>}, {pipeline_mode = #tpu.pipeline_mode<synchronous>, transform_indices = @transform_2, window_bounds = array<i64: 2, 128>}, {pipeline_mode = #tpu.pipeline_mode<synchronous>, transform_indices = @transform_3, window_bounds = array<i64: 2, 128>}, {transform_indices = @transform_4, window_bounds = array<i64: 1000, 128>}, {transform_indices = @transform_5, window_bounds = array<i64: 1000, 2>}]} {
    %get3A = arith.constant 0 : index
    %get3A_0 = arith.constant 0 : index
    %get3A_1 = vector.load %arg2[%get3A, %get3A_0] : memref<1000x256xf32, #tpu.memory_space<vmem>>, vector<1000x256xf32>
    %get3A_2 = arith.constant 0 : index
    %get3A_3 = arith.constant 0 : index
    %get3A_4 = vector.load %arg3[%get3A_2, %get3A_3] : memref<256x128xf32, #tpu.memory_space<vmem>>, vector<256x128xf32>
    %dot_general3A = arith.constant dense<0.000000e+00> : vector<1000x128xf32>
    %dot_general3A_5 = tpu.matmul %get3A_1, %get3A_4, %dot_general3A {dimension_numbers = #tpu.dot_dimension_numbers<[1], [0], [0], [1], [0, 0, 1, 1], [], []>, transpose_lhs_hint = false} : vector<1000x256xf32>, vector<256x128xf32>, vector<1000x128xf32> -> vector<1000x128xf32>
    %swap3A = arith.constant 0 : index
    %swap3A_6 = arith.constant 0 : index
    %swap3A_7 = vector.load %arg6[%swap3A, %swap3A_6] : memref<1000x128xf32, #tpu.memory_space<vmem>>, vector<1000x128xf32>
    tpu.vector_store %arg6[%swap3A, %swap3A_6], %dot_general3A_5 {strides = array<i32>} : memref<1000x128xf32, #tpu.memory_space<vmem>>, vector<1000x128xf32>,
    %get3A_8 = arith.index_cast %arg0 : i32 to index
    %get3A_9 = arith.constant 0 : index
    %get3A_10 = vector.load %arg4[%get3A_8, %get3A_9] : memref<2x128xf32, #tpu.memory_space<vmem>>, vector<1x128xf32>
    %mul3A = vector.broadcast %get3A_10 : vector<1x128xf32> to vector<1000x128xf32>
    %mul3A_11 = arith.mulf %dot_general3A_5, %mul3A : vector<1000x128xf32>
    %reduce_sum3A = arith.constant dense<0.000000e+00> : vector<1000xf32>
    %reduce_sum3A_12 = vector.multi_reduction <add>, %mul3A_11, %reduce_sum3A [1] : vector<1000x128xf32> to vector<1000xf32>
    %broadcast_in_dim3A = vector.shape_cast %reduce_sum3A_12 : vector<1000xf32> to vector<1000x1xf32>
    %get3A_13 = arith.index_cast %arg0 : i32 to index
    %get3A_14 = arith.constant 0 : index
    %get3A_15 = vector.load %arg5[%get3A_13, %get3A_14] : memref<2x128xf32, #tpu.memory_space<vmem>>, vector<1x128xf32>
    %mul3A_16 = vector.broadcast %get3A_15 : vector<1x128xf32> to vector<1000x128xf32>
    %mul3A_17 = arith.mulf %dot_general3A_5, %mul3A_16 : vector<1000x128xf32>
    %reduce_sum3A_18 = arith.constant dense<0.000000e+00> : vector<1000xf32>
    %reduce_sum3A_19 = vector.multi_reduction <add>, %mul3A_17, %reduce_sum3A_18 [1] : vector<1000x128xf32> to vector<1000xf32>
    %broadcast_in_dim3A_20 = vector.shape_cast %reduce_sum3A_19 : vector<1000xf32> to vector<1000x1xf32>
    %concatenate3A = tpu.concatenate %broadcast_in_dim3A, %broadcast_in_dim3A_20 in 1 : vector<1000x1xf32>, vector<1000x1xf32> -> vector<1000x2xf32>
    %swap3A_21 = arith.constant 0 : index
    %swap3A_22 = arith.constant 0 : index
    %swap3A_23 = vector.load %arg7[%swap3A_21, %swap3A_22] : memref<1000x2xf32, #tpu.memory_space<vmem>>, vector<1000x2xf32>
    tpu.vector_store %arg7[%swap3A_21, %swap3A_22], %concatenate3A {strides = array<i32>} : memref<1000x2xf32, #tpu.memory_space<vmem>>, vector<1000x2xf32>,
    return
  }
  func.func @transform_0(%arg0: i32, %arg1: i32) -> (i32, i32) {
    %c0_i32 = arith.constant 0 : i32
    %c0_i32_0 = arith.constant 0 : i32
    return %arg1, %c0_i32 : i32, i32
  }
  func.func @transform_1(%arg0: i32, %arg1: i32) -> (i32, i32) {
    %c0_i32 = arith.constant 0 : i32
    %c0_i32_0 = arith.constant 0 : i32
    return %c0_i32, %arg0 : i32, i32
  }
  func.func @transform_2(%arg0: i32, %arg1: i32) -> (i32, i32) {
    %c0_i32 = arith.constant 0 : i32
    %c0_i32_0 = arith.constant 0 : i32
    %c0_i32_1 = arith.constant 0 : i32
    return %c0_i32, %c0_i32_0 : i32, i32
  }
  func.func @transform_3(%arg0: i32, %arg1: i32) -> (i32, i32) {
    %c0_i32 = arith.constant 0 : i32
    %c0_i32_0 = arith.constant 0 : i32
    %c0_i32_1 = arith.constant 0 : i32
    return %c0_i32, %c0_i32_0 : i32, i32
  }
  func.func @transform_4(%arg0: i32, %arg1: i32) -> (i32, i32) {
    %mul3A = arith.constant 10 : i32
    %mul3A_0 = arith.muli %arg0, %mul3A : i32
    %add3A = arith.addi %mul3A_0, %arg1 : i32
    %c0_i32 = arith.constant 0 : i32
    %c0_i32_1 = arith.constant 0 : i32
    return %add3A, %c0_i32 : i32, i32
  }
  func.func @transform_5(%arg0: i32, %arg1: i32) -> (i32, i32) {
    %mul3A = arith.constant 10 : i32
    %mul3A_0 = arith.muli %arg0, %mul3A : i32
    %add3A = arith.addi %mul3A_0, %arg1 : i32
    %c0_i32 = arith.constant 0 : i32
    %c0_i32_1 = arith.constant 0 : i32
    return %add3A, %c0_i32 : i32, i32
  }
}

module attributes {stable_mosaic.version = 14 : i64} {
  func.func @_ln_body(%arg0: i32, %arg1: memref<1000x128xf32, #tpu.memory_space<vmem>>, %arg2: memref<1000x128xf32, #tpu.memory_space<vmem>>, %arg3: memref<1x256xf32, #tpu.memory_space<vmem>>, %arg4: memref<1x256xf32, #tpu.memory_space<vmem>>, %arg5: memref<1x256xf32, #tpu.memory_space<vmem>>, %arg6: memref<1000x256xf32, #tpu.memory_space<vmem>>) attributes {dimension_semantics = [#tpu.dimension_semantics<arbitrary>], iteration_bounds = array<i64: 10>, scalar_prefetch = 0 : i64, scratch_operands = 0 : i64, tpu.core_type = #tpu.core_type<tc>, window_params = [{transform_indices = @transform_0, window_bounds = array<i64: 1000, 128>}, {transform_indices = @transform_1, window_bounds = array<i64: 1000, 128>}, {pipeline_mode = #tpu.pipeline_mode<synchronous>, transform_indices = @transform_2, window_bounds = array<i64: 1, 256>}, {pipeline_mode = #tpu.pipeline_mode<synchronous>, transform_indices = @transform_3, window_bounds = array<i64: 1, 256>}, {pipeline_mode = #tpu.pipeline_mode<synchronous>, transform_indices = @transform_4, window_bounds = array<i64: 1, 256>}, {transform_indices = @transform_5, window_bounds = array<i64: 1000, 256>}]} {
    %get3A = arith.constant 0 : index
    %get3A_0 = arith.constant 0 : index
    %get3A_1 = vector.load %arg1[%get3A, %get3A_0] : memref<1000x128xf32, #tpu.memory_space<vmem>>, vector<1000x128xf32>
    %get3A_2 = arith.constant 0 : index
    %get3A_3 = arith.constant 0 : index
    %get3A_4 = vector.load %arg2[%get3A_2, %get3A_3] : memref<1000x128xf32, #tpu.memory_space<vmem>>, vector<1000x128xf32>
    %concatenate3A = tpu.concatenate %get3A_1, %get3A_4 in 1 : vector<1000x128xf32>, vector<1000x128xf32> -> vector<1000x256xf32>
    %get3A_5 = arith.constant 0 : index
    %get3A_6 = arith.constant 0 : index
    %get3A_7 = vector.load %arg3[%get3A_5, %get3A_6] : memref<1x256xf32, #tpu.memory_space<vmem>>, vector<1x256xf32>
    %add3A = vector.broadcast %get3A_7 : vector<1x256xf32> to vector<1000x256xf32>
    %add3A_8 = arith.addf %concatenate3A, %add3A : vector<1000x256xf32>
    %reduce_sum3A = arith.constant dense<0.000000e+00> : vector<1000xf32>
    %reduce_sum3A_9 = vector.multi_reduction <add>, %add3A_8, %reduce_sum3A [1] : vector<1000x256xf32> to vector<1000xf32>
    %broadcast_in_dim3A = vector.shape_cast %reduce_sum3A_9 : vector<1000xf32> to vector<1000x1xf32>
    %div3A = arith.constant 2.560000e+02 : f32
    %div3A_10 = vector.broadcast %div3A : f32 to vector<1000x1xf32>
    %div3A_11 = arith.divf %broadcast_in_dim3A, %div3A_10 : vector<1000x1xf32>
    %sub3A = vector.broadcast %div3A_11 : vector<1000x1xf32> to vector<1000x256xf32>
    %sub3A_12 = arith.subf %add3A_8, %sub3A : vector<1000x256xf32>
    %mul3A = arith.mulf %sub3A_12, %sub3A_12 : vector<1000x256xf32>
    %reduce_sum3A_13 = arith.constant dense<0.000000e+00> : vector<1000xf32>
    %reduce_sum3A_14 = vector.multi_reduction <add>, %mul3A, %reduce_sum3A_13 [1] : vector<1000x256xf32> to vector<1000xf32>
    %broadcast_in_dim3A_15 = vector.shape_cast %reduce_sum3A_14 : vector<1000xf32> to vector<1000x1xf32>
    %div3A_16 = arith.constant 2.560000e+02 : f32
    %div3A_17 = vector.broadcast %div3A_16 : f32 to vector<1000x1xf32>
    %div3A_18 = arith.divf %broadcast_in_dim3A_15, %div3A_17 : vector<1000x1xf32>
    %add3A_19 = arith.constant 9.99999974E-6 : f32
    %add3A_20 = vector.broadcast %add3A_19 : f32 to vector<1000x1xf32>
    %add3A_21 = arith.addf %div3A_18, %add3A_20 : vector<1000x1xf32>
    %rsqrt3A = math.rsqrt %add3A_21 : vector<1000x1xf32>
    %mul3A_22 = vector.broadcast %rsqrt3A : vector<1000x1xf32> to vector<1000x256xf32>
    %mul3A_23 = arith.mulf %sub3A_12, %mul3A_22 : vector<1000x256xf32>
    %get3A_24 = arith.constant 0 : index
    %get3A_25 = arith.constant 0 : index
    %get3A_26 = vector.load %arg4[%get3A_24, %get3A_25] : memref<1x256xf32, #tpu.memory_space<vmem>>, vector<1x256xf32>
    %mul3A_27 = vector.broadcast %get3A_26 : vector<1x256xf32> to vector<1000x256xf32>
    %mul3A_28 = arith.mulf %mul3A_23, %mul3A_27 : vector<1000x256xf32>
    %get3A_29 = arith.constant 0 : index
    %get3A_30 = arith.constant 0 : index
    %get3A_31 = vector.load %arg5[%get3A_29, %get3A_30] : memref<1x256xf32, #tpu.memory_space<vmem>>, vector<1x256xf32>
    %add3A_32 = vector.broadcast %get3A_31 : vector<1x256xf32> to vector<1000x256xf32>
    %add3A_33 = arith.addf %mul3A_28, %add3A_32 : vector<1000x256xf32>
    %swap3A = arith.constant 0 : index
    %swap3A_34 = arith.constant 0 : index
    %swap3A_35 = vector.load %arg6[%swap3A, %swap3A_34] : memref<1000x256xf32, #tpu.memory_space<vmem>>, vector<1000x256xf32>
    tpu.vector_store %arg6[%swap3A, %swap3A_34], %add3A_33 {strides = array<i32>} : memref<1000x256xf32, #tpu.memory_space<vmem>>, vector<1000x256xf32>,
    return
  }
  func.func @transform_0(%arg0: i32) -> (i32, i32) {
    %c0_i32 = arith.constant 0 : i32
    %c0_i32_0 = arith.constant 0 : i32
    return %arg0, %c0_i32 : i32, i32
  }
  func.func @transform_1(%arg0: i32) -> (i32, i32) {
    %c0_i32 = arith.constant 0 : i32
    %c0_i32_0 = arith.constant 0 : i32
    return %arg0, %c0_i32 : i32, i32
  }
  func.func @transform_2(%arg0: i32) -> (i32, i32) {
    %c0_i32 = arith.constant 0 : i32
    %c0_i32_0 = arith.constant 0 : i32
    %c0_i32_1 = arith.constant 0 : i32
    return %c0_i32, %c0_i32_0 : i32, i32
  }
  func.func @transform_3(%arg0: i32) -> (i32, i32) {
    %c0_i32 = arith.constant 0 : i32
    %c0_i32_0 = arith.constant 0 : i32
    %c0_i32_1 = arith.constant 0 : i32
    return %c0_i32, %c0_i32_0 : i32, i32
  }
  func.func @transform_4(%arg0: i32) -> (i32, i32) {
    %c0_i32 = arith.constant 0 : i32
    %c0_i32_0 = arith.constant 0 : i32
    %c0_i32_1 = arith.constant 0 : i32
    return %c0_i32, %c0_i32_0 : i32, i32
  }
  func.func @transform_5(%arg0: i32) -> (i32, i32) {
    %c0_i32 = arith.constant 0 : i32
    %c0_i32_0 = arith.constant 0 : i32
    return %arg0, %c0_i32 : i32, i32
  }
}

</mosaic_0001>

<sc_bundles>
// kernel: kernel.5.cloned.1.call-start
scs
__scs_entry_jumppad:
0x0: {  	(pc) =	sbr.rel $0x88, $3  }
0x1: {  	(tag) =	ssettag $0x0;
	lr =	simm.s32 $0x1  }
0x2: {  	[smem:$0x3F99] =	sst lr;
	_ =	strace $0xD0000000  }
0x3: {  	_ = 	snop  }
0x4: {  	_ = 	snop  }
0x5: {  	_ = 	snop  }
0x6: {  	_ = 	snop  }
0x7: {  	_ = 	snop  }
__scs_overlays_trampoline_lowered:
0x8: {  	[smem:$0x3FA8] =	sst s0  }
0x9: {  	[smem:$0x3FA9] =	sst s1  }
0xa: {  	[smem:$0x3FAA] =	sst s2  }
0xb: {  	[smem:$0x3FAB] =	sst s3  }
0xc: {  	[smem:$0x3FAC] =	sst s4  }
0xd: {  	[smem:$0x3FAD] =	sst s5  }
0xe: {  	[smem:$0x3FAE] =	sst s6  }
0xf: {  	[smem:$0x3FAF] =	sst s7  }
0x10: {  	[smem:$0x3FB0] =	sst s8  }
0x11: {  	[smem:$0x3FB1] =	sst s9;
	s0 =	simm.s32 @!p0 $0x0  }
0x12: {  	s1 =	sld [smem:$0x3F97];
	s0 =	simm.s32 @p0 $0x1  }
0x13: {  	[smem:$0x3FB2] =	sst s0;
	s0 =	simm.s32 @!p1 $0x0  }
0x14: {  	s2 =	sld [smem:$0x3F96];
	s0 =	simm.s32 @p1 $0x1  }
0x15: {  	[smem:$0x3FB3] =	sst s0;
	s0 =	simm.s32 @!p2 $0x0  }
0x16: {  	s3 =	sld [smem:$0x3FDB];
	s0 =	simm.s32 @p2 $0x1  }
0x17: {  	s4 =	simm.s32 $0x1BF5;
	[smem:$0x3FB5] =	sst s0  }
0x18: {  	s0 =	sld [smem:$0x3F98];
	_ =	swait.ge [sflag:s4], $0x0  }
0x19: {  	s7 =	sld [smem:$0x3F99]  }
0x1a: {  	s8 =	sadd.s32 $0xFFFFE003, lr  }
0x1b: {  	s9 =	sadd.s32 $0xFFFFFEF7, lr;
	s5 =	simm.s32 $0xFFFFFFFF;
	p2 =	slt.u32 s8, $0xFFFFF086  }
0x1c: {  	p1 =	slt.u32 s9, $0xF7A;
	s5 =	simm.s32 @!p2 $0x0  }
0x1d: {  	s5 =	simm.s32 @p1 $0x1;
	p0 =	seq.s32 s7, s2  }
0x1e: {  	s7 =	smul.u32 @!p0 $0xF7A, s2;
	p2 =	seq.s32 @!p0 s5, $0x0  }
0x1f: {  	s9 =	smul.u32 $0xF7A, s1;
	s8 =	simm.s32 @!p0 $0x1BF5;
	p2 =	por !p2, p0  }
0x20: {  	[sflag:s8] =	ssyncset.s32 @!p0 $0xFFFFF086;
	s6 =	sadd.s32 @!p0 s3, s7;
	s7 =	simm.s32 @!p0 $0x108  }
0x21: {  	s3 =	sadd.s32 s3, s9;
	s6 =	sadd.s32 @!p0 $0x88, s6;
	s7 =	simm.s32 @p2 $0x1082  }
0x22: {  	[simem:s7], [sflag:s8] =	dma.local @!p0 [hbm:s6], $0xF7A  }
0x23: {  	s9 =	sor.u32 $0xD0000000, s2;
	s6 =	simm.s32 $0x108;
	_ =	swait.ge @!p0 [sflag:s8], $0x0  }
0x24: {  	s3 =	sadd.s32 $0x88, s3;
	s6 =	simm.s32 @!p1 $0x1082;
	[sflag:s4] =	ssyncset.s32 $0xFFFFF086  }
0x25: {  	[simem:s6], [sflag:s4] =	dma.local [hbm:s3], $0xF7A  }
0x26: {  	[smem:$0x3F99] =	sst s1;
	(tag) =	ssettag s2;
	_ =	strace s9  }
0x27: {  	s1 =	sld [smem:$0x3FA9]  }
0x28: {  	s2 =	sld [smem:$0x3FAA]  }
0x29: {  	s4 =	sld [smem:$0x3FAC]  }
0x2a: {  	p0 =	seq.s32 s5, $0x0;
	s5 =	sld [smem:$0x3FAD]  }
0x2b: {  	s6 =	sld [smem:$0x3FAE]  }
0x2c: {  	s7 =	sld [smem:$0x3FAF]  }
0x2d: {  	s3 =	simm.s32 $0x108;
	s8 =	sld [smem:$0x3FB0]  }
0x2e: {  	s3 =	simm.s32 @!p0 $0x1082;
	s9 =	sld [smem:$0x3FB1]  }
0x2f: {  	lr =	sadd.s32 s0, s3;
	s0 =	sld [smem:$0x3FA8]  }
0x30: {  	s3 =	sld [smem:$0x3FAB]  }
0x31: {  	[smem:$0x3FB4] =	sst s10  }
0x32: {  	s10 =	sld [smem:$0x3FB2];
	_ =	sdelay $0x3  }
0x33: {  	p0 =	seq.s32 s10, $0x1;
	s10 =	sld [smem:$0x3FB4];
	_ =	sdelay $0x3  }
0x34: {  	[smem:$0x3FB4] =	sst s10  }
0x35: {  	s10 =	sld [smem:$0x3FB3];
	_ =	sdelay $0x3  }
0x36: {  	p1 =	seq.s32 s10, $0x1;
	s10 =	sld [smem:$0x3FB4];
	_ =	sdelay $0x3  }
0x37: {  	[smem:$0x3FB4] =	sst s10  }
0x38: {  	s10 =	sld [smem:$0x3FB5]  }
0x39: {  	_ = 	snop;
	(pc) =	sbr.ind lr, $3  }
0x3a: {  	_ = 	snop  }
0x3b: {  	_ = 	snop  }
0x3c: {  	p2 =	seq.s32 s10, $0x1;
	s10 =	sld [smem:$0x3FB4]  }
0x3d: {  	_ =	shalt  }
0x3e: {  	_ =	shalt  }
0x3f: {  	_ =	shalt  }
0x40: {  	_ =	shalt  }
0x41: {  	_ =	shalt  }
0x42: {  	_ =	shalt  }
0x43: {  	_ =	shalt  }
0x44: {  	_ =	shalt  }
0x45: {  	_ =	shalt  }
0x46: {  	_ =	shalt  }
0x47: {  	_ =	shalt  }
0x48: {  	_ =	shalt  }
0x49: {  	_ =	shalt  }
0x4a: {  	_ =	shalt  }
0x4b: {  	_ =	shalt  }
0x4c: {  	_ =	shalt  }
0x4d: {  	_ =	shalt  }
0x4e: {  	_ =	shalt  }
0x4f: {  	_ =	shalt  }
0x50: {  	_ =	shalt  }
0x51: {  	_ =	shalt  }
0x52: {  	_ =	shalt  }
0x53: {  	_ =	shalt  }
0x54: {  	_ =	shalt  }
0x55: {  	_ =	shalt  }
0x56: {  	_ =	shalt  }
0x57: {  	_ =	shalt  }
0x58: {  	_ =	shalt  }
0x59: {  	_ =	shalt  }
0x5a: {  	_ =	shalt  }
0x5b: {  	_ =	shalt  }
0x5c: {  	_ =	shalt  }
0x5d: {  	_ =	shalt  }
0x5e: {  	_ =	shalt  }
0x5f: {  	_ =	shalt  }
0x60: {  	_ =	shalt  }
0x61: {  	_ =	shalt  }
0x62: {  	_ =	shalt  }
0x63: {  	_ =	shalt  }
0x64: {  	_ =	shalt  }
0x65: {  	_ =	shalt  }
0x66: {  	_ =	shalt  }
0x67: {  	_ =	shalt  }
0x68: {  	_ =	shalt  }
0x69: {  	_ =	shalt  }
0x6a: {  	_ =	shalt  }
0x6b: {  	_ =	shalt  }
0x6c: {  	_ =	shalt  }
0x6d: {  	_ =	shalt  }
0x6e: {  	_ =	shalt  }
0x6f: {  	_ =	shalt  }
0x70: {  	_ =	shalt  }
0x71: {  	_ =	shalt  }
0x72: {  	_ =	shalt  }
0x73: {  	_ =	shalt  }
0x74: {  	_ =	shalt  }
0x75: {  	_ =	shalt  }
0x76: {  	_ =	shalt  }
0x77: {  	_ =	shalt  }
0x78: {  	_ =	shalt  }
0x79: {  	_ =	shalt  }
0x7a: {  	_ =	shalt  }
0x7b: {  	_ =	shalt  }
0x7c: {  	_ =	shalt  }
0x7d: {  	_ =	shalt  }
0x7e: {  	_ =	shalt  }
0x7f: {  	_ =	shalt  }
0x80: {  	_ =	shalt  }
0x81: {  	_ =	shalt  }
0x82: {  	_ =	shalt  }
0x83: {  	_ =	shalt  }
0x84: {  	_ =	shalt  }
0x85: {  	_ =	shalt  }
0x86: {  	_ =	shalt  }
0x87: {  	_ =	shalt  }
.Lfunc_end0:
.L_simem_size_0:
called_computation_lowered:
.L_overlay_start_0:
0x88: {  	s2 =	sld [smem:$0x3FD9]  }
0x89: {  	s3 =	sld [smem:$0x3FFE];
	_ =	sdelay $0x1  }
0x8a: {  	s1 =	srdreg.scid  }
0x8b: {  	s0 =	sand.u32 $0x1, s1  }
0x8c: {  	s17 =	sshll.u32 s0, $0xA;
	s2 =	sadd.s32 s3, s2  }
0x8d: {  	s2 =	sadd.s32 s2, s17  }
0x8e: {  	[smem:$0x3FC0] =	sst s2  }
0x8f: {  	_ = 	snop  }
0x90: {  	s2 =	sld [smem:$0x3FD0];
	(tm) =	ssettm $0x1  }
0x91: {  	s18 =	sld [smem:$0x3FFB];
	_ =	sdelay $0x3  }
0x92: {  	_ =	strace s18  }
0x93: {  	s3 =	sld [smem:$0x3FFC];
	_ =	sdelay $0x3  }
0x94: {  	_ =	strace s3  }
0x95: {  	s3 =	sld [smem:$0x3FFD];
	_ =	sdelay $0x3  }
0x96: {  	_ =	strace s3  }
0x97: {  	_ =	strace $0x8FFFFFFF  }
0x98: {  	s19 =	sld [smem:$0x3FDB];
	_ =	sdelay $0x1  }
0x99: {  	s4 =	simm.s32 $_scs_section_size  }
0x9a: {  	s5 =	simm.s32 $_size__tile_overlayer_lowered;
	s6 =	simm.s32 $_tile_overlayer_lowered  }
0x9b: {  	s22 =	simm.s32 $0x1BFF;
	s21 =	sshll.u32 s6, $0x1;
	s3 =	sadd.s32 s4, s19  }
0x9c: {  	s7 =	simm.s32 $0x0;
	s20 =	sshll.u32 s5, $0x1;
	s5 =	sadd.s32 s21, s3  }
0x9d: {  	[timem:s7], [sflag:s22] =	dma.local [hbm:s5], s20  }
0x9e: {  	_ =	swait.ge [sflag:s22], s20  }
0x9f: {  	s4 =	ssub.s32 $0x0, s20;
	[sflag:s22] =	ssyncset.done $0x0  }
0xa0: {  	[sflag:s22] =	ssyncadd.s32 s4;
	_ =	sdelay $0x1  }
0xa1: {  	s23 =	simm.s32 $0x1B8B  }
0xa2: {  	_ =	swait.ge [sflag:s23], $0x1  }
0xa3: {  	[sflag:s23] =	ssyncset.done $0x0  }
0xa4: {  	s25 =	simm.s32 $0x1B8E;
	s24 =	sld [smem:$0x3FFE];
	[sflag:s23] =	ssyncadd.s32 $0xFFFFFFFF  }
0xa5: {  	s26 =	simm.s32 $execute0_lowered;
	[smem:$0x3FD2] =	sst s25  }
0xa6: {  	s5 =	sshll.u32 s26, $0x1;
	_ =	strace $0x80000046;
	[dreg:$0x1] =	wrdreg $0xFFFFFFFF  }
0xa7: {  	s28 =	simm.s32 $_size_execute0_lowered;
	s3 =	sadd.s32 s3, s5;
	[dreg:$0x0] =	wrdreg $0x0  }
0xa8: {  	s5 =	sshll.u32 s28, $0x1;
	[dreg:$0x2] =	wrdreg s3  }
0xa9: {  	[dreg:$0x3] =	wrdreg s5  }
0xaa: {  	[dreg:$0x4] =	wrdreg $0xC0  }
0xab: {  	_ =	task [dreg:s7], $0x5FFFF  }
0xac: {  	[dreg:$0x1] =	wrdreg $0xFFFFFFFF  }
0xad: {  	[dreg:$0x0] =	wrdreg $0x60  }
0xae: {  	[dreg:$0x2] =	wrdreg s2  }
0xaf: {  	[dreg:$0x3] =	wrdreg s24  }
0xb0: {  	[dreg:$0x4] =	wrdreg $0x14DC00  }
0xb1: {  	[dreg:$0x5] =	wrdreg $0x1EDC00  }
0xb2: {  	[dreg:$0x6] =	wrdreg $0x9  }
0xb3: {  	_ =	task.clear_ibuf [dreg:s7], $0x7FFFF;
	_ =	strace $0x90000046  }
0xb4: {  	s29 =	simm.s32 $0x9;
	_ =	strace $0x80000048  }
0xb5: {  	_ =	swait.ge [sflag:s29], $0x1  }
0xb6: {  	[sflag:s29] =	ssyncadd.s32 $0xFFFFFFFF  }
0xb7: {  	_ =	strace $0x90000048  }
0xb8: {  	_ =	sfence  }
0xb9: {  	s30 =	sld [smem:$0x0];
	_ =	sdelay $0x2  }
0xba: {  	s31 =	sshll.u32 s1, $0xD;
	s1 =	sshrl.u32 s1, $0x2  }
0xbb: {  	s3 =	sand.u32 $0x4000, s31;
	s1 =	sadd.s32 s1, s30  }
0xbc: {  	s0 =	sor.u32 s3, s0;
	s1 =	sshll.u32 s1, $0x11  }
0xbd: {  	s0 =	sor.u32 s1, s0  }
0xbe: {  	s0 =	sadd.s32 $0x8F2B, s0  }
0xbf: {  	[sflag:s0] =	ssyncadd.remote.s32 $0x1  }
0xc0: {  	_ =	sfence.sel $0xFFFF  }
0xc1: {  	[dreg:$0x0] =	wrdreg $0xFFFFFFFF;
	(pc) =	sbr.abs _section_cstart, $3  }
0xc2: {  	[dreg:$0x1] =	wrdreg $0xFFFFFFFF  }
0xc3: {  	_ =	task.clear_ibuf [dreg:s7], $0x2FFFF;
	_ =	strace $0x9FFFFFFF  }
0xc4: {  	(tm) =	ssettm $0x7FFFFFFF  }
0xc5: {  	_ =	shalt  }
tec
execute0_lowered:
.L_overlay_start_1:
0x0: {  	(tag) =	ssettag $0x1  }
0x1: {  	s0 =	rddreg [dreg:$0x0]  }
0x2: {  	s2 =	rddreg [dreg:$0x1]  }
0x3: {  	s1 =	srdreg.scid;
	s3 =	rddreg [dreg:$0x2]  }
0x4: {  	s24 =	stileid.u32;
	s4 =	rddreg [dreg:$0x3];
	s5 =	simm.s32 $0x0  }
0x5: {  	s17 =	simm.s32 $0x1;
	s18 =	simm.s32 $0x4E20;
	s7 =	smul.u32 $0x4E2, s24  }
0x6: {  	s19 =	simm.s32 $0x7530;
	s20 =	simm.s32 $0xEA60;
	s10 =	smul.u32 $0x14000, s24  }
0x7: {  	s22 =	simm.s32 $0x14D70;
	s23 =	simm.s32 $0x11260;
	s12 =	smul.u32 $0x28000, s24  }
0x8: {  	s6 =	sand.u32 $0x1, s1;
	[smem:$0x7FF] =	sst s5;
	s31 =	smul.u32 $0x280, s24  }
0x9: {  	s30 =	sshll.u32 s24, $0x6;
	s24 =	simm.s32 $0x10;
	s21 =	smul.u32 $0x4E20, s6  }
0xa: {  	s8 =	smul.u32 $0x140000, s6;
	_ =	strace $0x80000047;
	s26 =	ssub.s32 $0x2, s6  }
0xb: {  	s6 =	sadd.s32 $0xC200, s2;
	s11 =	sadd.s32 s7, s2;
	s28 =	sshrl.u32 s26, $0x1  }
0xc: {  	s29 =	sshrl.u32 s12, $0x2;
	s12 =	sadd.s32 $0xEA60, s31;
	s9 =	sshrl.u32 s21, $0x3  }
0xd: {  	s25 =	sadd.s32 s10, s8;
	s15 =	ssub.s32 s26, s28;
	s16 =	sadd.s32 s29, s3  }
0xe: {  	s10 =	sadd.s32 $0xE00, s11;
	v1 =	vmov s21;
	s21 =	simm.s32 $0x50;
	s26 =	simm.s32 $0x0  }
0xf: {  	s9 =	sadd.s32 s9, s2;
	s7 =	sshrl.u32 s25, $0x3;
	s15 =	smax.u32 s15, $0x1  }
0x10: {  	v0 =	vlaneseq.u32;
	s16 =	sshrl.u32 s16, $0x3;
	s25 =	simm.s32 $0x8;
	s2 =	sadd.s32 s7, s2  }
0x11: {  	v6 =	vimm.f32 $0.0e+00;
	v2 =	vor.u32 $0x10, v0;
	s7 =	sor.u32 $0x1C01, s30;
	s8 =	sadd.s32 $0xAE00, s9;
	s9 =	sadd.s32 $0x5E00, s11  }
0x12: {  	v3 =	vor.u32 $0x20, v0;
	v4 =	vor.u32 $0x30, v0;
	v5 =	vor.u32 $0x40, v0;
	s11 =	sadd.s32 s31, s4;
	s13 =	sadd.s32 $0xD600, s2;
	s14 =	sadd.s32 $0xD608, s2  }
.LBB2_1:
0x13: {  	[spmem:s16], [sflag:s7] =	dma.local [hbm:s6], $0x1400  }
0x14: {  	_ =	swait.ge [sflag:s17], $0x1400  }
0x15: {  	[sflag:s17] =	ssyncset.done $0x0  }
0x16: {  	[sflag:s17] =	ssyncadd.s32 $0xFFFFEC00  }
0x17: {  	[tilespmem:s5], [sflag:$0x1] =	stream.linear.gather [hbm4b:s8+s5], $0x4E20, $0x38;
	[tilespmem:$0x1F040] =	vst v63  }
0x18: {  	_ =	swait.ge [sflag:s17], $0x4E20  }
0x19: {  	[sflag:s17] =	ssyncset.done $0x0  }
0x1a: {  	[sflag:s17] =	ssyncadd.s32 $0xFFFFB1E0  }
0x1b: {  	[tilespmem:s18], [sflag:$0x1] =	stream.linear.gather [hbm4b:s9+s5], $0x2710, $0x38;
	[tilespmem:$0x1F040] =	vst v63  }
0x1c: {  	_ =	swait.ge [sflag:s17], $0x2710  }
0x1d: {  	[sflag:s17] =	ssyncset.done $0x0  }
0x1e: {  	[sflag:s17] =	ssyncadd.s32 $0xFFFFD8F0  }
0x1f: {  	[tilespmem:s19], [sflag:$0x1] =	stream.linear.gather [hbm4b:s10+s5], $0x2710, $0x38;
	[tilespmem:$0x1F040] =	vst v63  }
0x20: {  	_ =	swait.ge [sflag:s17], $0x2710  }
0x21: {  	[sflag:s17] =	ssyncset.done $0x0  }
0x22: {  	[sflag:s17] =	ssyncadd.s32 $0xFFFFD8F0  }
0x23: {  	[tilespmem:$0x14D70] =	vst v0  }
0x24: {  	[tilespmem:$0x14D80] =	vst v2  }
0x25: {  	[tilespmem:$0x14D90] =	vst v3  }
0x26: {  	[tilespmem:$0x14DA0] =	vst v4  }
0x27: {  	s2 =	simm.s32 $0x70;
	s28 =	simm.s32 $0x3C0;
	[tilespmem:$0x14DB0] =	vst v5  }
.LBB2_2:
0x28: {  	p0 =	sne.s32 s28, $0x9FC0;
	[tilespmem:s2+$0xEA60] =	vst v6  }
0x29: {  	[tilespmem:s2+$0xE9F0] =	vst v6  }
0x2a: {  	[tilespmem:s2+$0xEA00] =	vst v6  }
.Ltmp0:
0x2b: {  	[tilespmem:s2+$0xEA10] =	vst v6;
	(pc) =	sbr.rel @p0 .LBB2_2-.Ltmp0, $4  }
0x2c: {  	[tilespmem:s2+$0xEA20] =	vst v6  }
0x2d: {  	[tilespmem:s2+$0xEA30] =	vst v6  }
0x2e: {  	[tilespmem:s2+$0xEA40] =	vst v6  }
0x2f: {  	[tilespmem:s2+$0xEA50] =	vst v6;
	s2 =	sshra.s32 s28, $0x2;
	s28 =	sadd.s32 $0x200, s28  }
0x30: {  	[tilespmem:s2+$0xEA60] =	vst v6  }
0x31: {  	[tilespmem:s2+$0xE9F0] =	vst v6  }
0x32: {  	[tilespmem:s2+$0xEA00] =	vst v6  }
0x33: {  	[tilespmem:s2+$0xEA10] =	vst v6  }
0x34: {  	[tilespmem:s2+$0xEA20] =	vst v6  }
0x35: {  	[tilespmem:s2+$0xEA30] =	vst v6  }
0x36: {  	[tilespmem:s2+$0xEA40] =	vst v6  }
0x37: {  	[tilespmem:s2+$0xEA50] =	vst v6  }
0x38: {  	[spmem:s11] =	stream.linear.scatter [tilespmem:s12], [sflag:$0x1], $0x280, $0x38;
	[tilespmem:$0x1F040] =	vst v63  }
0x39: {  	_ =	swait.ge [sflag:s17], $0x280  }
0x3a: {  	[sflag:s17] =	ssyncset.done $0x0  }
0x3b: {  	[sflag:s17] =	ssyncadd.s32 $0xFFFFFD80  }
0x3c: {  	s2 =	simm.s32 $0x0;
	[bflag:$0x0] =	sbarrier.arrive $0xFFFF  }
.LBB2_4:
0x3d: {  	s28 =	sshra.s32 s2, $0x2  }
0x3e: {  	v7 =	vld [tilespmem:s28+$0x4E20]  }
0x3f: {  	v8 =	vld [tilespmem:s28+$0x7530];
	_ =	sdelay $0x4  }
0x40: {  	v7 =	vshll.u32 v7, $0x1;
	v9 =	vshll.u32 v8, $0x1  }
0x41: {  	v9 =	vor.u32 $0x1, v9;
	_ =	sdelay $0x1  }
0x42: {  	v10 =	vadd.s32 v1, v7  }
0x43: {  	[tilespmem:s28+$0x9C40] =	vst v10  }
0x44: {  	v7 =	vld.idx.msk [tilespmem:v7+s5+$0x0], $0xffff  }
0x45: {  	v9 =	vld.idx.msk [tilespmem:v9+s5+$0x0], $0xffff;
	_ =	sdelay $0x4  }
0x46: {  	v7 =	vadd.f32 v9, v7;
	_ =	sdelay $0x1  }
0x47: {  	v9 =	vmul.f32 $2.000000030e-01, v7  }
0x48: {  	vm0 =	vge.f32 v7, $0.0e+00  }
0x49: {  	v7 =	vsel vm0, v7, v9  }
0x4a: {  	v7 =	vmul.f32 $1.442695020e+00, v7;
	_ =	sdelay $0x1  }
0x4b: {  	(erf) = vpow2.f32 v7;
	_ =	sdelay $0x8  }
0x4c: {  	v7 =	vpop (erf)  }
0x4d: {  	[tilespmem:s28+$0xC350] =	vst v7  }
0x4e: {  	[tilespmem:v8+s20+$0x0] =	vst.idx.add.f32.msk $0xffff, v7  }
0x4f: {  	v7 =	vld [tilespmem:s28+$0x4E30]  }
0x50: {  	v8 =	vld [tilespmem:s28+$0x7540];
	_ =	sdelay $0x4  }
0x51: {  	v7 =	vshll.u32 v7, $0x1;
	v56 =	vshll.u32 v8, $0x1  }
0x52: {  	v9 =	vor.u32 $0x1, v56;
	_ =	sdelay $0x1  }
0x53: {  	v57 =	vadd.s32 v1, v7  }
0x54: {  	[tilespmem:s28+$0x9C50] =	vst v57  }
0x55: {  	v7 =	vld.idx.msk [tilespmem:v7+s5+$0x0], $0xffff  }
0x56: {  	v9 =	vld.idx.msk [tilespmem:v9+s5+$0x0], $0xffff;
	_ =	sdelay $0x4  }
0x57: {  	v7 =	vadd.f32 v9, v7;
	_ =	sdelay $0x1  }
0x58: {  	v9 =	vmul.f32 $2.000000030e-01, v7  }
0x59: {  	vm12 =	vge.f32 v7, $0.0e+00  }
0x5a: {  	v7 =	vsel vm12, v7, v9  }
0x5b: {  	v7 =	vmul.f32 $1.442695020e+00, v7;
	_ =	sdelay $0x1  }
0x5c: {  	(erf) = vpow2.f32 v7;
	_ =	sdelay $0x8  }
0x5d: {  	v7 =	vpop (erf)  }
0x5e: {  	[tilespmem:s28+$0xC360] =	vst v7  }
0x5f: {  	[tilespmem:v8+s20+$0x0] =	vst.idx.add.f32.msk $0xffff, v7  }
0x60: {  	v7 =	vld [tilespmem:s28+$0x4E40]  }
0x61: {  	v8 =	vld [tilespmem:s28+$0x7550];
	_ =	sdelay $0x4  }
0x62: {  	v7 =	vshll.u32 v7, $0x1;
	v58 =	vshll.u32 v8, $0x1  }
0x63: {  	v9 =	vor.u32 $0x1, v58;
	_ =	sdelay $0x1  }
0x64: {  	v59 =	vadd.s32 v1, v7  }
0x65: {  	[tilespmem:s28+$0x9C60] =	vst v59  }
0x66: {  	v7 =	vld.idx.msk [tilespmem:v7+s5+$0x0], $0xffff  }
0x67: {  	v9 =	vld.idx.msk [tilespmem:v9+s5+$0x0], $0xffff;
	_ =	sdelay $0x4  }
0x68: {  	v7 =	vadd.f32 v9, v7;
	_ =	sdelay $0x1  }
0x69: {  	v9 =	vmul.f32 $2.000000030e-01, v7  }
0x6a: {  	vm13 =	vge.f32 v7, $0.0e+00  }
0x6b: {  	v7 =	vsel vm13, v7, v9  }
0x6c: {  	v7 =	vmul.f32 $1.442695020e+00, v7;
	_ =	sdelay $0x1  }
0x6d: {  	(erf) = vpow2.f32 v7;
	_ =	sdelay $0x8  }
0x6e: {  	v7 =	vpop (erf)  }
0x6f: {  	[tilespmem:s28+$0xC370] =	vst v7  }
0x70: {  	[tilespmem:v8+s20+$0x0] =	vst.idx.add.f32.msk $0xffff, v7  }
0x71: {  	v7 =	vld [tilespmem:s28+$0x4E50]  }
0x72: {  	v8 =	vld [tilespmem:s28+$0x7560];
	_ =	sdelay $0x4  }
0x73: {  	v7 =	vshll.u32 v7, $0x1;
	v60 =	vshll.u32 v8, $0x1  }
0x74: {  	v9 =	vor.u32 $0x1, v60;
	_ =	sdelay $0x1  }
0x75: {  	v61 =	vadd.s32 v1, v7  }
0x76: {  	[tilespmem:s28+$0x9C70] =	vst v61  }
0x77: {  	v7 =	vld.idx.msk [tilespmem:v7+s5+$0x0], $0xffff  }
0x78: {  	v9 =	vld.idx.msk [tilespmem:v9+s5+$0x0], $0xffff;
	_ =	sdelay $0x4  }
0x79: {  	v7 =	vadd.f32 v9, v7;
	_ =	sdelay $0x1  }
0x7a: {  	v9 =	vmul.f32 $2.000000030e-01, v7  }
0x7b: {  	vm14 =	vge.f32 v7, $0.0e+00  }
0x7c: {  	v7 =	vsel vm14, v7, v9  }
0x7d: {  	v7 =	vmul.f32 $1.442695020e+00, v7;
	_ =	sdelay $0x1  }
0x7e: {  	(erf) = vpow2.f32 v7;
	_ =	sdelay $0x8  }
0x7f: {  	v7 =	vpop (erf)  }
0x80: {  	[tilespmem:s28+$0xC380] =	vst v7  }
0x81: {  	[tilespmem:v8+s20+$0x0] =	vst.idx.add.f32.msk $0xffff, v7  }
0x82: {  	v7 =	vld [tilespmem:s28+$0x4E60]  }
0x83: {  	v8 =	vld [tilespmem:s28+$0x7570];
	_ =	sdelay $0x4  }
0x84: {  	v7 =	vshll.u32 v7, $0x1;
	v62 =	vshll.u32 v8, $0x1  }
0x85: {  	v9 =	vor.u32 $0x1, v62;
	_ =	sdelay $0x1  }
0x86: {  	v63 =	vadd.s32 v1, v7  }
0x87: {  	[tilespmem:s28+$0x9C80] =	vst v63  }
0x88: {  	v7 =	vld.idx.msk [tilespmem:v7+s5+$0x0], $0xffff  }
0x89: {  	v9 =	vld.idx.msk [tilespmem:v9+s5+$0x0], $0xffff;
	_ =	sdelay $0x4  }
0x8a: {  	v7 =	vadd.f32 v9, v7;
	_ =	sdelay $0x1  }
0x8b: {  	v9 =	vmul.f32 $2.000000030e-01, v7  }
0x8c: {  	vm15 =	vge.f32 v7, $0.0e+00  }
0x8d: {  	v7 =	vsel vm15, v7, v9  }
0x8e: {  	v7 =	vmul.f32 $1.442695020e+00, v7;
	_ =	sdelay $0x1  }
0x8f: {  	(erf) = vpow2.f32 v7;
	_ =	sdelay $0x5  }
0x90: {  	p0 =	sne.s32 s2, $0x9B00  }
.Ltmp1:
0x91: {  	_ = 	snop;
	(pc) =	sbr.rel @p0 .LBB2_4-.Ltmp1, $4  }
0x92: {  	_ = 	snop  }
0x93: {  	v7 =	vpop (erf)  }
0x94: {  	[tilespmem:s28+$0xC390] =	vst v7  }
0x95: {  	s2 =	sadd.s32 $0x140, s2;
	[tilespmem:v8+s20+$0x0] =	vst.idx.add.f32.msk $0xffff, v7  }
0x96: {  	[spmem:s4] =	stream.indirect.scatter.add.f32 [tilespmem:s20], [sflag:$0x1], $0x80, s22, s21, $0xb8;
	[tilespmem:$0x1F040] =	vst v63  }
0x97: {  	_ =	swait.ge [sflag:s17], $0x2800  }
0x98: {  	[sflag:s17] =	ssyncset.done $0x0  }
0x99: {  	[sflag:s17] =	ssyncadd.s32 $0xFFFFD800  }
0x9a: {  	[bflag:$0x0] =	sbarrier.arrive $0xFFFF  }
0x9b: {  	[tilespmem:s20], [sflag:$0x1] =	stream.linear.gather [spmem:s4], $0x2800, $0x38;
	[tilespmem:$0x1F040] =	vst v63  }
0x9c: {  	_ =	swait.ge [sflag:s17], $0x2800  }
0x9d: {  	[sflag:s17] =	ssyncset.done $0x0  }
0x9e: {  	s2 =	simm.s32 $0x40;
	[sflag:s17] =	ssyncadd.s32 $0xFFFFD800  }
0x9f: {  	v7 =	vld [tilespmem:s2+$0x74F0];
	_ =	sdelay $0x7  }
0xa0: {  	v7 =	vld.idx.msk [tilespmem:v7+s20+$0x0], $0xffff;
	_ =	sdelay $0x4  }
0xa1: {  	(erf) = vrcp.f32 v7;
	_ =	sdelay $0x3  }
0xa2: {  	v8 =	vld [tilespmem:s2+$0x7500]  }
0xa3: {  	v7 =	vld [tilespmem:s2+$0xC310];
	_ =	sdelay $0x3  }
0xa4: {  	v9 =	vpop (erf)  }
0xa5: {  	v7 =	vmul.f32 v9, v7;
	_ =	sdelay $0x1  }
0xa6: {  	[tilespmem:s2+$0x12620] =	vst v7  }
0xa7: {  	v7 =	vld.idx.msk [tilespmem:v8+s20+$0x0], $0xffff;
	_ =	sdelay $0x4  }
0xa8: {  	(erf) = vrcp.f32 v7;
	_ =	sdelay $0x3  }
0xa9: {  	v8 =	vld [tilespmem:s2+$0x7510]  }
0xaa: {  	v7 =	vld [tilespmem:s2+$0xC320];
	_ =	sdelay $0x3  }
0xab: {  	v61 =	vpop (erf)  }
0xac: {  	v7 =	vmul.f32 v61, v7;
	_ =	sdelay $0x1  }
0xad: {  	[tilespmem:s2+$0x12630] =	vst v7  }
0xae: {  	v7 =	vld.idx.msk [tilespmem:v8+s20+$0x0], $0xffff;
	_ =	sdelay $0x4  }
0xaf: {  	(erf) = vrcp.f32 v7;
	_ =	sdelay $0x3  }
0xb0: {  	v8 =	vld [tilespmem:s2+$0x7520]  }
0xb1: {  	v7 =	vld [tilespmem:s2+$0xC330];
	_ =	sdelay $0x3  }
0xb2: {  	v62 =	vpop (erf)  }
0xb3: {  	v7 =	vmul.f32 v62, v7;
	_ =	sdelay $0x1  }
0xb4: {  	[tilespmem:s2+$0x12640] =	vst v7  }
0xb5: {  	v7 =	vld.idx.msk [tilespmem:v8+s20+$0x0], $0xffff;
	_ =	sdelay $0x4  }
0xb6: {  	(erf) = vrcp.f32 v7;
	_ =	sdelay $0x3  }
0xb7: {  	v8 =	vld [tilespmem:s2+$0x7530]  }
0xb8: {  	v7 =	vld [tilespmem:s2+$0xC340];
	_ =	sdelay $0x3  }
0xb9: {  	v63 =	vpop (erf)  }
0xba: {  	v7 =	vmul.f32 v63, v7;
	_ =	sdelay $0x1  }
0xbb: {  	[tilespmem:s2+$0x12650] =	vst v7  }
0xbc: {  	v7 =	vld.idx.msk [tilespmem:v8+s20+$0x0], $0xffff;
	_ =	sdelay $0x4  }
0xbd: {  	(erf) = vrcp.f32 v7;
	_ =	sdelay $0x3  }
0xbe: {  	s29 =	simm.s32 $0x90;
	s28 =	simm.s32 $0x380;
	v7 =	vld [tilespmem:s2+$0xC350]  }
.LBB2_6:
0xbf: {  	p0 =	sne.s32 s28, $0x9C00;
	v8 =	vld [tilespmem:s29+$0x74F0];
	_ =	sdelay $0x3  }
0xc0: {  	v9 =	vpop (erf)  }
0xc1: {  	v7 =	vmul.f32 v9, v7;
	_ =	sdelay $0x1  }
0xc2: {  	[tilespmem:s2+$0x12660] =	vst v7;
	s2 =	smov.u32 s29  }
0xc3: {  	v7 =	vld.idx.msk [tilespmem:v8+s20+$0x0], $0xffff;
	_ =	sdelay $0x5  }
0xc4: {  	(erf) = vrcp.f32 v7;
	_ =	sdelay $0x3  }
0xc5: {  	v7 =	vld [tilespmem:s2+$0xC310]  }
0xc6: {  	v8 =	vld [tilespmem:s2+$0x7500];
	_ =	sdelay $0x3  }
0xc7: {  	v9 =	vpop (erf)  }
0xc8: {  	v7 =	vmul.f32 v9, v7;
	_ =	sdelay $0x1  }
0xc9: {  	[tilespmem:s2+$0x12620] =	vst v7  }
0xca: {  	v7 =	vld.idx.msk [tilespmem:v8+s20+$0x0], $0xffff;
	_ =	sdelay $0x5  }
0xcb: {  	(erf) = vrcp.f32 v7;
	_ =	sdelay $0x3  }
0xcc: {  	v7 =	vld [tilespmem:s2+$0xC320]  }
0xcd: {  	v8 =	vld [tilespmem:s2+$0x7510];
	_ =	sdelay $0x3  }
0xce: {  	v9 =	vpop (erf)  }
0xcf: {  	v7 =	vmul.f32 v9, v7;
	_ =	sdelay $0x1  }
0xd0: {  	[tilespmem:s2+$0x12630] =	vst v7  }
0xd1: {  	v7 =	vld.idx.msk [tilespmem:v8+s20+$0x0], $0xffff;
	_ =	sdelay $0x5  }
0xd2: {  	(erf) = vrcp.f32 v7;
	_ =	sdelay $0x3  }
0xd3: {  	v7 =	vld [tilespmem:s2+$0xC330]  }
0xd4: {  	v8 =	vld [tilespmem:s2+$0x7520];
	_ =	sdelay $0x3  }
0xd5: {  	v9 =	vpop (erf)  }
0xd6: {  	v7 =	vmul.f32 v9, v7;
	_ =	sdelay $0x1  }
0xd7: {  	[tilespmem:s2+$0x12640] =	vst v7  }
0xd8: {  	v7 =	vld.idx.msk [tilespmem:v8+s20+$0x0], $0xffff;
	_ =	sdelay $0x5  }
0xd9: {  	(erf) = vrcp.f32 v7;
	_ =	sdelay $0x3  }
0xda: {  	v7 =	vld [tilespmem:s2+$0xC340]  }
0xdb: {  	v8 =	vld [tilespmem:s2+$0x7530];
	_ =	sdelay $0x3  }
0xdc: {  	v9 =	vpop (erf)  }
0xdd: {  	v7 =	vmul.f32 v9, v7;
	_ =	sdelay $0x1  }
0xde: {  	[tilespmem:s2+$0x12650] =	vst v7  }
0xdf: {  	v7 =	vld.idx.msk [tilespmem:v8+s20+$0x0], $0xffff;
	_ =	sdelay $0x5  }
.Ltmp2:
0xe0: {  	(erf) = vrcp.f32 v7;
	(pc) =	sbr.rel @p0 .LBB2_6-.Ltmp2, $2  }
0xe1: {  	_ =	sdelay $0x2  }
0xe2: {  	s29 =	sshra.s32 s28, $0x2;
	s28 =	sadd.s32 $0x140, s28;
	v7 =	vld [tilespmem:s2+$0xC350]  }
0xe3: {  	v8 =	vld [tilespmem:s29+$0x74F0];
	_ =	sdelay $0x3  }
0xe4: {  	v9 =	vpop (erf)  }
0xe5: {  	v7 =	vmul.f32 v9, v7;
	_ =	sdelay $0x1  }
0xe6: {  	[tilespmem:s2+$0x12660] =	vst v7  }
0xe7: {  	v7 =	vld.idx.msk [tilespmem:v8+s20+$0x0], $0xffff;
	_ =	sdelay $0x4  }
0xe8: {  	(erf) = vrcp.f32 v7;
	_ =	sdelay $0x3  }
0xe9: {  	v8 =	vld [tilespmem:s29+$0x7500]  }
0xea: {  	v7 =	vld [tilespmem:s29+$0xC310];
	_ =	sdelay $0x3  }
0xeb: {  	v60 =	vpop (erf)  }
0xec: {  	v7 =	vmul.f32 v60, v7;
	_ =	sdelay $0x1  }
0xed: {  	[tilespmem:s29+$0x12620] =	vst v7  }
0xee: {  	v7 =	vld.idx.msk [tilespmem:v8+s20+$0x0], $0xffff;
	_ =	sdelay $0x4  }
0xef: {  	(erf) = vrcp.f32 v7;
	_ =	sdelay $0x3  }
0xf0: {  	v8 =	vld [tilespmem:s29+$0x7510]  }
0xf1: {  	v7 =	vld [tilespmem:s29+$0xC320];
	_ =	sdelay $0x3  }
0xf2: {  	v61 =	vpop (erf)  }
0xf3: {  	v7 =	vmul.f32 v61, v7;
	_ =	sdelay $0x1  }
0xf4: {  	[tilespmem:s29+$0x12630] =	vst v7  }
0xf5: {  	v7 =	vld.idx.msk [tilespmem:v8+s20+$0x0], $0xffff;
	_ =	sdelay $0x4  }
0xf6: {  	(erf) = vrcp.f32 v7;
	_ =	sdelay $0x3  }
0xf7: {  	v8 =	vld [tilespmem:s29+$0x7520]  }
0xf8: {  	v7 =	vld [tilespmem:s29+$0xC330];
	_ =	sdelay $0x3  }
0xf9: {  	v62 =	vpop (erf)  }
0xfa: {  	v7 =	vmul.f32 v62, v7;
	_ =	sdelay $0x1  }
0xfb: {  	[tilespmem:s29+$0x12640] =	vst v7  }
0xfc: {  	v7 =	vld.idx.msk [tilespmem:v8+s20+$0x0], $0xffff;
	_ =	sdelay $0x4  }
0xfd: {  	(erf) = vrcp.f32 v7;
	_ =	sdelay $0x3  }
0xfe: {  	v8 =	vld [tilespmem:s29+$0x7530]  }
0xff: {  	v7 =	vld [tilespmem:s29+$0xC340];
	_ =	sdelay $0x3  }
0x100: {  	v63 =	vpop (erf)  }
0x101: {  	v7 =	vmul.f32 v63, v7;
	_ =	sdelay $0x1  }
0x102: {  	[tilespmem:s29+$0x12650] =	vst v7  }
0x103: {  	v7 =	vld.idx.msk [tilespmem:v8+s20+$0x0], $0xffff;
	_ =	sdelay $0x4  }
0x104: {  	(erf) = vrcp.f32 v7;
	_ =	sdelay $0x4  }
0x105: {  	v7 =	vld [tilespmem:s29+$0xC350];
	_ =	sdelay $0x3  }
0x106: {  	v8 =	vpop (erf)  }
0x107: {  	v7 =	vmul.f32 v8, v7;
	_ =	sdelay $0x1  }
0x108: {  	s28 =	simm.s32 $0x0;
	[tilespmem:s29+$0x12660] =	vst v7;
	s29 =	simm.s32 $0x12660  }
.LBB2_8:
0x109: {  	s30 =	smul.u32 $0x50, s28;
	_ =	sdelay $0x1  }
0x10a: {  	s2 =	sadd.s32 $0x9C40, s30  }
0x10b: {  	v7 =	vmov s29;
	[tilespmem:s23], [sflag:$0x1] =	stream.indirect.gather [hbm4b:s0+s21], $0x40, s2, s21, $0xb8;
	[tilespmem:$0x1F040] =	vst v63  }
0x10c: {  	_ =	swait.ge [sflag:s17], $0x1400  }
0x10d: {  	[sflag:s17] =	ssyncset.done $0x0  }
0x10e: {  	s31 =	simm.s32 $0x11460;
	s2 =	simm.s32 $0x0;
	[sflag:s17] =	ssyncadd.s32 $0xFFFFEC00  }
.LBB2_9:
0x10f: {  	s1 =	sshra.s32 s2, $0x2  }
0x110: {  	v8 =	vld.idx.msk [tilespmem:v7+s1+$0x0 ss:$0x1], $0xffff;
	_ =	sdelay $0x1  }
0x111: {  	v9 =	vld [tilespmem:s31+$0xFFFFFE00];
	_ =	sdelay $0x1  }
0x112: {  	v39 =	vld [tilespmem:s31+$0xFFFFFE10]  }
0x113: {  	v10 =	vbroadcast v8, $0x0  }
0x114: {  	v40 =	vld [tilespmem:s31+$0xFFFFFE20]  }
0x115: {  	v9 =	vmul.f32 v10, v9  }
0x116: {  	v41 =	vld [tilespmem:s31+$0xFFFFFE30]  }
0x117: {  	[tilespmem:s31+$0xFFFFFE00] =	vst v9;
	v9 =	vmul.f32 v39, v10  }
0x118: {  	v42 =	vld [tilespmem:s31+$0xFFFFFE40]  }
0x119: {  	[tilespmem:s31+$0xFFFFFE10] =	vst v9;
	v9 =	vmul.f32 v40, v10  }
0x11a: {  	v44 =	vld [tilespmem:s31+$0xFFFFFE50]  }
0x11b: {  	v43 =	vbroadcast v8, $0x1;
	[tilespmem:s31+$0xFFFFFE20] =	vst v9;
	v9 =	vmul.f32 v41, v10  }
0x11c: {  	v45 =	vld [tilespmem:s31+$0xFFFFFE60]  }
0x11d: {  	[tilespmem:s31+$0xFFFFFE30] =	vst v9;
	v9 =	vmul.f32 v42, v43  }
0x11e: {  	v46 =	vld [tilespmem:s31+$0xFFFFFE70]  }
0x11f: {  	[tilespmem:s31+$0xFFFFFE40] =	vst v9;
	v9 =	vmul.f32 v44, v43  }
0x120: {  	v47 =	vld [tilespmem:s31+$0xFFFFFE80]  }
0x121: {  	[tilespmem:s31+$0xFFFFFE50] =	vst v9;
	v9 =	vmul.f32 v45, v43  }
0x122: {  	v49 =	vld [tilespmem:s31+$0xFFFFFE90]  }
0x123: {  	v48 =	vbroadcast v8, $0x2;
	[tilespmem:s31+$0xFFFFFE60] =	vst v9;
	v9 =	vmul.f32 v46, v43  }
0x124: {  	v50 =	vld [tilespmem:s31+$0xFFFFFEA0]  }
0x125: {  	[tilespmem:s31+$0xFFFFFE70] =	vst v9;
	v9 =	vmul.f32 v47, v48  }
0x126: {  	v51 =	vld [tilespmem:s31+$0xFFFFFEB0]  }
0x127: {  	[tilespmem:s31+$0xFFFFFE80] =	vst v9;
	v9 =	vmul.f32 v49, v48  }
0x128: {  	v52 =	vld [tilespmem:s31+$0xFFFFFEC0]  }
0x129: {  	[tilespmem:s31+$0xFFFFFE90] =	vst v9;
	v9 =	vmul.f32 v50, v48  }
0x12a: {  	v54 =	vld [tilespmem:s31+$0xFFFFFED0]  }
0x12b: {  	v53 =	vbroadcast v8, $0x3;
	[tilespmem:s31+$0xFFFFFEA0] =	vst v9;
	v9 =	vmul.f32 v51, v48  }
0x12c: {  	v55 =	vld [tilespmem:s31+$0xFFFFFEE0]  }
0x12d: {  	[tilespmem:s31+$0xFFFFFEB0] =	vst v9;
	v9 =	vmul.f32 v52, v53  }
0x12e: {  	v56 =	vld [tilespmem:s31+$0xFFFFFEF0]  }
0x12f: {  	[tilespmem:s31+$0xFFFFFEC0] =	vst v9;
	v9 =	vmul.f32 v54, v53  }
0x130: {  	v57 =	vld [tilespmem:s31+$0xFFFFFF00]  }
0x131: {  	[tilespmem:s31+$0xFFFFFED0] =	vst v9;
	v9 =	vmul.f32 v55, v53  }
0x132: {  	v59 =	vld [tilespmem:s31+$0xFFFFFF10]  }
0x133: {  	v58 =	vbroadcast v8, $0x4;
	[tilespmem:s31+$0xFFFFFEE0] =	vst v9;
	v9 =	vmul.f32 v56, v53  }
0x134: {  	v60 =	vld [tilespmem:s31+$0xFFFFFF20]  }
0x135: {  	[tilespmem:s31+$0xFFFFFEF0] =	vst v9;
	v9 =	vmul.f32 v57, v58  }
0x136: {  	v61 =	vld [tilespmem:s31+$0xFFFFFF30]  }
0x137: {  	[tilespmem:s31+$0xFFFFFF00] =	vst v9;
	v9 =	vmul.f32 v59, v58  }
0x138: {  	v62 =	vld [tilespmem:s31+$0xFFFFFF40]  }
0x139: {  	[tilespmem:s31+$0xFFFFFF10] =	vst v9;
	v9 =	vmul.f32 v60, v58  }
0x13a: {  	v12 =	vld [tilespmem:s31+$0xFFFFFF50]  }
0x13b: {  	v63 =	vbroadcast v8, $0x5;
	[tilespmem:s31+$0xFFFFFF20] =	vst v9;
	v9 =	vmul.f32 v61, v58  }
0x13c: {  	v13 =	vld [tilespmem:s31+$0xFFFFFF60]  }
0x13d: {  	[tilespmem:s31+$0xFFFFFF30] =	vst v9;
	v9 =	vmul.f32 v62, v63  }
0x13e: {  	v14 =	vld [tilespmem:s31+$0xFFFFFF70]  }
0x13f: {  	[tilespmem:s31+$0xFFFFFF40] =	vst v9;
	v9 =	vmul.f32 v12, v63  }
0x140: {  	v15 =	vld [tilespmem:s31+$0xFFFFFF80]  }
0x141: {  	[tilespmem:s31+$0xFFFFFF50] =	vst v9;
	v9 =	vmul.f32 v13, v63  }
0x142: {  	v17 =	vld [tilespmem:s31+$0xFFFFFF90]  }
0x143: {  	v16 =	vbroadcast v8, $0x6;
	[tilespmem:s31+$0xFFFFFF60] =	vst v9;
	v9 =	vmul.f32 v14, v63  }
0x144: {  	v18 =	vld [tilespmem:s31+$0xFFFFFFA0]  }
0x145: {  	[tilespmem:s31+$0xFFFFFF70] =	vst v9;
	v9 =	vmul.f32 v15, v16  }
0x146: {  	v19 =	vld [tilespmem:s31+$0xFFFFFFB0]  }
0x147: {  	[tilespmem:s31+$0xFFFFFF80] =	vst v9;
	v9 =	vmul.f32 v17, v16  }
0x148: {  	v20 =	vld [tilespmem:s31+$0xFFFFFFC0]  }
0x149: {  	[tilespmem:s31+$0xFFFFFF90] =	vst v9;
	v9 =	vmul.f32 v18, v16  }
0x14a: {  	v22 =	vld [tilespmem:s31+$0xFFFFFFD0]  }
0x14b: {  	v21 =	vbroadcast v8, $0x7;
	[tilespmem:s31+$0xFFFFFFA0] =	vst v9;
	v9 =	vmul.f32 v19, v16  }
0x14c: {  	v23 =	vld [tilespmem:s31+$0xFFFFFFE0]  }
0x14d: {  	[tilespmem:s31+$0xFFFFFFB0] =	vst v9;
	v9 =	vmul.f32 v20, v21  }
0x14e: {  	v24 =	vld [tilespmem:s31+$0xFFFFFFF0]  }
0x14f: {  	[tilespmem:s31+$0xFFFFFFC0] =	vst v9;
	v9 =	vmul.f32 v22, v21  }
0x150: {  	v25 =	vld [tilespmem:s31+$0x0]  }
0x151: {  	[tilespmem:s31+$0xFFFFFFD0] =	vst v9;
	v9 =	vmul.f32 v23, v21  }
0x152: {  	v27 =	vld [tilespmem:s31+$0x10]  }
0x153: {  	v26 =	vbroadcast v8, $0x8;
	[tilespmem:s31+$0xFFFFFFE0] =	vst v9;
	v9 =	vmul.f32 v24, v21  }
0x154: {  	v28 =	vld [tilespmem:s31+$0x20]  }
0x155: {  	[tilespmem:s31+$0xFFFFFFF0] =	vst v9;
	v9 =	vmul.f32 v25, v26  }
0x156: {  	v29 =	vld [tilespmem:s31+$0x30]  }
0x157: {  	[tilespmem:s31+$0x0] =	vst v9;
	v9 =	vmul.f32 v27, v26  }
0x158: {  	v30 =	vld [tilespmem:s31+$0x40]  }
0x159: {  	[tilespmem:s31+$0x10] =	vst v9;
	v9 =	vmul.f32 v28, v26  }
0x15a: {  	v32 =	vld [tilespmem:s31+$0x50]  }
0x15b: {  	v31 =	vbroadcast v8, $0x9;
	[tilespmem:s31+$0x20] =	vst v9;
	v9 =	vmul.f32 v29, v26  }
0x15c: {  	v33 =	vld [tilespmem:s31+$0x60]  }
0x15d: {  	[tilespmem:s31+$0x30] =	vst v9;
	v9 =	vmul.f32 v30, v31  }
0x15e: {  	v34 =	vld [tilespmem:s31+$0x70]  }
0x15f: {  	[tilespmem:s31+$0x40] =	vst v9;
	v9 =	vmul.f32 v32, v31  }
0x160: {  	v35 =	vld [tilespmem:s31+$0x80]  }
0x161: {  	[tilespmem:s31+$0x50] =	vst v9;
	v9 =	vmul.f32 v33, v31  }
0x162: {  	v37 =	vld [tilespmem:s31+$0x90]  }
0x163: {  	v36 =	vbroadcast v8, $0xA;
	[tilespmem:s31+$0x60] =	vst v9;
	v9 =	vmul.f32 v34, v31  }
0x164: {  	v38 =	vld [tilespmem:s31+$0xA0]  }
0x165: {  	[tilespmem:s31+$0x70] =	vst v9;
	v9 =	vmul.f32 v35, v36  }
0x166: {  	v39 =	vld [tilespmem:s31+$0xB0]  }
0x167: {  	[tilespmem:s31+$0x80] =	vst v9;
	v9 =	vmul.f32 v37, v36  }
0x168: {  	v40 =	vld [tilespmem:s31+$0xC0]  }
0x169: {  	[tilespmem:s31+$0x90] =	vst v9;
	v9 =	vmul.f32 v38, v36  }
0x16a: {  	v42 =	vld [tilespmem:s31+$0xD0]  }
0x16b: {  	v41 =	vbroadcast v8, $0xB;
	[tilespmem:s31+$0xA0] =	vst v9;
	v9 =	vmul.f32 v39, v36  }
0x16c: {  	v43 =	vld [tilespmem:s31+$0xE0]  }
0x16d: {  	[tilespmem:s31+$0xB0] =	vst v9;
	v9 =	vmul.f32 v40, v41  }
0x16e: {  	v44 =	vld [tilespmem:s31+$0xF0]  }
0x16f: {  	[tilespmem:s31+$0xC0] =	vst v9;
	v9 =	vmul.f32 v42, v41  }
0x170: {  	v45 =	vld [tilespmem:s31+$0x100]  }
0x171: {  	[tilespmem:s31+$0xD0] =	vst v9;
	v9 =	vmul.f32 v43, v41  }
0x172: {  	v47 =	vld [tilespmem:s31+$0x110]  }
0x173: {  	v46 =	vbroadcast v8, $0xC;
	[tilespmem:s31+$0xE0] =	vst v9;
	v9 =	vmul.f32 v44, v41  }
0x174: {  	v48 =	vld [tilespmem:s31+$0x120]  }
0x175: {  	[tilespmem:s31+$0xF0] =	vst v9;
	v9 =	vmul.f32 v45, v46  }
0x176: {  	v49 =	vld [tilespmem:s31+$0x130]  }
0x177: {  	[tilespmem:s31+$0x100] =	vst v9;
	v9 =	vmul.f32 v47, v46  }
0x178: {  	v50 =	vld [tilespmem:s31+$0x140]  }
0x179: {  	[tilespmem:s31+$0x110] =	vst v9;
	v9 =	vmul.f32 v48, v46  }
0x17a: {  	v52 =	vld [tilespmem:s31+$0x150]  }
0x17b: {  	v51 =	vbroadcast v8, $0xD;
	[tilespmem:s31+$0x120] =	vst v9;
	v9 =	vmul.f32 v49, v46  }
0x17c: {  	v53 =	vld [tilespmem:s31+$0x160]  }
0x17d: {  	[tilespmem:s31+$0x130] =	vst v9;
	v9 =	vmul.f32 v50, v51  }
0x17e: {  	v54 =	vld [tilespmem:s31+$0x170]  }
0x17f: {  	[tilespmem:s31+$0x140] =	vst v9;
	v9 =	vmul.f32 v52, v51  }
0x180: {  	v55 =	vld [tilespmem:s31+$0x180]  }
0x181: {  	[tilespmem:s31+$0x150] =	vst v9;
	v9 =	vmul.f32 v53, v51  }
0x182: {  	v57 =	vld [tilespmem:s31+$0x190]  }
0x183: {  	v56 =	vbroadcast v8, $0xE;
	[tilespmem:s31+$0x160] =	vst v9;
	v9 =	vmul.f32 v54, v51  }
0x184: {  	v58 =	vld [tilespmem:s31+$0x1A0]  }
0x185: {  	[tilespmem:s31+$0x170] =	vst v9;
	v9 =	vmul.f32 v55, v56  }
0x186: {  	v59 =	vld [tilespmem:s31+$0x1B0]  }
0x187: {  	[tilespmem:s31+$0x180] =	vst v9;
	v9 =	vmul.f32 v57, v56  }
0x188: {  	v60 =	vld [tilespmem:s31+$0x1C0]  }
0x189: {  	[tilespmem:s31+$0x190] =	vst v9;
	v9 =	vmul.f32 v58, v56  }
0x18a: {  	v61 =	vld [tilespmem:s31+$0x1D0]  }
0x18b: {  	v8 =	vbroadcast v8, $0xF;
	[tilespmem:s31+$0x1A0] =	vst v9;
	v9 =	vmul.f32 v59, v56  }
0x18c: {  	v62 =	vld [tilespmem:s31+$0x1E0]  }
0x18d: {  	v63 =	vld [tilespmem:s31+$0x1F0];
	[tilespmem:s31+$0x1B0] =	vst v9;
	v9 =	vmul.f32 v60, v8;
	_ =	sdelay $0x1  }
0x18e: {  	p0 =	sne.s32 s2, $0x100;
	[tilespmem:s31+$0x1C0] =	vst v9;
	v9 =	vmul.f32 v61, v8  }
.Ltmp3:
0x18f: {  	_ = 	snop;
	(pc) =	sbr.rel @p0 .LBB2_9-.Ltmp3, $4  }
0x190: {  	[tilespmem:s31+$0x1D0] =	vst v9;
	v9 =	vmul.f32 v62, v8  }
0x191: {  	v8 =	vmul.f32 v63, v8  }
0x192: {  	[tilespmem:s31+$0x1E0] =	vst v9  }
0x193: {  	s2 =	sadd.s32 $0x40, s2;
	[tilespmem:s31+$0x1F0] =	vst v8;
	s31 =	sadd.s32 $0x400, s31  }
0x194: {  	s28 =	sadd.s32 $0x1, s28  }
0x195: {  	p0 =	sne.s32 s28, $0x7D  }
.Ltmp4:
0x196: {  	s1 =	sadd.s32 $0x7530, s30;
	(pc) =	sbr.rel @p0 .LBB2_8-.Ltmp4, $4  }
0x197: {  	[spmem:s3] =	stream.indirect.scatter.add.f32 [tilespmem:s23], [sflag:$0x1], $0x40, s1, s21, $0xb8;
	[tilespmem:$0x1F040] =	vst v63  }
0x198: {  	_ =	swait.ge [sflag:s17], $0x1400  }
0x199: {  	[sflag:s17] =	ssyncset.done $0x0  }
0x19a: {  	s29 =	sadd.s32 $0x50, s29;
	[sflag:s17] =	ssyncadd.s32 $0xFFFFEC00  }
0x19b: {  	[bflag:$0x0] =	sbarrier.arrive $0xFFFF  }
0x19c: {  	[hbm:s13@s24], [sflag:s7] =	dma.strided [spmem:s16@s25], $0x1400, s17, $0x8   }
0x19d: {  	_ =	swait.ge [sflag:s17], $0x1400  }
0x19e: {  	[sflag:s17] =	ssyncset.done $0x0  }
0x19f: {  	[sflag:s17] =	ssyncadd.s32 $0xFFFFEC00  }
0x1a0: {  	[spmem:s16], [sflag:s7] =	dma.local [hbm:s6], $0x1400  }
0x1a1: {  	_ =	swait.ge [sflag:s17], $0x1400  }
0x1a2: {  	[sflag:s17] =	ssyncset.done $0x0  }
0x1a3: {  	s2 =	simm.s32 $0x40;
	[sflag:s17] =	ssyncadd.s32 $0xFFFFEC00  }
0x1a4: {  	v10 =	vld [tilespmem:s2+$0x9C00]  }
0x1a5: {  	v9 =	vld [tilespmem:s2+$0x9C10]  }
0x1a6: {  	v8 =	vld [tilespmem:s2+$0x9C20]  }
0x1a7: {  	s28 =	simm.s32 $0x240;
	v7 =	vld [tilespmem:s2+$0x9C30]  }
.LBB2_12:
0x1a8: {  	p0 =	sne.s32 s28, $0x9C00;
	v11 =	vld [tilespmem:s2+$0x9C40]  }
0x1a9: {  	v10 =	vadd.s32 $0x1, v10  }
.Ltmp5:
0x1aa: {  	s1 =	sshra.s32 s28, $0x2;
	[tilespmem:s2+$0x9C00] =	vst v10;
	v9 =	vadd.s32 $0x1, v9;
	(pc) =	sbr.rel @p0 .LBB2_12-.Ltmp5, $4  }
0x1ab: {  	v10 =	vld [tilespmem:s1+$0x9C00];
	[tilespmem:s2+$0x9C10] =	vst v9;
	v8 =	vadd.s32 $0x1, v8  }
0x1ac: {  	v9 =	vld [tilespmem:s1+$0x9C10];
	[tilespmem:s2+$0x9C20] =	vst v8;
	v7 =	vadd.s32 $0x1, v7  }
0x1ad: {  	v8 =	vld [tilespmem:s1+$0x9C20];
	[tilespmem:s2+$0x9C30] =	vst v7;
	v11 =	vadd.s32 $0x1, v11  }
0x1ae: {  	s28 =	sadd.s32 $0x140, s28;
	v7 =	vld [tilespmem:s1+$0x9C30];
	[tilespmem:s2+$0x9C40] =	vst v11;
	s2 =	smov.u32 s1  }
0x1af: {  	v11 =	vld [tilespmem:s2+$0x9C40]  }
0x1b0: {  	v10 =	vadd.s32 $0x1, v10  }
0x1b1: {  	[tilespmem:s2+$0x9C00] =	vst v10;
	v9 =	vadd.s32 $0x1, v9  }
0x1b2: {  	[tilespmem:s2+$0x9C10] =	vst v9;
	v8 =	vadd.s32 $0x1, v8  }
0x1b3: {  	[tilespmem:s2+$0x9C20] =	vst v8;
	v7 =	vadd.s32 $0x1, v7  }
0x1b4: {  	[tilespmem:s2+$0x9C30] =	vst v7;
	v7 =	vadd.s32 $0x1, v11  }
0x1b5: {  	[tilespmem:s2+$0x9C40] =	vst v7  }
0x1b6: {  	s28 =	simm.s32 $0x0;
	s29 =	simm.s32 $0x12660;
	[bflag:$0x0] =	sbarrier.arrive $0xFFFF  }
.LBB2_14:
0x1b7: {  	s30 =	smul.u32 $0x50, s28;
	_ =	sdelay $0x1  }
0x1b8: {  	s1 =	sadd.s32 $0x9C40, s30  }
0x1b9: {  	v7 =	vmov s29;
	[tilespmem:s23], [sflag:$0x1] =	stream.indirect.gather [hbm4b:s0+s21], $0x40, s1, s21, $0xb8;
	[tilespmem:$0x1F040] =	vst v63  }
0x1ba: {  	_ =	swait.ge [sflag:s17], $0x1400  }
0x1bb: {  	[sflag:s17] =	ssyncset.done $0x0  }
0x1bc: {  	s31 =	simm.s32 $0x11460;
	s2 =	simm.s32 $0x0;
	[sflag:s17] =	ssyncadd.s32 $0xFFFFEC00  }
.LBB2_15:
0x1bd: {  	s1 =	sshra.s32 s2, $0x2  }
0x1be: {  	v8 =	vld.idx.msk [tilespmem:v7+s1+$0x0 ss:$0x1], $0xffff;
	_ =	sdelay $0x1  }
0x1bf: {  	v9 =	vld [tilespmem:s31+$0xFFFFFE00];
	_ =	sdelay $0x1  }
0x1c0: {  	v39 =	vld [tilespmem:s31+$0xFFFFFE10]  }
0x1c1: {  	v10 =	vbroadcast v8, $0x0  }
0x1c2: {  	v40 =	vld [tilespmem:s31+$0xFFFFFE20]  }
0x1c3: {  	v9 =	vmul.f32 v10, v9  }
0x1c4: {  	v41 =	vld [tilespmem:s31+$0xFFFFFE30]  }
0x1c5: {  	[tilespmem:s31+$0xFFFFFE00] =	vst v9;
	v9 =	vmul.f32 v39, v10  }
0x1c6: {  	v42 =	vld [tilespmem:s31+$0xFFFFFE40]  }
0x1c7: {  	[tilespmem:s31+$0xFFFFFE10] =	vst v9;
	v9 =	vmul.f32 v40, v10  }
0x1c8: {  	v44 =	vld [tilespmem:s31+$0xFFFFFE50]  }
0x1c9: {  	v43 =	vbroadcast v8, $0x1;
	[tilespmem:s31+$0xFFFFFE20] =	vst v9;
	v9 =	vmul.f32 v41, v10  }
0x1ca: {  	v45 =	vld [tilespmem:s31+$0xFFFFFE60]  }
0x1cb: {  	[tilespmem:s31+$0xFFFFFE30] =	vst v9;
	v9 =	vmul.f32 v42, v43  }
0x1cc: {  	v46 =	vld [tilespmem:s31+$0xFFFFFE70]  }
0x1cd: {  	[tilespmem:s31+$0xFFFFFE40] =	vst v9;
	v9 =	vmul.f32 v44, v43  }
0x1ce: {  	v47 =	vld [tilespmem:s31+$0xFFFFFE80]  }
0x1cf: {  	[tilespmem:s31+$0xFFFFFE50] =	vst v9;
	v9 =	vmul.f32 v45, v43  }
0x1d0: {  	v49 =	vld [tilespmem:s31+$0xFFFFFE90]  }
0x1d1: {  	v48 =	vbroadcast v8, $0x2;
	[tilespmem:s31+$0xFFFFFE60] =	vst v9;
	v9 =	vmul.f32 v46, v43  }
0x1d2: {  	v50 =	vld [tilespmem:s31+$0xFFFFFEA0]  }
0x1d3: {  	[tilespmem:s31+$0xFFFFFE70] =	vst v9;
	v9 =	vmul.f32 v47, v48  }
0x1d4: {  	v51 =	vld [tilespmem:s31+$0xFFFFFEB0]  }
0x1d5: {  	[tilespmem:s31+$0xFFFFFE80] =	vst v9;
	v9 =	vmul.f32 v49, v48  }
0x1d6: {  	v52 =	vld [tilespmem:s31+$0xFFFFFEC0]  }
0x1d7: {  	[tilespmem:s31+$0xFFFFFE90] =	vst v9;
	v9 =	vmul.f32 v50, v48  }
0x1d8: {  	v54 =	vld [tilespmem:s31+$0xFFFFFED0]  }
0x1d9: {  	v53 =	vbroadcast v8, $0x3;
	[tilespmem:s31+$0xFFFFFEA0] =	vst v9;
	v9 =	vmul.f32 v51, v48  }
0x1da: {  	v55 =	vld [tilespmem:s31+$0xFFFFFEE0]  }
0x1db: {  	[tilespmem:s31+$0xFFFFFEB0] =	vst v9;
	v9 =	vmul.f32 v52, v53  }
0x1dc: {  	v56 =	vld [tilespmem:s31+$0xFFFFFEF0]  }
0x1dd: {  	[tilespmem:s31+$0xFFFFFEC0] =	vst v9;
	v9 =	vmul.f32 v54, v53  }
0x1de: {  	v57 =	vld [tilespmem:s31+$0xFFFFFF00]  }
0x1df: {  	[tilespmem:s31+$0xFFFFFED0] =	vst v9;
	v9 =	vmul.f32 v55, v53  }
0x1e0: {  	v59 =	vld [tilespmem:s31+$0xFFFFFF10]  }
0x1e1: {  	v58 =	vbroadcast v8, $0x4;
	[tilespmem:s31+$0xFFFFFEE0] =	vst v9;
	v9 =	vmul.f32 v56, v53  }
0x1e2: {  	v60 =	vld [tilespmem:s31+$0xFFFFFF20]  }
0x1e3: {  	[tilespmem:s31+$0xFFFFFEF0] =	vst v9;
	v9 =	vmul.f32 v57, v58  }
0x1e4: {  	v61 =	vld [tilespmem:s31+$0xFFFFFF30]  }
0x1e5: {  	[tilespmem:s31+$0xFFFFFF00] =	vst v9;
	v9 =	vmul.f32 v59, v58  }
0x1e6: {  	v62 =	vld [tilespmem:s31+$0xFFFFFF40]  }
0x1e7: {  	[tilespmem:s31+$0xFFFFFF10] =	vst v9;
	v9 =	vmul.f32 v60, v58  }
0x1e8: {  	v12 =	vld [tilespmem:s31+$0xFFFFFF50]  }
0x1e9: {  	v63 =	vbroadcast v8, $0x5;
	[tilespmem:s31+$0xFFFFFF20] =	vst v9;
	v9 =	vmul.f32 v61, v58  }
0x1ea: {  	v13 =	vld [tilespmem:s31+$0xFFFFFF60]  }
0x1eb: {  	[tilespmem:s31+$0xFFFFFF30] =	vst v9;
	v9 =	vmul.f32 v62, v63  }
0x1ec: {  	v14 =	vld [tilespmem:s31+$0xFFFFFF70]  }
0x1ed: {  	[tilespmem:s31+$0xFFFFFF40] =	vst v9;
	v9 =	vmul.f32 v12, v63  }
0x1ee: {  	v15 =	vld [tilespmem:s31+$0xFFFFFF80]  }
0x1ef: {  	[tilespmem:s31+$0xFFFFFF50] =	vst v9;
	v9 =	vmul.f32 v13, v63  }
0x1f0: {  	v17 =	vld [tilespmem:s31+$0xFFFFFF90]  }
0x1f1: {  	v16 =	vbroadcast v8, $0x6;
	[tilespmem:s31+$0xFFFFFF60] =	vst v9;
	v9 =	vmul.f32 v14, v63  }
0x1f2: {  	v18 =	vld [tilespmem:s31+$0xFFFFFFA0]  }
0x1f3: {  	[tilespmem:s31+$0xFFFFFF70] =	vst v9;
	v9 =	vmul.f32 v15, v16  }
0x1f4: {  	v19 =	vld [tilespmem:s31+$0xFFFFFFB0]  }
0x1f5: {  	[tilespmem:s31+$0xFFFFFF80] =	vst v9;
	v9 =	vmul.f32 v17, v16  }
0x1f6: {  	v20 =	vld [tilespmem:s31+$0xFFFFFFC0]  }
0x1f7: {  	[tilespmem:s31+$0xFFFFFF90] =	vst v9;
	v9 =	vmul.f32 v18, v16  }
0x1f8: {  	v22 =	vld [tilespmem:s31+$0xFFFFFFD0]  }
0x1f9: {  	v21 =	vbroadcast v8, $0x7;
	[tilespmem:s31+$0xFFFFFFA0] =	vst v9;
	v9 =	vmul.f32 v19, v16  }
0x1fa: {  	v23 =	vld [tilespmem:s31+$0xFFFFFFE0]  }
0x1fb: {  	[tilespmem:s31+$0xFFFFFFB0] =	vst v9;
	v9 =	vmul.f32 v20, v21  }
0x1fc: {  	v24 =	vld [tilespmem:s31+$0xFFFFFFF0]  }
0x1fd: {  	[tilespmem:s31+$0xFFFFFFC0] =	vst v9;
	v9 =	vmul.f32 v22, v21  }
0x1fe: {  	v25 =	vld [tilespmem:s31+$0x0]  }
0x1ff: {  	[tilespmem:s31+$0xFFFFFFD0] =	vst v9;
	v9 =	vmul.f32 v23, v21  }
0x200: {  	v27 =	vld [tilespmem:s31+$0x10]  }
0x201: {  	v26 =	vbroadcast v8, $0x8;
	[tilespmem:s31+$0xFFFFFFE0] =	vst v9;
	v9 =	vmul.f32 v24, v21  }
0x202: {  	v28 =	vld [tilespmem:s31+$0x20]  }
0x203: {  	[tilespmem:s31+$0xFFFFFFF0] =	vst v9;
	v9 =	vmul.f32 v25, v26  }
0x204: {  	v29 =	vld [tilespmem:s31+$0x30]  }
0x205: {  	[tilespmem:s31+$0x0] =	vst v9;
	v9 =	vmul.f32 v27, v26  }
0x206: {  	v30 =	vld [tilespmem:s31+$0x40]  }
0x207: {  	[tilespmem:s31+$0x10] =	vst v9;
	v9 =	vmul.f32 v28, v26  }
0x208: {  	v32 =	vld [tilespmem:s31+$0x50]  }
0x209: {  	v31 =	vbroadcast v8, $0x9;
	[tilespmem:s31+$0x20] =	vst v9;
	v9 =	vmul.f32 v29, v26  }
0x20a: {  	v33 =	vld [tilespmem:s31+$0x60]  }
0x20b: {  	[tilespmem:s31+$0x30] =	vst v9;
	v9 =	vmul.f32 v30, v31  }
0x20c: {  	v34 =	vld [tilespmem:s31+$0x70]  }
0x20d: {  	[tilespmem:s31+$0x40] =	vst v9;
	v9 =	vmul.f32 v32, v31  }
0x20e: {  	v35 =	vld [tilespmem:s31+$0x80]  }
0x20f: {  	[tilespmem:s31+$0x50] =	vst v9;
	v9 =	vmul.f32 v33, v31  }
0x210: {  	v37 =	vld [tilespmem:s31+$0x90]  }
0x211: {  	v36 =	vbroadcast v8, $0xA;
	[tilespmem:s31+$0x60] =	vst v9;
	v9 =	vmul.f32 v34, v31  }
0x212: {  	v38 =	vld [tilespmem:s31+$0xA0]  }
0x213: {  	[tilespmem:s31+$0x70] =	vst v9;
	v9 =	vmul.f32 v35, v36  }
0x214: {  	v39 =	vld [tilespmem:s31+$0xB0]  }
0x215: {  	[tilespmem:s31+$0x80] =	vst v9;
	v9 =	vmul.f32 v37, v36  }
0x216: {  	v40 =	vld [tilespmem:s31+$0xC0]  }
0x217: {  	[tilespmem:s31+$0x90] =	vst v9;
	v9 =	vmul.f32 v38, v36  }
0x218: {  	v42 =	vld [tilespmem:s31+$0xD0]  }
0x219: {  	v41 =	vbroadcast v8, $0xB;
	[tilespmem:s31+$0xA0] =	vst v9;
	v9 =	vmul.f32 v39, v36  }
0x21a: {  	v43 =	vld [tilespmem:s31+$0xE0]  }
0x21b: {  	[tilespmem:s31+$0xB0] =	vst v9;
	v9 =	vmul.f32 v40, v41  }
0x21c: {  	v44 =	vld [tilespmem:s31+$0xF0]  }
0x21d: {  	[tilespmem:s31+$0xC0] =	vst v9;
	v9 =	vmul.f32 v42, v41  }
0x21e: {  	v45 =	vld [tilespmem:s31+$0x100]  }
0x21f: {  	[tilespmem:s31+$0xD0] =	vst v9;
	v9 =	vmul.f32 v43, v41  }
0x220: {  	v47 =	vld [tilespmem:s31+$0x110]  }
0x221: {  	v46 =	vbroadcast v8, $0xC;
	[tilespmem:s31+$0xE0] =	vst v9;
	v9 =	vmul.f32 v44, v41  }
0x222: {  	v48 =	vld [tilespmem:s31+$0x120]  }
0x223: {  	[tilespmem:s31+$0xF0] =	vst v9;
	v9 =	vmul.f32 v45, v46  }
0x224: {  	v49 =	vld [tilespmem:s31+$0x130]  }
0x225: {  	[tilespmem:s31+$0x100] =	vst v9;
	v9 =	vmul.f32 v47, v46  }
0x226: {  	v50 =	vld [tilespmem:s31+$0x140]  }
0x227: {  	[tilespmem:s31+$0x110] =	vst v9;
	v9 =	vmul.f32 v48, v46  }
0x228: {  	v52 =	vld [tilespmem:s31+$0x150]  }
0x229: {  	v51 =	vbroadcast v8, $0xD;
	[tilespmem:s31+$0x120] =	vst v9;
	v9 =	vmul.f32 v49, v46  }
0x22a: {  	v53 =	vld [tilespmem:s31+$0x160]  }
0x22b: {  	[tilespmem:s31+$0x130] =	vst v9;
	v9 =	vmul.f32 v50, v51  }
0x22c: {  	v54 =	vld [tilespmem:s31+$0x170]  }
0x22d: {  	[tilespmem:s31+$0x140] =	vst v9;
	v9 =	vmul.f32 v52, v51  }
0x22e: {  	v55 =	vld [tilespmem:s31+$0x180]  }
0x22f: {  	[tilespmem:s31+$0x150] =	vst v9;
	v9 =	vmul.f32 v53, v51  }
0x230: {  	v57 =	vld [tilespmem:s31+$0x190]  }
0x231: {  	v56 =	vbroadcast v8, $0xE;
	[tilespmem:s31+$0x160] =	vst v9;
	v9 =	vmul.f32 v54, v51  }
0x232: {  	v58 =	vld [tilespmem:s31+$0x1A0]  }
0x233: {  	[tilespmem:s31+$0x170] =	vst v9;
	v9 =	vmul.f32 v55, v56  }
0x234: {  	v59 =	vld [tilespmem:s31+$0x1B0]  }
0x235: {  	[tilespmem:s31+$0x180] =	vst v9;
	v9 =	vmul.f32 v57, v56  }
0x236: {  	v60 =	vld [tilespmem:s31+$0x1C0]  }
0x237: {  	[tilespmem:s31+$0x190] =	vst v9;
	v9 =	vmul.f32 v58, v56  }
0x238: {  	v61 =	vld [tilespmem:s31+$0x1D0]  }
0x239: {  	v8 =	vbroadcast v8, $0xF;
	[tilespmem:s31+$0x1A0] =	vst v9;
	v9 =	vmul.f32 v59, v56  }
0x23a: {  	v62 =	vld [tilespmem:s31+$0x1E0]  }
0x23b: {  	v63 =	vld [tilespmem:s31+$0x1F0];
	[tilespmem:s31+$0x1B0] =	vst v9;
	v9 =	vmul.f32 v60, v8;
	_ =	sdelay $0x1  }
0x23c: {  	p0 =	sne.s32 s2, $0x100;
	[tilespmem:s31+$0x1C0] =	vst v9;
	v9 =	vmul.f32 v61, v8  }
.Ltmp6:
0x23d: {  	_ = 	snop;
	(pc) =	sbr.rel @p0 .LBB2_15-.Ltmp6, $4  }
0x23e: {  	[tilespmem:s31+$0x1D0] =	vst v9;
	v9 =	vmul.f32 v62, v8  }
0x23f: {  	v8 =	vmul.f32 v63, v8  }
0x240: {  	[tilespmem:s31+$0x1E0] =	vst v9  }
0x241: {  	s2 =	sadd.s32 $0x40, s2;
	[tilespmem:s31+$0x1F0] =	vst v8;
	s31 =	sadd.s32 $0x400, s31  }
0x242: {  	s28 =	sadd.s32 $0x1, s28  }
0x243: {  	p0 =	sne.s32 s28, $0x7D  }
.Ltmp7:
0x244: {  	s1 =	sadd.s32 $0x7530, s30;
	(pc) =	sbr.rel @p0 .LBB2_14-.Ltmp7, $4  }
0x245: {  	[spmem:s3] =	stream.indirect.scatter.add.f32 [tilespmem:s23], [sflag:$0x1], $0x40, s1, s21, $0xb8;
	[tilespmem:$0x1F040] =	vst v63  }
0x246: {  	_ =	swait.ge [sflag:s17], $0x1400  }
0x247: {  	[sflag:s17] =	ssyncset.done $0x0  }
0x248: {  	s29 =	sadd.s32 $0x50, s29;
	[sflag:s17] =	ssyncadd.s32 $0xFFFFEC00  }
0x249: {  	s26 =	sadd.s32 $0x1, s26  }
0x24a: {  	p0 =	sne.s32 s26, s15  }
.Ltmp8:
0x24b: {  	[bflag:$0x0] =	sbarrier.arrive $0xFFFF;
	(pc) =	sbr.rel @p0 .LBB2_1-.Ltmp8, $4  }
0x24c: {  	[hbm:s14@s24], [sflag:s7] =	dma.strided [spmem:s16@s25], $0x1400, s17, $0x8   }
0x24d: {  	_ =	swait.ge [sflag:s17], $0x1400  }
0x24e: {  	[sflag:s17] =	ssyncset.done $0x0  }
0x24f: {  	[sflag:s17] =	ssyncadd.s32 $0xFFFFEC00  }
0x250: {  	_ =	sfence.sel $0x180000  }
0x251: {  	[bflag:$0x0] =	sbarrier.arrive $0xFFFF  }
0x252: {  	_ =	strace $0x90000047  }
0x253: {  	s0 =	stileid.u32;
	[bflag:$0x2] =	sbarrier.arrive $0xFFFF  }
0x254: {  	p0 =	sne.s32 s0, $0x0;
	s0 =	rddreg [dreg:$0x4]  }
0x255: {  	s0 =	sadd.s32 @!p0 $0x100000, s0  }
0x256: {  	[sflag:s0] =	ssyncadd.tile.s32 @!p0 $0x1;
	_ =	shalt  }
.Lfunc_end2:
_tile_overlayer_lowered:
.L_overlay_start_2:
0x257: {  	(tag) =	ssettag $0x2  }
0x258: {  	s0 =	rddreg [dreg:$0x0];
	s2 =	stileid.u32  }
0x259: {  	s1 =	rddreg [dreg:$0x1];
	p0 =	sne.s32 s2, $0x0  }
0x25a: {  	s3 =	rddreg [dreg:$0x2];
	[bflag:$0x3] =	sbarrier.arrive $0xFFFF;
	s2 =	simm.s32 @!p0 $0x1C01  }
0x25b: {  	[timem:s3], [sflag:s2] =	dma.local @!p0 [hbm:s0], s1  }
0x25c: {  	s0 =	simm.s32 @!p0 $0x1  }
0x25d: {  	_ =	swait.ge @!p0 [sflag:s0], s1  }
0x25e: {  	s1 =	ssub.s32 @!p0 $0x0, s1;
	[sflag:s0] =	ssyncset.done @!p0 $0x0  }
0x25f: {  	[sflag:s0] =	ssyncadd.s32 @!p0 s1  }
0x260: {  	[bflag:$0x3] =	sbarrier.arrive $0xFFFF  }
0x261: {  	_ =	shalt  }

</sc_bundles>
